<compile_context>
chip_gen: v7x
topology: tpu7x:2x2x1
jax: 0.10.2.dev20260603
libtpu: 0.0.44.dev20260713+nightly
codegen_flags: <defaults>
</compile_context>

<pallas_src>
import functools

import jax
import jax.numpy as jnp
from jax import lax
from jax.experimental import pallas as pl
from jax.experimental.pallas import tpu as pltpu
from jax.experimental.pallas import tpu_sc as plsc

G = 64
GA = 80
L = 128
S = 3
R = S * L
NC = 2
NS = 16
NW = NC * NS
TB = 1024
TC_FRAC = 0.35


def _sc_partial(x, batch, n0, n, d, nsg):
    mesh = plsc.VectorSubcoreMesh(
        core_axis_name="c", subcore_axis_name="s",
        num_cores=NC, num_subcores=NS)
    nfull, nrem = nsg // NW, nsg % NW
    nit = nfull + (1 if nrem else 0)
    pad = n0 + nsg * R - n
    assert pad % 16 == 0 and pad < R and nfull >= 1 and n - n0 >= R
    last_w, last_k = (nsg - 1) % NW, (nsg - 1) // NW

    @functools.partial(
        pl.kernel,
        out_type=jax.ShapeDtypeStruct((NC, GA, d), jnp.float32),
        mesh=mesh,
        scratch_types=[
            pltpu.VMEM((R, d), jnp.float32),
            pltpu.VMEM((R, d), jnp.float32),
            pltpu.VMEM((S, L), jnp.int32),
            pltpu.VMEM((S, L), jnp.int32),
            pltpu.VMEM((GA, d), jnp.float32),
            pltpu.VMEM_SHARED((GA, d), jnp.float32),
            pltpu.SemaphoreType.DMA,
            pltpu.SemaphoreType.DMA,
            pltpu.SemaphoreType.DMA,
            pltpu.SemaphoreType.DMA,
            pltpu.SemaphoreType.DMA,
            pltpu.SemaphoreType.DMA,
        ],
    )
    def k(x_hbm, b_hbm, psum_hbm,
          xbuf0, xbuf1, ibuf0, ibuf1, outv, acc_sh,
          semx0, semx1, semi0, semi1, sems0, sems1):
        c = lax.axis_index("c")
        s = lax.axis_index("s")
        wid = s * NC + c
        xbufs, ibufs = (xbuf0, xbuf1), (ibuf0, ibuf1)
        semx, semi, sems = (semx0, semx1), (semi0, semi1), (sems0, sems1)

        def load_descs(kk):
            b = kk & 1
            t = wid + kk * NW
            base = jnp.minimum(n0 + t * R, n - R)
            descs = [pltpu.make_async_copy(
                x_hbm.at[pl.ds(base, R)], xbufs[b], semx[b])]
            for j in range(S):
                descs.append(pltpu.make_async_copy(
                    b_hbm.at[pl.ds(base + j * L, L)], ibufs[b].at[j], semi[b]))
            return descs

        def issue_loads(kk):
            for dsc in load_descs(kk):
                dsc.start()

        def wait_loads(kk):
            for dsc in load_descs(kk):
                dsc.wait()

        def scatter_descs(kk):
            b = kk & 1
            return [pltpu.make_async_copy(
                        xbufs[b].at[pl.ds(j * L, L)],
                        acc_sh.at[ibufs[b].at[j]], sems[b])
                    for j in range(S)]

        zero16 = jnp.zeros((16,), jnp.float32)
        dummy16 = jnp.full((16,), G, jnp.int32)

        def fix_pad(kk):
            b = kk & 1
            if pad and kk == last_k:
                @pl.when(wid == last_w)
                def _():
                    for e in range(pad // 16):
                        ibufs[b][e // (L // 16),
                                 pl.ds((e % (L // 16)) * 16, 16)] = dummy16

        issue_loads(0)

        @pl.when(s == 0)
        def _():
            def zrow(r_, carry):
                for f in range(d // 16):
                    outv[r_, pl.ds(f * 16, 16)] = zero16
                return carry
            lax.fori_loop(0, GA, zrow, 0)
            pltpu.sync_copy(outv, acc_sh)
        plsc.subcore_barrier()

        for kk in range(nit):
            guarded = nrem and kk == nfull
            if kk >= 1:
                for dsc in scatter_descs(kk - 1):
                    dsc.wait()
            if guarded:
                @pl.when(wid < nrem)
                def _(kk=kk):
                    wait_loads(kk)
                    fix_pad(kk)
                    for dsc in scatter_descs(kk):
                        dsc.start(add=True)
            else:
                wait_loads(kk)
                fix_pad(kk)
                for dsc in scatter_descs(kk):
                    dsc.start(add=True)
                if kk + 1 < nit:
                    if nrem and kk + 1 == nfull:
                        @pl.when(wid < nrem)
                        def _(kk=kk):
                            issue_loads(kk + 1)
                    else:
                        issue_loads(kk + 1)
        if nrem:
            @pl.when(wid < nrem)
            def _():
                for dsc in scatter_descs(nit - 1):
                    dsc.wait()
        else:
            for dsc in scatter_descs(nit - 1):
                dsc.wait()
        plsc.subcore_barrier()

        @pl.when(s == 0)
        def _():
            pltpu.sync_copy(acc_sh, outv)
            pltpu.sync_copy(outv, psum_hbm.at[c])

    return k(x, batch)


def _tc_segsum(x, b2, m, d):
    def body(b_ref, x_ref, o_ref, acc):
        i = pl.program_id(0)

        @pl.when(i == 0)
        def _():
            acc[...] = jnp.zeros_like(acc)

        mask = (lax.broadcasted_iota(jnp.int32, (G, TB), 0)
                == b_ref[0]).astype(jnp.bfloat16)
        acc[...] += jnp.dot(mask, x_ref[...].astype(jnp.bfloat16),
                            preferred_element_type=jnp.float32)

        @pl.when(i == m - 1)
        def _():
            o_ref[...] = acc[...]

    return pl.pallas_call(
        body,
        grid=(m,),
        in_specs=[pl.BlockSpec((1, 1, TB), lambda i: (i, 0, 0)),
                  pl.BlockSpec((TB, d), lambda i: (i, 0))],
        out_specs=pl.BlockSpec((G, d), lambda i: (0, 0)),
        out_shape=jax.ShapeDtypeStruct((G, d), jnp.float32),
        scratch_shapes=[pltpu.VMEM((G, d), jnp.float32)],
    )(b2, x)


def _count_tc(bp):
    def body(b_ref, o_ref):
        b2 = b_ref[...]
        per_lane = [jnp.sum(jnp.where(b2 == g, 1.0, 0.0), axis=0)
                    for g in range(G)]
        o_ref[...] = jnp.sum(jnp.stack(per_lane, axis=0), axis=1,
                             keepdims=True)

    return pl.pallas_call(
        body,
        out_shape=jax.ShapeDtypeStruct((G, 1), jnp.float32),
    )(bp)


def _finalize(psum, tsum, cnt, d):
    def body(ps_ref, ts_ref, c_ref, o_ref):
        sums = ps_ref[0, :G, :] + ps_ref[1, :G, :] + ts_ref[...]
        o_ref[...] = sums / jnp.maximum(c_ref[...], 1.0)

    return pl.pallas_call(
        body,
        out_shape=jax.ShapeDtypeStruct((G, d), jnp.float32),
    )(psum, tsum, cnt)


def kernel(x, edge_index, batch):
    n, d = x.shape
    m = int(n * TC_FRAC) // TB
    n0 = m * TB
    nsg = (n - n0 + R - 1) // R
    ng = (n + L - 1) // L
    bp = jnp.concatenate(
        [batch, jnp.full((ng * L - n,), G, jnp.int32)]).reshape(ng, L)
    b2 = batch[:n0].reshape(m, 1, TB)
    psum = _sc_partial(x, batch, n0, n, d, nsg)
    tsum = _tc_segsum(x, b2, m, d)
    cnt = _count_tc(bp)
    return _finalize(psum, tsum, cnt, d)

# --- scband reference (transcript-rebuilt; emitter-appended) ---
"""Pipeline reference for scband-pool-7481833029726 (READ-ONLY COPY).

The authoritative reference and input builder live on the scoring server;
editing this copy changes nothing except your own understanding.
"""

import jax, jax.numpy as jnp
import numpy as np

NUM_GRAPHS = 64

def setup_inputs(seed: int = 0) -> dict:
    key = jax.random.key(seed)
    k1, k2, k3 = jax.random.split(key, 3)
    x = jax.random.normal(k1, (100000, 128), dtype=jnp.float32)
    edge_index = jax.random.randint(k2, (2, 1600000), 0, 100000, dtype=jnp.int32)
    batch = jnp.sort(jax.random.randint(k3, (100000,), 0, NUM_GRAPHS, dtype=jnp.int32))
    return {"x": x, "edge_index": edge_index, "batch": batch}

def reference(x, edge_index, batch):
    # Pool(type='mean_pool') -> global_mean_pool(x, batch); edge_index is unused for mean pooling
    sums = jax.ops.segment_sum(x, batch, num_segments=NUM_GRAPHS)
    counts = jax.ops.segment_sum(jnp.ones((x.shape[0], 1), dtype=x.dtype), batch, num_segments=NUM_GRAPHS)
    return sums / jnp.maximum(counts, 1.0)

if __name__ == "__main__":
    import jax
    _d = setup_inputs()
    print(jax.jit(kernel)(*tuple(_d.values())))

</pallas_src>

<mosaic_0001>
#map = affine_map<(d0, d1) -> (0, 0)>
#map1 = affine_map<(d0, d1) -> (0)>
#map2 = affine_map<(d0, d1) -> (0, 0, 0)>
module attributes {stable_mosaic.version = 14 : i64} {
  func.func @k(%arg0: i32, %arg1: i32, %arg2: memref<100000x128xf32, #tpu.memory_space<hbm>>, %arg3: memref<100000xi32, #tpu.memory_space<hbm>>, %arg4: memref<2x80x128xf32, #tpu.memory_space<hbm>>, %arg5: memref<384x128xf32, #tpu.memory_space<vmem>>, %arg6: memref<384x128xf32, #tpu.memory_space<vmem>>, %arg7: memref<3x128xi32, #tpu.memory_space<vmem>>, %arg8: memref<3x128xi32, #tpu.memory_space<vmem>>, %arg9: memref<80x128xf32, #tpu.memory_space<vmem>>, %arg10: memref<80x128xf32, #tpu.memory_space<vmem_shared>>, %arg11: memref<!tpu.dma_semaphore, #tpu.memory_space<semaphore_mem>>, %arg12: memref<!tpu.dma_semaphore, #tpu.memory_space<semaphore_mem>>, %arg13: memref<!tpu.dma_semaphore, #tpu.memory_space<semaphore_mem>>, %arg14: memref<!tpu.dma_semaphore, #tpu.memory_space<semaphore_mem>>, %arg15: memref<!tpu.dma_semaphore, #tpu.memory_space<semaphore_mem>>, %arg16: memref<!tpu.dma_semaphore, #tpu.memory_space<semaphore_mem>>) attributes {dimension_semantics = [#tpu.dimension_semantics<core_parallel>, #tpu.dimension_semantics<subcore_parallel>], iteration_bounds = array<i64: 2, 16>, scalar_prefetch = 0 : i64, scratch_operands = 12 : i64, tpu.core_type = #tpu.core_type<sc_vector_subcore>, window_params = [{transform_indices = #map}, {transform_indices = #map1}, {transform_indices = #map2}]} {
    %mul3A = arith.constant 2 : i32
    %mul3A_0 = arith.muli %arg1, %mul3A : i32
    %add3A = arith.addi %mul3A_0, %arg0 : i32
    %broadcast_in_dim3A = arith.constant 0.000000e+00 : f32
    %broadcast_in_dim3A_1 = vector.broadcast %broadcast_in_dim3A : f32 to vector<16xf32>
    %broadcast_in_dim3A_2 = arith.constant 64 : i32
    %broadcast_in_dim3A_3 = vector.broadcast %broadcast_in_dim3A_2 : i32 to vector<16xi32>
    %add3A_4 = arith.constant 0 : i32
    %add3A_5 = arith.addi %add3A, %add3A_4 : i32
    %mul3A_6 = arith.constant 384 : i32
    %mul3A_7 = arith.muli %add3A_5, %mul3A_6 : i32
    %add3A_8 = arith.constant 34816 : i32
    %add3A_9 = arith.addi %add3A_8, %mul3A_7 : i32
    %min3A = arith.constant 99616 : i32
    %min3A_10 = arith.minsi %add3A_9, %min3A : i32
    %add3A_11 = arith.constant 0 : i32
    %add3A_12 = arith.addi %min3A_10, %add3A_11 : i32
    %add3A_13 = arith.constant 128 : i32
    %add3A_14 = arith.addi %min3A_10, %add3A_13 : i32
    %add3A_15 = arith.constant 256 : i32
    %add3A_16 = arith.addi %min3A_10, %add3A_15 : i32
    %dma_start3A = arith.constant 0 : i32
    %dma_start3A_17 = tpu.memref_slice %arg2[%min3A_10, %dma_start3A] : memref<100000x128xf32, #tpu.memory_space<hbm>> -> memref<384x128xf32, #tpu.memory_space<hbm>>
    %dma_start3A_18 = arith.constant 0 : i32
    %dma_start3A_19 = tpu.memref_slice %arg2[%min3A_10, %dma_start3A_18] : memref<100000x128xf32, #tpu.memory_space<hbm>> -> memref<384x128xf32, #tpu.memory_space<hbm>>
    tpu.enqueue_dma source(%dma_start3A_19 : memref<384x128xf32, #tpu.memory_space<hbm>>) target(%arg5 : memref<384x128xf32, #tpu.memory_space<vmem>>) target_semaphore(%arg11 : memref<!tpu.dma_semaphore, #tpu.memory_space<semaphore_mem>>)
    %dma_start3A_20 = arith.constant 0 : i32
    %dma_start3A_21 = arith.constant 0 : i32
    %dma_start3A_22 = tpu.memref_slice %arg7[%dma_start3A_20, %dma_start3A_21] : memref<3x128xi32, #tpu.memory_space<vmem>> -> memref<1x128xi32, #tpu.memory_space<vmem>>
    %dma_start3A_23 = tpu.memref_squeeze %dma_start3A_22 : memref<1x128xi32, #tpu.memory_space<vmem>> -> memref<128xi32, #tpu.memory_space<vmem>>
    %dma_start3A_24 = tpu.memref_slice %arg3[%add3A_12] : memref<100000xi32, #tpu.memory_space<hbm>> -> memref<128xi32, #tpu.memory_space<hbm>>
    %dma_start3A_25 = arith.constant 0 : i32
    %dma_start3A_26 = tpu.memref_slice %arg7[%dma_start3A_20, %dma_start3A_25] : memref<3x128xi32, #tpu.memory_space<vmem>> -> memref<1x128xi32, #tpu.memory_space<vmem>>
    %dma_start3A_27 = tpu.memref_squeeze %dma_start3A_26 : memref<1x128xi32, #tpu.memory_space<vmem>> -> memref<128xi32, #tpu.memory_space<vmem>>
    %dma_start3A_28 = tpu.memref_slice %arg3[%add3A_12] : memref<100000xi32, #tpu.memory_space<hbm>> -> memref<128xi32, #tpu.memory_space<hbm>>
    tpu.enqueue_dma source(%dma_start3A_28 : memref<128xi32, #tpu.memory_space<hbm>>) target(%dma_start3A_27 : memref<128xi32, #tpu.memory_space<vmem>>) target_semaphore(%arg13 : memref<!tpu.dma_semaphore, #tpu.memory_space<semaphore_mem>>)
    %dma_start3A_29 = arith.constant 1 : i32
    %dma_start3A_30 = arith.constant 0 : i32
    %dma_start3A_31 = tpu.memref_slice %arg7[%dma_start3A_29, %dma_start3A_30] : memref<3x128xi32, #tpu.memory_space<vmem>> -> memref<1x128xi32, #tpu.memory_space<vmem>>
    %dma_start3A_32 = tpu.memref_squeeze %dma_start3A_31 : memref<1x128xi32, #tpu.memory_space<vmem>> -> memref<128xi32, #tpu.memory_space<vmem>>
    %dma_start3A_33 = tpu.memref_slice %arg3[%add3A_14] : memref<100000xi32, #tpu.memory_space<hbm>> -> memref<128xi32, #tpu.memory_space<hbm>>
    %dma_start3A_34 = arith.constant 0 : i32
    %dma_start3A_35 = tpu.memref_slice %arg7[%dma_start3A_29, %dma_start3A_34] : memref<3x128xi32, #tpu.memory_space<vmem>> -> memref<1x128xi32, #tpu.memory_space<vmem>>
    %dma_start3A_36 = tpu.memref_squeeze %dma_start3A_35 : memref<1x128xi32, #tpu.memory_space<vmem>> -> memref<128xi32, #tpu.memory_space<vmem>>
    %dma_start3A_37 = tpu.memref_slice %arg3[%add3A_14] : memref<100000xi32, #tpu.memory_space<hbm>> -> memref<128xi32, #tpu.memory_space<hbm>>
    tpu.enqueue_dma source(%dma_start3A_37 : memref<128xi32, #tpu.memory_space<hbm>>) target(%dma_start3A_36 : memref<128xi32, #tpu.memory_space<vmem>>) target_semaphore(%arg13 : memref<!tpu.dma_semaphore, #tpu.memory_space<semaphore_mem>>)
    %dma_start3A_38 = arith.constant 2 : i32
    %dma_start3A_39 = arith.constant 0 : i32
    %dma_start3A_40 = tpu.memref_slice %arg7[%dma_start3A_38, %dma_start3A_39] : memref<3x128xi32, #tpu.memory_space<vmem>> -> memref<1x128xi32, #tpu.memory_space<vmem>>
    %dma_start3A_41 = tpu.memref_squeeze %dma_start3A_40 : memref<1x128xi32, #tpu.memory_space<vmem>> -> memref<128xi32, #tpu.memory_space<vmem>>
    %dma_start3A_42 = tpu.memref_slice %arg3[%add3A_16] : memref<100000xi32, #tpu.memory_space<hbm>> -> memref<128xi32, #tpu.memory_space<hbm>>
    %dma_start3A_43 = arith.constant 0 : i32
    %dma_start3A_44 = tpu.memref_slice %arg7[%dma_start3A_38, %dma_start3A_43] : memref<3x128xi32, #tpu.memory_space<vmem>> -> memref<1x128xi32, #tpu.memory_space<vmem>>
    %dma_start3A_45 = tpu.memref_squeeze %dma_start3A_44 : memref<1x128xi32, #tpu.memory_space<vmem>> -> memref<128xi32, #tpu.memory_space<vmem>>
    %dma_start3A_46 = tpu.memref_slice %arg3[%add3A_16] : memref<100000xi32, #tpu.memory_space<hbm>> -> memref<128xi32, #tpu.memory_space<hbm>>
    tpu.enqueue_dma source(%dma_start3A_46 : memref<128xi32, #tpu.memory_space<hbm>>) target(%dma_start3A_45 : memref<128xi32, #tpu.memory_space<vmem>>) target_semaphore(%arg13 : memref<!tpu.dma_semaphore, #tpu.memory_space<semaphore_mem>>)
    %eq3A = arith.constant 0 : i32
    %eq3A_47 = arith.cmpi eq, %arg1, %eq3A : i32
    %convert_element_type3A = arith.extui %eq3A_47 : i1 to i32
    %cond3A = arith.constant 0 : i32
    %cond3A_48 = arith.cmpi ne, %convert_element_type3A, %cond3A : i32
    scf.if %cond3A_48 {
      %scan3A = arith.constant 0 : i32
      %scan3A_773 = arith.constant 0 : i32
      %scan3A_774 = arith.constant 80 : i32
      %scan3A_775 = arith.addi %scan3A_773, %scan3A_774 : i32
      %scan3A_776 = arith.constant 1 : i32
      scf.for %scan3A_778 = %scan3A_773 to %scan3A_775 step %scan3A_776  : i32 {
        %swap3A = arith.index_cast %scan3A_778 : i32 to index
        %swap3A_779 = arith.constant 0 : index
        %swap3A_780 = tpu.vector_load %arg9[%swap3A, %swap3A_779] {strides = array<i32>} : memref<80x128xf32, #tpu.memory_space<vmem>>, vector<1x16xf32>,
        %swap3A_781 = vector.shape_cast %swap3A_780 : vector<1x16xf32> to vector<16xf32>
        %swap3A_782 = vector.shape_cast %broadcast_in_dim3A_1 : vector<16xf32> to vector<1x16xf32>
        tpu.vector_store %arg9[%swap3A, %swap3A_779], %swap3A_782 {strides = array<i32>} : memref<80x128xf32, #tpu.memory_space<vmem>>, vector<1x16xf32>,
        %swap3A_783 = arith.index_cast %scan3A_778 : i32 to index
        %swap3A_784 = arith.constant 16 : index
        %swap3A_785 = tpu.vector_load %arg9[%swap3A_783, %swap3A_784] {strides = array<i32>} : memref<80x128xf32, #tpu.memory_space<vmem>>, vector<1x16xf32>,
        %swap3A_786 = vector.shape_cast %swap3A_785 : vector<1x16xf32> to vector<16xf32>
        %swap3A_787 = vector.shape_cast %broadcast_in_dim3A_1 : vector<16xf32> to vector<1x16xf32>
        tpu.vector_store %arg9[%swap3A_783, %swap3A_784], %swap3A_787 {strides = array<i32>} : memref<80x128xf32, #tpu.memory_space<vmem>>, vector<1x16xf32>,
        %swap3A_788 = arith.index_cast %scan3A_778 : i32 to index
        %swap3A_789 = arith.constant 32 : index
        %swap3A_790 = tpu.vector_load %arg9[%swap3A_788, %swap3A_789] {strides = array<i32>} : memref<80x128xf32, #tpu.memory_space<vmem>>, vector<1x16xf32>,
        %swap3A_791 = vector.shape_cast %swap3A_790 : vector<1x16xf32> to vector<16xf32>
        %swap3A_792 = vector.shape_cast %broadcast_in_dim3A_1 : vector<16xf32> to vector<1x16xf32>
        tpu.vector_store %arg9[%swap3A_788, %swap3A_789], %swap3A_792 {strides = array<i32>} : memref<80x128xf32, #tpu.memory_space<vmem>>, vector<1x16xf32>,
        %swap3A_793 = arith.index_cast %scan3A_778 : i32 to index
        %swap3A_794 = arith.constant 48 : index
        %swap3A_795 = tpu.vector_load %arg9[%swap3A_793, %swap3A_794] {strides = array<i32>} : memref<80x128xf32, #tpu.memory_space<vmem>>, vector<1x16xf32>,
        %swap3A_796 = vector.shape_cast %swap3A_795 : vector<1x16xf32> to vector<16xf32>
        %swap3A_797 = vector.shape_cast %broadcast_in_dim3A_1 : vector<16xf32> to vector<1x16xf32>
        tpu.vector_store %arg9[%swap3A_793, %swap3A_794], %swap3A_797 {strides = array<i32>} : memref<80x128xf32, #tpu.memory_space<vmem>>, vector<1x16xf32>,
        %swap3A_798 = arith.index_cast %scan3A_778 : i32 to index
        %swap3A_799 = arith.constant 64 : index
        %swap3A_800 = tpu.vector_load %arg9[%swap3A_798, %swap3A_799] {strides = array<i32>} : memref<80x128xf32, #tpu.memory_space<vmem>>, vector<1x16xf32>,
        %swap3A_801 = vector.shape_cast %swap3A_800 : vector<1x16xf32> to vector<16xf32>
        %swap3A_802 = vector.shape_cast %broadcast_in_dim3A_1 : vector<16xf32> to vector<1x16xf32>
        tpu.vector_store %arg9[%swap3A_798, %swap3A_799], %swap3A_802 {strides = array<i32>} : memref<80x128xf32, #tpu.memory_space<vmem>>, vector<1x16xf32>,
        %swap3A_803 = arith.index_cast %scan3A_778 : i32 to index
        %swap3A_804 = arith.constant 80 : index
        %swap3A_805 = tpu.vector_load %arg9[%swap3A_803, %swap3A_804] {strides = array<i32>} : memref<80x128xf32, #tpu.memory_space<vmem>>, vector<1x16xf32>,
        %swap3A_806 = vector.shape_cast %swap3A_805 : vector<1x16xf32> to vector<16xf32>
        %swap3A_807 = vector.shape_cast %broadcast_in_dim3A_1 : vector<16xf32> to vector<1x16xf32>
        tpu.vector_store %arg9[%swap3A_803, %swap3A_804], %swap3A_807 {strides = array<i32>} : memref<80x128xf32, #tpu.memory_space<vmem>>, vector<1x16xf32>,
        %swap3A_808 = arith.index_cast %scan3A_778 : i32 to index
        %swap3A_809 = arith.constant 96 : index
        %swap3A_810 = tpu.vector_load %arg9[%swap3A_808, %swap3A_809] {strides = array<i32>} : memref<80x128xf32, #tpu.memory_space<vmem>>, vector<1x16xf32>,
        %swap3A_811 = vector.shape_cast %swap3A_810 : vector<1x16xf32> to vector<16xf32>
        %swap3A_812 = vector.shape_cast %broadcast_in_dim3A_1 : vector<16xf32> to vector<1x16xf32>
        tpu.vector_store %arg9[%swap3A_808, %swap3A_809], %swap3A_812 {strides = array<i32>} : memref<80x128xf32, #tpu.memory_space<vmem>>, vector<1x16xf32>,
        %swap3A_813 = arith.index_cast %scan3A_778 : i32 to index
        %swap3A_814 = arith.constant 112 : index
        %swap3A_815 = tpu.vector_load %arg9[%swap3A_813, %swap3A_814] {strides = array<i32>} : memref<80x128xf32, #tpu.memory_space<vmem>>, vector<1x16xf32>,
        %swap3A_816 = vector.shape_cast %swap3A_815 : vector<1x16xf32> to vector<16xf32>
        %swap3A_817 = vector.shape_cast %broadcast_in_dim3A_1 : vector<16xf32> to vector<1x16xf32>
        tpu.vector_store %arg9[%swap3A_813, %swap3A_814], %swap3A_817 {strides = array<i32>} : memref<80x128xf32, #tpu.memory_space<vmem>>, vector<1x16xf32>,
      }
      %scan3A_777 = arith.constant 80 : i32
      "tpu.region"() ({
        %run_scoped3A = tpu.sem_alloc : memref<!tpu.dma_semaphore, #tpu.memory_space<semaphore_mem>>
        tpu.enqueue_dma source(%arg9 : memref<80x128xf32, #tpu.memory_space<vmem>>) target(%arg10 : memref<80x128xf32, #tpu.memory_space<vmem_shared>>) target_semaphore(%run_scoped3A : memref<!tpu.dma_semaphore, #tpu.memory_space<semaphore_mem>>)
        tpu.wait_dma2 semaphore(%run_scoped3A : memref<!tpu.dma_semaphore, #tpu.memory_space<semaphore_mem>>) src(%arg9 : memref<80x128xf32, #tpu.memory_space<vmem>>) dst(%arg10 : memref<80x128xf32, #tpu.memory_space<vmem_shared>>)
        tpu.yield
      }) : () -> ()
    } else {
    }
    %barrier3A = arith.constant 0 : index
    tpu.barrier barrier_id(%barrier3A)
    %add3A_49 = arith.constant 0 : i32
    %add3A_50 = arith.addi %add3A, %add3A_49 : i32
    %mul3A_51 = arith.constant 384 : i32
    %mul3A_52 = arith.muli %add3A_50, %mul3A_51 : i32
    %add3A_53 = arith.constant 34816 : i32
    %add3A_54 = arith.addi %add3A_53, %mul3A_52 : i32
    %min3A_55 = arith.constant 99616 : i32
    %min3A_56 = arith.minsi %add3A_54, %min3A_55 : i32
    %add3A_57 = arith.constant 0 : i32
    %add3A_58 = arith.addi %min3A_56, %add3A_57 : i32
    %add3A_59 = arith.constant 128 : i32
    %add3A_60 = arith.addi %min3A_56, %add3A_59 : i32
    %add3A_61 = arith.constant 256 : i32
    %add3A_62 = arith.addi %min3A_56, %add3A_61 : i32
    %dma_wait3A = arith.constant 0 : i32
    %dma_wait3A_63 = tpu.memref_slice %arg2[%min3A_56, %dma_wait3A] : memref<100000x128xf32, #tpu.memory_space<hbm>> -> memref<384x128xf32, #tpu.memory_space<hbm>>
    %dma_wait3A_64 = arith.constant 0 : i32
    %dma_wait3A_65 = tpu.memref_slice %arg2[%min3A_56, %dma_wait3A_64] : memref<100000x128xf32, #tpu.memory_space<hbm>> -> memref<384x128xf32, #tpu.memory_space<hbm>>
    tpu.wait_dma2 semaphore(%arg11 : memref<!tpu.dma_semaphore, #tpu.memory_space<semaphore_mem>>) src(%dma_wait3A_65 : memref<384x128xf32, #tpu.memory_space<hbm>>) dst(%arg5 : memref<384x128xf32, #tpu.memory_space<vmem>>)
    %dma_wait3A_66 = arith.constant 0 : i32
    %dma_wait3A_67 = arith.constant 0 : i32
    %dma_wait3A_68 = tpu.memref_slice %arg7[%dma_wait3A_66, %dma_wait3A_67] : memref<3x128xi32, #tpu.memory_space<vmem>> -> memref<1x128xi32, #tpu.memory_space<vmem>>
    %dma_wait3A_69 = tpu.memref_squeeze %dma_wait3A_68 : memref<1x128xi32, #tpu.memory_space<vmem>> -> memref<128xi32, #tpu.memory_space<vmem>>
    %dma_wait3A_70 = tpu.memref_slice %arg3[%add3A_58] : memref<100000xi32, #tpu.memory_space<hbm>> -> memref<128xi32, #tpu.memory_space<hbm>>
    %dma_wait3A_71 = arith.constant 0 : i32
    %dma_wait3A_72 = tpu.memref_slice %arg7[%dma_wait3A_66, %dma_wait3A_71] : memref<3x128xi32, #tpu.memory_space<vmem>> -> memref<1x128xi32, #tpu.memory_space<vmem>>
    %dma_wait3A_73 = tpu.memref_squeeze %dma_wait3A_72 : memref<1x128xi32, #tpu.memory_space<vmem>> -> memref<128xi32, #tpu.memory_space<vmem>>
    %dma_wait3A_74 = tpu.memref_slice %arg3[%add3A_58] : memref<100000xi32, #tpu.memory_space<hbm>> -> memref<128xi32, #tpu.memory_space<hbm>>
    tpu.wait_dma2 semaphore(%arg13 : memref<!tpu.dma_semaphore, #tpu.memory_space<semaphore_mem>>) src(%dma_wait3A_74 : memref<128xi32, #tpu.memory_space<hbm>>) dst(%dma_wait3A_73 : memref<128xi32, #tpu.memory_space<vmem>>)
    %dma_wait3A_75 = arith.constant 1 : i32
    %dma_wait3A_76 = arith.constant 0 : i32
    %dma_wait3A_77 = tpu.memref_slice %arg7[%dma_wait3A_75, %dma_wait3A_76] : memref<3x128xi32, #tpu.memory_space<vmem>> -> memref<1x128xi32, #tpu.memory_space<vmem>>
    %dma_wait3A_78 = tpu.memref_squeeze %dma_wait3A_77 : memref<1x128xi32, #tpu.memory_space<vmem>> -> memref<128xi32, #tpu.memory_space<vmem>>
    %dma_wait3A_79 = tpu.memref_slice %arg3[%add3A_60] : memref<100000xi32, #tpu.memory_space<hbm>> -> memref<128xi32, #tpu.memory_space<hbm>>
    %dma_wait3A_80 = arith.constant 0 : i32
    %dma_wait3A_81 = tpu.memref_slice %arg7[%dma_wait3A_75, %dma_wait3A_80] : memref<3x128xi32, #tpu.memory_space<vmem>> -> memref<1x128xi32, #tpu.memory_space<vmem>>
    %dma_wait3A_82 = tpu.memref_squeeze %dma_wait3A_81 : memref<1x128xi32, #tpu.memory_space<vmem>> -> memref<128xi32, #tpu.memory_space<vmem>>
    %dma_wait3A_83 = tpu.memref_slice %arg3[%add3A_60] : memref<100000xi32, #tpu.memory_space<hbm>> -> memref<128xi32, #tpu.memory_space<hbm>>
    tpu.wait_dma2 semaphore(%arg13 : memref<!tpu.dma_semaphore, #tpu.memory_space<semaphore_mem>>) src(%dma_wait3A_83 : memref<128xi32, #tpu.memory_space<hbm>>) dst(%dma_wait3A_82 : memref<128xi32, #tpu.memory_space<vmem>>)
    %dma_wait3A_84 = arith.constant 2 : i32
    %dma_wait3A_85 = arith.constant 0 : i32
    %dma_wait3A_86 = tpu.memref_slice %arg7[%dma_wait3A_84, %dma_wait3A_85] : memref<3x128xi32, #tpu.memory_space<vmem>> -> memref<1x128xi32, #tpu.memory_space<vmem>>
    %dma_wait3A_87 = tpu.memref_squeeze %dma_wait3A_86 : memref<1x128xi32, #tpu.memory_space<vmem>> -> memref<128xi32, #tpu.memory_space<vmem>>
    %dma_wait3A_88 = tpu.memref_slice %arg3[%add3A_62] : memref<100000xi32, #tpu.memory_space<hbm>> -> memref<128xi32, #tpu.memory_space<hbm>>
    %dma_wait3A_89 = arith.constant 0 : i32
    %dma_wait3A_90 = tpu.memref_slice %arg7[%dma_wait3A_84, %dma_wait3A_89] : memref<3x128xi32, #tpu.memory_space<vmem>> -> memref<1x128xi32, #tpu.memory_space<vmem>>
    %dma_wait3A_91 = tpu.memref_squeeze %dma_wait3A_90 : memref<1x128xi32, #tpu.memory_space<vmem>> -> memref<128xi32, #tpu.memory_space<vmem>>
    %dma_wait3A_92 = tpu.memref_slice %arg3[%add3A_62] : memref<100000xi32, #tpu.memory_space<hbm>> -> memref<128xi32, #tpu.memory_space<hbm>>
    tpu.wait_dma2 semaphore(%arg13 : memref<!tpu.dma_semaphore, #tpu.memory_space<semaphore_mem>>) src(%dma_wait3A_92 : memref<128xi32, #tpu.memory_space<hbm>>) dst(%dma_wait3A_91 : memref<128xi32, #tpu.memory_space<vmem>>)
    %dma_start3A_93 = arith.constant 0 : i32
    %dma_start3A_94 = arith.constant 0 : i32
    %dma_start3A_95 = arith.constant 0 : i32
    %dma_start3A_96 = tpu.memref_slice %arg5[%dma_start3A_94, %dma_start3A_95] : memref<384x128xf32, #tpu.memory_space<vmem>> -> memref<128x128xf32, #tpu.memory_space<vmem>>
    %dma_start3A_97 = arith.constant 0 : i32
    %dma_start3A_98 = tpu.memref_slice %arg7[%dma_start3A_93, %dma_start3A_97] : memref<3x128xi32, #tpu.memory_space<vmem>> -> memref<1x128xi32, #tpu.memory_space<vmem>>
    %dma_start3A_99 = tpu.memref_squeeze %dma_start3A_98 : memref<1x128xi32, #tpu.memory_space<vmem>> -> memref<128xi32, #tpu.memory_space<vmem>>
    %dma_start3A_100 = arith.constant 0 : i32
    %dma_start3A_101 = arith.constant 0 : i32
    %dma_start3A_102 = tpu.memref_slice %arg10[%dma_start3A_100, %dma_start3A_101] : memref<80x128xf32, #tpu.memory_space<vmem_shared>> -> memref<80x128xf32, #tpu.memory_space<vmem_shared>>
    tpu.enqueue_indirect_dma source(%dma_start3A_96 : memref<128x128xf32, #tpu.memory_space<vmem>>) target(%dma_start3A_102 : memref<80x128xf32, #tpu.memory_space<vmem_shared>>) offsets(%dma_start3A_99 : memref<128xi32, #tpu.memory_space<vmem>>) semaphore(%arg15 : memref<!tpu.dma_semaphore, #tpu.memory_space<semaphore_mem>>) {add = true}
    %dma_start3A_103 = arith.constant 1 : i32
    %dma_start3A_104 = arith.constant 128 : i32
    %dma_start3A_105 = arith.constant 0 : i32
    %dma_start3A_106 = tpu.memref_slice %arg5[%dma_start3A_104, %dma_start3A_105] : memref<384x128xf32, #tpu.memory_space<vmem>> -> memref<128x128xf32, #tpu.memory_space<vmem>>
    %dma_start3A_107 = arith.constant 0 : i32
    %dma_start3A_108 = tpu.memref_slice %arg7[%dma_start3A_103, %dma_start3A_107] : memref<3x128xi32, #tpu.memory_space<vmem>> -> memref<1x128xi32, #tpu.memory_space<vmem>>
    %dma_start3A_109 = tpu.memref_squeeze %dma_start3A_108 : memref<1x128xi32, #tpu.memory_space<vmem>> -> memref<128xi32, #tpu.memory_space<vmem>>
    %dma_start3A_110 = arith.constant 0 : i32
    %dma_start3A_111 = arith.constant 0 : i32
    %dma_start3A_112 = tpu.memref_slice %arg10[%dma_start3A_110, %dma_start3A_111] : memref<80x128xf32, #tpu.memory_space<vmem_shared>> -> memref<80x128xf32, #tpu.memory_space<vmem_shared>>
    tpu.enqueue_indirect_dma source(%dma_start3A_106 : memref<128x128xf32, #tpu.memory_space<vmem>>) target(%dma_start3A_112 : memref<80x128xf32, #tpu.memory_space<vmem_shared>>) offsets(%dma_start3A_109 : memref<128xi32, #tpu.memory_space<vmem>>) semaphore(%arg15 : memref<!tpu.dma_semaphore, #tpu.memory_space<semaphore_mem>>) {add = true}
    %dma_start3A_113 = arith.constant 2 : i32
    %dma_start3A_114 = arith.constant 256 : i32
    %dma_start3A_115 = arith.constant 0 : i32
    %dma_start3A_116 = tpu.memref_slice %arg5[%dma_start3A_114, %dma_start3A_115] : memref<384x128xf32, #tpu.memory_space<vmem>> -> memref<128x128xf32, #tpu.memory_space<vmem>>
    %dma_start3A_117 = arith.constant 0 : i32
    %dma_start3A_118 = tpu.memref_slice %arg7[%dma_start3A_113, %dma_start3A_117] : memref<3x128xi32, #tpu.memory_space<vmem>> -> memref<1x128xi32, #tpu.memory_space<vmem>>
    %dma_start3A_119 = tpu.memref_squeeze %dma_start3A_118 : memref<1x128xi32, #tpu.memory_space<vmem>> -> memref<128xi32, #tpu.memory_space<vmem>>
    %dma_start3A_120 = arith.constant 0 : i32
    %dma_start3A_121 = arith.constant 0 : i32
    %dma_start3A_122 = tpu.memref_slice %arg10[%dma_start3A_120, %dma_start3A_121] : memref<80x128xf32, #tpu.memory_space<vmem_shared>> -> memref<80x128xf32, #tpu.memory_space<vmem_shared>>
    tpu.enqueue_indirect_dma source(%dma_start3A_116 : memref<128x128xf32, #tpu.memory_space<vmem>>) target(%dma_start3A_122 : memref<80x128xf32, #tpu.memory_space<vmem_shared>>) offsets(%dma_start3A_119 : memref<128xi32, #tpu.memory_space<vmem>>) semaphore(%arg15 : memref<!tpu.dma_semaphore, #tpu.memory_space<semaphore_mem>>) {add = true}
    %add3A_123 = arith.constant 32 : i32
    %add3A_124 = arith.addi %add3A, %add3A_123 : i32
    %mul3A_125 = arith.constant 384 : i32
    %mul3A_126 = arith.muli %add3A_124, %mul3A_125 : i32
    %add3A_127 = arith.constant 34816 : i32
    %add3A_128 = arith.addi %add3A_127, %mul3A_126 : i32
    %min3A_129 = arith.constant 99616 : i32
    %min3A_130 = arith.minsi %add3A_128, %min3A_129 : i32
    %add3A_131 = arith.constant 0 : i32
    %add3A_132 = arith.addi %min3A_130, %add3A_131 : i32
    %add3A_133 = arith.constant 128 : i32
    %add3A_134 = arith.addi %min3A_130, %add3A_133 : i32
    %add3A_135 = arith.constant 256 : i32
    %add3A_136 = arith.addi %min3A_130, %add3A_135 : i32
    %dma_start3A_137 = arith.constant 0 : i32
    %dma_start3A_138 = tpu.memref_slice %arg2[%min3A_130, %dma_start3A_137] : memref<100000x128xf32, #tpu.memory_space<hbm>> -> memref<384x128xf32, #tpu.memory_space<hbm>>
    %dma_start3A_139 = arith.constant 0 : i32
    %dma_start3A_140 = tpu.memref_slice %arg2[%min3A_130, %dma_start3A_139] : memref<100000x128xf32, #tpu.memory_space<hbm>> -> memref<384x128xf32, #tpu.memory_space<hbm>>
    tpu.enqueue_dma source(%dma_start3A_140 : memref<384x128xf32, #tpu.memory_space<hbm>>) target(%arg6 : memref<384x128xf32, #tpu.memory_space<vmem>>) target_semaphore(%arg12 : memref<!tpu.dma_semaphore, #tpu.memory_space<semaphore_mem>>)
    %dma_start3A_141 = arith.constant 0 : i32
    %dma_start3A_142 = arith.constant 0 : i32
    %dma_start3A_143 = tpu.memref_slice %arg8[%dma_start3A_141, %dma_start3A_142] : memref<3x128xi32, #tpu.memory_space<vmem>> -> memref<1x128xi32, #tpu.memory_space<vmem>>
    %dma_start3A_144 = tpu.memref_squeeze %dma_start3A_143 : memref<1x128xi32, #tpu.memory_space<vmem>> -> memref<128xi32, #tpu.memory_space<vmem>>
    %dma_start3A_145 = tpu.memref_slice %arg3[%add3A_132] : memref<100000xi32, #tpu.memory_space<hbm>> -> memref<128xi32, #tpu.memory_space<hbm>>
    %dma_start3A_146 = arith.constant 0 : i32
    %dma_start3A_147 = tpu.memref_slice %arg8[%dma_start3A_141, %dma_start3A_146] : memref<3x128xi32, #tpu.memory_space<vmem>> -> memref<1x128xi32, #tpu.memory_space<vmem>>
    %dma_start3A_148 = tpu.memref_squeeze %dma_start3A_147 : memref<1x128xi32, #tpu.memory_space<vmem>> -> memref<128xi32, #tpu.memory_space<vmem>>
    %dma_start3A_149 = tpu.memref_slice %arg3[%add3A_132] : memref<100000xi32, #tpu.memory_space<hbm>> -> memref<128xi32, #tpu.memory_space<hbm>>
    tpu.enqueue_dma source(%dma_start3A_149 : memref<128xi32, #tpu.memory_space<hbm>>) target(%dma_start3A_148 : memref<128xi32, #tpu.memory_space<vmem>>) target_semaphore(%arg14 : memref<!tpu.dma_semaphore, #tpu.memory_space<semaphore_mem>>)
    %dma_start3A_150 = arith.constant 1 : i32
    %dma_start3A_151 = arith.constant 0 : i32
    %dma_start3A_152 = tpu.memref_slice %arg8[%dma_start3A_150, %dma_start3A_151] : memref<3x128xi32, #tpu.memory_space<vmem>> -> memref<1x128xi32, #tpu.memory_space<vmem>>
    %dma_start3A_153 = tpu.memref_squeeze %dma_start3A_152 : memref<1x128xi32, #tpu.memory_space<vmem>> -> memref<128xi32, #tpu.memory_space<vmem>>
    %dma_start3A_154 = tpu.memref_slice %arg3[%add3A_134] : memref<100000xi32, #tpu.memory_space<hbm>> -> memref<128xi32, #tpu.memory_space<hbm>>
    %dma_start3A_155 = arith.constant 0 : i32
    %dma_start3A_156 = tpu.memref_slice %arg8[%dma_start3A_150, %dma_start3A_155] : memref<3x128xi32, #tpu.memory_space<vmem>> -> memref<1x128xi32, #tpu.memory_space<vmem>>
    %dma_start3A_157 = tpu.memref_squeeze %dma_start3A_156 : memref<1x128xi32, #tpu.memory_space<vmem>> -> memref<128xi32, #tpu.memory_space<vmem>>
    %dma_start3A_158 = tpu.memref_slice %arg3[%add3A_134] : memref<100000xi32, #tpu.memory_space<hbm>> -> memref<128xi32, #tpu.memory_space<hbm>>
    tpu.enqueue_dma source(%dma_start3A_158 : memref<128xi32, #tpu.memory_space<hbm>>) target(%dma_start3A_157 : memref<128xi32, #tpu.memory_space<vmem>>) target_semaphore(%arg14 : memref<!tpu.dma_semaphore, #tpu.memory_space<semaphore_mem>>)
    %dma_start3A_159 = arith.constant 2 : i32
    %dma_start3A_160 = arith.constant 0 : i32
    %dma_start3A_161 = tpu.memref_slice %arg8[%dma_start3A_159, %dma_start3A_160] : memref<3x128xi32, #tpu.memory_space<vmem>> -> memref<1x128xi32, #tpu.memory_space<vmem>>
    %dma_start3A_162 = tpu.memref_squeeze %dma_start3A_161 : memref<1x128xi32, #tpu.memory_space<vmem>> -> memref<128xi32, #tpu.memory_space<vmem>>
    %dma_start3A_163 = tpu.memref_slice %arg3[%add3A_136] : memref<100000xi32, #tpu.memory_space<hbm>> -> memref<128xi32, #tpu.memory_space<hbm>>
    %dma_start3A_164 = arith.constant 0 : i32
    %dma_start3A_165 = tpu.memref_slice %arg8[%dma_start3A_159, %dma_start3A_164] : memref<3x128xi32, #tpu.memory_space<vmem>> -> memref<1x128xi32, #tpu.memory_space<vmem>>
    %dma_start3A_166 = tpu.memref_squeeze %dma_start3A_165 : memref<1x128xi32, #tpu.memory_space<vmem>> -> memref<128xi32, #tpu.memory_space<vmem>>
    %dma_start3A_167 = tpu.memref_slice %arg3[%add3A_136] : memref<100000xi32, #tpu.memory_space<hbm>> -> memref<128xi32, #tpu.memory_space<hbm>>
    tpu.enqueue_dma source(%dma_start3A_167 : memref<128xi32, #tpu.memory_space<hbm>>) target(%dma_start3A_166 : memref<128xi32, #tpu.memory_space<vmem>>) target_semaphore(%arg14 : memref<!tpu.dma_semaphore, #tpu.memory_space<semaphore_mem>>)
    %dma_wait3A_168 = arith.constant 0 : i32
    %dma_wait3A_169 = arith.constant 0 : i32
    %dma_wait3A_170 = arith.constant 0 : i32
    %dma_wait3A_171 = tpu.memref_slice %arg5[%dma_wait3A_169, %dma_wait3A_170] : memref<384x128xf32, #tpu.memory_space<vmem>> -> memref<128x128xf32, #tpu.memory_space<vmem>>
    %dma_wait3A_172 = arith.constant 0 : i32
    %dma_wait3A_173 = tpu.memref_slice %arg7[%dma_wait3A_168, %dma_wait3A_172] : memref<3x128xi32, #tpu.memory_space<vmem>> -> memref<1x128xi32, #tpu.memory_space<vmem>>
    %dma_wait3A_174 = tpu.memref_squeeze %dma_wait3A_173 : memref<1x128xi32, #tpu.memory_space<vmem>> -> memref<128xi32, #tpu.memory_space<vmem>>
    %dma_wait3A_175 = arith.constant 0 : i32
    %dma_wait3A_176 = arith.constant 0 : i32
    %dma_wait3A_177 = tpu.memref_slice %arg10[%dma_wait3A_175, %dma_wait3A_176] : memref<80x128xf32, #tpu.memory_space<vmem_shared>> -> memref<80x128xf32, #tpu.memory_space<vmem_shared>>
    tpu.wait_indirect_dma semaphore(%arg15 : memref<!tpu.dma_semaphore, #tpu.memory_space<semaphore_mem>>) src(%dma_wait3A_171 : memref<128x128xf32, #tpu.memory_space<vmem>>) dst(%dma_wait3A_177 : memref<80x128xf32, #tpu.memory_space<vmem_shared>>)
    %dma_wait3A_178 = arith.constant 1 : i32
    %dma_wait3A_179 = arith.constant 128 : i32
    %dma_wait3A_180 = arith.constant 0 : i32
    %dma_wait3A_181 = tpu.memref_slice %arg5[%dma_wait3A_179, %dma_wait3A_180] : memref<384x128xf32, #tpu.memory_space<vmem>> -> memref<128x128xf32, #tpu.memory_space<vmem>>
    %dma_wait3A_182 = arith.constant 0 : i32
    %dma_wait3A_183 = tpu.memref_slice %arg7[%dma_wait3A_178, %dma_wait3A_182] : memref<3x128xi32, #tpu.memory_space<vmem>> -> memref<1x128xi32, #tpu.memory_space<vmem>>
    %dma_wait3A_184 = tpu.memref_squeeze %dma_wait3A_183 : memref<1x128xi32, #tpu.memory_space<vmem>> -> memref<128xi32, #tpu.memory_space<vmem>>
    %dma_wait3A_185 = arith.constant 0 : i32
    %dma_wait3A_186 = arith.constant 0 : i32
    %dma_wait3A_187 = tpu.memref_slice %arg10[%dma_wait3A_185, %dma_wait3A_186] : memref<80x128xf32, #tpu.memory_space<vmem_shared>> -> memref<80x128xf32, #tpu.memory_space<vmem_shared>>
    tpu.wait_indirect_dma semaphore(%arg15 : memref<!tpu.dma_semaphore, #tpu.memory_space<semaphore_mem>>) src(%dma_wait3A_181 : memref<128x128xf32, #tpu.memory_space<vmem>>) dst(%dma_wait3A_187 : memref<80x128xf32, #tpu.memory_space<vmem_shared>>)
    %dma_wait3A_188 = arith.constant 2 : i32
    %dma_wait3A_189 = arith.constant 256 : i32
    %dma_wait3A_190 = arith.constant 0 : i32
    %dma_wait3A_191 = tpu.memref_slice %arg5[%dma_wait3A_189, %dma_wait3A_190] : memref<384x128xf32, #tpu.memory_space<vmem>> -> memref<128x128xf32, #tpu.memory_space<vmem>>
    %dma_wait3A_192 = arith.constant 0 : i32
    %dma_wait3A_193 = tpu.memref_slice %arg7[%dma_wait3A_188, %dma_wait3A_192] : memref<3x128xi32, #tpu.memory_space<vmem>> -> memref<1x128xi32, #tpu.memory_space<vmem>>
    %dma_wait3A_194 = tpu.memref_squeeze %dma_wait3A_193 : memref<1x128xi32, #tpu.memory_space<vmem>> -> memref<128xi32, #tpu.memory_space<vmem>>
    %dma_wait3A_195 = arith.constant 0 : i32
    %dma_wait3A_196 = arith.constant 0 : i32
    %dma_wait3A_197 = tpu.memref_slice %arg10[%dma_wait3A_195, %dma_wait3A_196] : memref<80x128xf32, #tpu.memory_space<vmem_shared>> -> memref<80x128xf32, #tpu.memory_space<vmem_shared>>
    tpu.wait_indirect_dma semaphore(%arg15 : memref<!tpu.dma_semaphore, #tpu.memory_space<semaphore_mem>>) src(%dma_wait3A_191 : memref<128x128xf32, #tpu.memory_space<vmem>>) dst(%dma_wait3A_197 : memref<80x128xf32, #tpu.memory_space<vmem_shared>>)
    %add3A_198 = arith.constant 32 : i32
    %add3A_199 = arith.addi %add3A, %add3A_198 : i32
    %mul3A_200 = arith.constant 384 : i32
    %mul3A_201 = arith.muli %add3A_199, %mul3A_200 : i32
    %add3A_202 = arith.constant 34816 : i32
    %add3A_203 = arith.addi %add3A_202, %mul3A_201 : i32
    %min3A_204 = arith.constant 99616 : i32
    %min3A_205 = arith.minsi %add3A_203, %min3A_204 : i32
    %add3A_206 = arith.constant 0 : i32
    %add3A_207 = arith.addi %min3A_205, %add3A_206 : i32
    %add3A_208 = arith.constant 128 : i32
    %add3A_209 = arith.addi %min3A_205, %add3A_208 : i32
    %add3A_210 = arith.constant 256 : i32
    %add3A_211 = arith.addi %min3A_205, %add3A_210 : i32
    %dma_wait3A_212 = arith.constant 0 : i32
    %dma_wait3A_213 = tpu.memref_slice %arg2[%min3A_205, %dma_wait3A_212] : memref<100000x128xf32, #tpu.memory_space<hbm>> -> memref<384x128xf32, #tpu.memory_space<hbm>>
    %dma_wait3A_214 = arith.constant 0 : i32
    %dma_wait3A_215 = tpu.memref_slice %arg2[%min3A_205, %dma_wait3A_214] : memref<100000x128xf32, #tpu.memory_space<hbm>> -> memref<384x128xf32, #tpu.memory_space<hbm>>
    tpu.wait_dma2 semaphore(%arg12 : memref<!tpu.dma_semaphore, #tpu.memory_space<semaphore_mem>>) src(%dma_wait3A_215 : memref<384x128xf32, #tpu.memory_space<hbm>>) dst(%arg6 : memref<384x128xf32, #tpu.memory_space<vmem>>)
    %dma_wait3A_216 = arith.constant 0 : i32
    %dma_wait3A_217 = arith.constant 0 : i32
    %dma_wait3A_218 = tpu.memref_slice %arg8[%dma_wait3A_216, %dma_wait3A_217] : memref<3x128xi32, #tpu.memory_space<vmem>> -> memref<1x128xi32, #tpu.memory_space<vmem>>
    %dma_wait3A_219 = tpu.memref_squeeze %dma_wait3A_218 : memref<1x128xi32, #tpu.memory_space<vmem>> -> memref<128xi32, #tpu.memory_space<vmem>>
    %dma_wait3A_220 = tpu.memref_slice %arg3[%add3A_207] : memref<100000xi32, #tpu.memory_space<hbm>> -> memref<128xi32, #tpu.memory_space<hbm>>
    %dma_wait3A_221 = arith.constant 0 : i32
    %dma_wait3A_222 = tpu.memref_slice %arg8[%dma_wait3A_216, %dma_wait3A_221] : memref<3x128xi32, #tpu.memory_space<vmem>> -> memref<1x128xi32, #tpu.memory_space<vmem>>
    %dma_wait3A_223 = tpu.memref_squeeze %dma_wait3A_222 : memref<1x128xi32, #tpu.memory_space<vmem>> -> memref<128xi32, #tpu.memory_space<vmem>>
    %dma_wait3A_224 = tpu.memref_slice %arg3[%add3A_207] : memref<100000xi32, #tpu.memory_space<hbm>> -> memref<128xi32, #tpu.memory_space<hbm>>
    tpu.wait_dma2 semaphore(%arg14 : memref<!tpu.dma_semaphore, #tpu.memory_space<semaphore_mem>>) src(%dma_wait3A_224 : memref<128xi32, #tpu.memory_space<hbm>>) dst(%dma_wait3A_223 : memref<128xi32, #tpu.memory_space<vmem>>)
    %dma_wait3A_225 = arith.constant 1 : i32
    %dma_wait3A_226 = arith.constant 0 : i32
    %dma_wait3A_227 = tpu.memref_slice %arg8[%dma_wait3A_225, %dma_wait3A_226] : memref<3x128xi32, #tpu.memory_space<vmem>> -> memref<1x128xi32, #tpu.memory_space<vmem>>
    %dma_wait3A_228 = tpu.memref_squeeze %dma_wait3A_227 : memref<1x128xi32, #tpu.memory_space<vmem>> -> memref<128xi32, #tpu.memory_space<vmem>>
    %dma_wait3A_229 = tpu.memref_slice %arg3[%add3A_209] : memref<100000xi32, #tpu.memory_space<hbm>> -> memref<128xi32, #tpu.memory_space<hbm>>
    %dma_wait3A_230 = arith.constant 0 : i32
    %dma_wait3A_231 = tpu.memref_slice %arg8[%dma_wait3A_225, %dma_wait3A_230] : memref<3x128xi32, #tpu.memory_space<vmem>> -> memref<1x128xi32, #tpu.memory_space<vmem>>
    %dma_wait3A_232 = tpu.memref_squeeze %dma_wait3A_231 : memref<1x128xi32, #tpu.memory_space<vmem>> -> memref<128xi32, #tpu.memory_space<vmem>>
    %dma_wait3A_233 = tpu.memref_slice %arg3[%add3A_209] : memref<100000xi32, #tpu.memory_space<hbm>> -> memref<128xi32, #tpu.memory_space<hbm>>
    tpu.wait_dma2 semaphore(%arg14 : memref<!tpu.dma_semaphore, #tpu.memory_space<semaphore_mem>>) src(%dma_wait3A_233 : memref<128xi32, #tpu.memory_space<hbm>>) dst(%dma_wait3A_232 : memref<128xi32, #tpu.memory_space<vmem>>)
    %dma_wait3A_234 = arith.constant 2 : i32
    %dma_wait3A_235 = arith.constant 0 : i32
    %dma_wait3A_236 = tpu.memref_slice %arg8[%dma_wait3A_234, %dma_wait3A_235] : memref<3x128xi32, #tpu.memory_space<vmem>> -> memref<1x128xi32, #tpu.memory_space<vmem>>
    %dma_wait3A_237 = tpu.memref_squeeze %dma_wait3A_236 : memref<1x128xi32, #tpu.memory_space<vmem>> -> memref<128xi32, #tpu.memory_space<vmem>>
    %dma_wait3A_238 = tpu.memref_slice %arg3[%add3A_211] : memref<100000xi32, #tpu.memory_space<hbm>> -> memref<128xi32, #tpu.memory_space<hbm>>
    %dma_wait3A_239 = arith.constant 0 : i32
    %dma_wait3A_240 = tpu.memref_slice %arg8[%dma_wait3A_234, %dma_wait3A_239] : memref<3x128xi32, #tpu.memory_space<vmem>> -> memref<1x128xi32, #tpu.memory_space<vmem>>
    %dma_wait3A_241 = tpu.memref_squeeze %dma_wait3A_240 : memref<1x128xi32, #tpu.memory_space<vmem>> -> memref<128xi32, #tpu.memory_space<vmem>>
    %dma_wait3A_242 = tpu.memref_slice %arg3[%add3A_211] : memref<100000xi32, #tpu.memory_space<hbm>> -> memref<128xi32, #tpu.memory_space<hbm>>
    tpu.wait_dma2 semaphore(%arg14 : memref<!tpu.dma_semaphore, #tpu.memory_space<semaphore_mem>>) src(%dma_wait3A_242 : memref<128xi32, #tpu.memory_space<hbm>>) dst(%dma_wait3A_241 : memref<128xi32, #tpu.memory_space<vmem>>)
    %dma_start3A_243 = arith.constant 0 : i32
    %dma_start3A_244 = arith.constant 0 : i32
    %dma_start3A_245 = arith.constant 0 : i32
    %dma_start3A_246 = tpu.memref_slice %arg6[%dma_start3A_244, %dma_start3A_245] : memref<384x128xf32, #tpu.memory_space<vmem>> -> memref<128x128xf32, #tpu.memory_space<vmem>>
    %dma_start3A_247 = arith.constant 0 : i32
    %dma_start3A_248 = tpu.memref_slice %arg8[%dma_start3A_243, %dma_start3A_247] : memref<3x128xi32, #tpu.memory_space<vmem>> -> memref<1x128xi32, #tpu.memory_space<vmem>>
    %dma_start3A_249 = tpu.memref_squeeze %dma_start3A_248 : memref<1x128xi32, #tpu.memory_space<vmem>> -> memref<128xi32, #tpu.memory_space<vmem>>
    %dma_start3A_250 = arith.constant 0 : i32
    %dma_start3A_251 = arith.constant 0 : i32
    %dma_start3A_252 = tpu.memref_slice %arg10[%dma_start3A_250, %dma_start3A_251] : memref<80x128xf32, #tpu.memory_space<vmem_shared>> -> memref<80x128xf32, #tpu.memory_space<vmem_shared>>
    tpu.enqueue_indirect_dma source(%dma_start3A_246 : memref<128x128xf32, #tpu.memory_space<vmem>>) target(%dma_start3A_252 : memref<80x128xf32, #tpu.memory_space<vmem_shared>>) offsets(%dma_start3A_249 : memref<128xi32, #tpu.memory_space<vmem>>) semaphore(%arg16 : memref<!tpu.dma_semaphore, #tpu.memory_space<semaphore_mem>>) {add = true}
    %dma_start3A_253 = arith.constant 1 : i32
    %dma_start3A_254 = arith.constant 128 : i32
    %dma_start3A_255 = arith.constant 0 : i32
    %dma_start3A_256 = tpu.memref_slice %arg6[%dma_start3A_254, %dma_start3A_255] : memref<384x128xf32, #tpu.memory_space<vmem>> -> memref<128x128xf32, #tpu.memory_space<vmem>>
    %dma_start3A_257 = arith.constant 0 : i32
    %dma_start3A_258 = tpu.memref_slice %arg8[%dma_start3A_253, %dma_start3A_257] : memref<3x128xi32, #tpu.memory_space<vmem>> -> memref<1x128xi32, #tpu.memory_space<vmem>>
    %dma_start3A_259 = tpu.memref_squeeze %dma_start3A_258 : memref<1x128xi32, #tpu.memory_space<vmem>> -> memref<128xi32, #tpu.memory_space<vmem>>
    %dma_start3A_260 = arith.constant 0 : i32
    %dma_start3A_261 = arith.constant 0 : i32
    %dma_start3A_262 = tpu.memref_slice %arg10[%dma_start3A_260, %dma_start3A_261] : memref<80x128xf32, #tpu.memory_space<vmem_shared>> -> memref<80x128xf32, #tpu.memory_space<vmem_shared>>
    tpu.enqueue_indirect_dma source(%dma_start3A_256 : memref<128x128xf32, #tpu.memory_space<vmem>>) target(%dma_start3A_262 : memref<80x128xf32, #tpu.memory_space<vmem_shared>>) offsets(%dma_start3A_259 : memref<128xi32, #tpu.memory_space<vmem>>) semaphore(%arg16 : memref<!tpu.dma_semaphore, #tpu.memory_space<semaphore_mem>>) {add = true}
    %dma_start3A_263 = arith.constant 2 : i32
    %dma_start3A_264 = arith.constant 256 : i32
    %dma_start3A_265 = arith.constant 0 : i32
    %dma_start3A_266 = tpu.memref_slice %arg6[%dma_start3A_264, %dma_start3A_265] : memref<384x128xf32, #tpu.memory_space<vmem>> -> memref<128x128xf32, #tpu.memory_space<vmem>>
    %dma_start3A_267 = arith.constant 0 : i32
    %dma_start3A_268 = tpu.memref_slice %arg8[%dma_start3A_263, %dma_start3A_267] : memref<3x128xi32, #tpu.memory_space<vmem>> -> memref<1x128xi32, #tpu.memory_space<vmem>>
    %dma_start3A_269 = tpu.memref_squeeze %dma_start3A_268 : memref<1x128xi32, #tpu.memory_space<vmem>> -> memref<128xi32, #tpu.memory_space<vmem>>
    %dma_start3A_270 = arith.constant 0 : i32
    %dma_start3A_271 = arith.constant 0 : i32
    %dma_start3A_272 = tpu.memref_slice %arg10[%dma_start3A_270, %dma_start3A_271] : memref<80x128xf32, #tpu.memory_space<vmem_shared>> -> memref<80x128xf32, #tpu.memory_space<vmem_shared>>
    tpu.enqueue_indirect_dma source(%dma_start3A_266 : memref<128x128xf32, #tpu.memory_space<vmem>>) target(%dma_start3A_272 : memref<80x128xf32, #tpu.memory_space<vmem_shared>>) offsets(%dma_start3A_269 : memref<128xi32, #tpu.memory_space<vmem>>) semaphore(%arg16 : memref<!tpu.dma_semaphore, #tpu.memory_space<semaphore_mem>>) {add = true}
    %add3A_273 = arith.constant 64 : i32
    %add3A_274 = arith.addi %add3A, %add3A_273 : i32
    %mul3A_275 = arith.constant 384 : i32
    %mul3A_276 = arith.muli %add3A_274, %mul3A_275 : i32
    %add3A_277 = arith.constant 34816 : i32
    %add3A_278 = arith.addi %add3A_277, %mul3A_276 : i32
    %min3A_279 = arith.constant 99616 : i32
    %min3A_280 = arith.minsi %add3A_278, %min3A_279 : i32
    %add3A_281 = arith.constant 0 : i32
    %add3A_282 = arith.addi %min3A_280, %add3A_281 : i32
    %add3A_283 = arith.constant 128 : i32
    %add3A_284 = arith.addi %min3A_280, %add3A_283 : i32
    %add3A_285 = arith.constant 256 : i32
    %add3A_286 = arith.addi %min3A_280, %add3A_285 : i32
    %dma_start3A_287 = arith.constant 0 : i32
    %dma_start3A_288 = tpu.memref_slice %arg2[%min3A_280, %dma_start3A_287] : memref<100000x128xf32, #tpu.memory_space<hbm>> -> memref<384x128xf32, #tpu.memory_space<hbm>>
    %dma_start3A_289 = arith.constant 0 : i32
    %dma_start3A_290 = tpu.memref_slice %arg2[%min3A_280, %dma_start3A_289] : memref<100000x128xf32, #tpu.memory_space<hbm>> -> memref<384x128xf32, #tpu.memory_space<hbm>>
    tpu.enqueue_dma source(%dma_start3A_290 : memref<384x128xf32, #tpu.memory_space<hbm>>) target(%arg5 : memref<384x128xf32, #tpu.memory_space<vmem>>) target_semaphore(%arg11 : memref<!tpu.dma_semaphore, #tpu.memory_space<semaphore_mem>>)
    %dma_start3A_291 = arith.constant 0 : i32
    %dma_start3A_292 = arith.constant 0 : i32
    %dma_start3A_293 = tpu.memref_slice %arg7[%dma_start3A_291, %dma_start3A_292] : memref<3x128xi32, #tpu.memory_space<vmem>> -> memref<1x128xi32, #tpu.memory_space<vmem>>
    %dma_start3A_294 = tpu.memref_squeeze %dma_start3A_293 : memref<1x128xi32, #tpu.memory_space<vmem>> -> memref<128xi32, #tpu.memory_space<vmem>>
    %dma_start3A_295 = tpu.memref_slice %arg3[%add3A_282] : memref<100000xi32, #tpu.memory_space<hbm>> -> memref<128xi32, #tpu.memory_space<hbm>>
    %dma_start3A_296 = arith.constant 0 : i32
    %dma_start3A_297 = tpu.memref_slice %arg7[%dma_start3A_291, %dma_start3A_296] : memref<3x128xi32, #tpu.memory_space<vmem>> -> memref<1x128xi32, #tpu.memory_space<vmem>>
    %dma_start3A_298 = tpu.memref_squeeze %dma_start3A_297 : memref<1x128xi32, #tpu.memory_space<vmem>> -> memref<128xi32, #tpu.memory_space<vmem>>
    %dma_start3A_299 = tpu.memref_slice %arg3[%add3A_282] : memref<100000xi32, #tpu.memory_space<hbm>> -> memref<128xi32, #tpu.memory_space<hbm>>
    tpu.enqueue_dma source(%dma_start3A_299 : memref<128xi32, #tpu.memory_space<hbm>>) target(%dma_start3A_298 : memref<128xi32, #tpu.memory_space<vmem>>) target_semaphore(%arg13 : memref<!tpu.dma_semaphore, #tpu.memory_space<semaphore_mem>>)
    %dma_start3A_300 = arith.constant 1 : i32
    %dma_start3A_301 = arith.constant 0 : i32
    %dma_start3A_302 = tpu.memref_slice %arg7[%dma_start3A_300, %dma_start3A_301] : memref<3x128xi32, #tpu.memory_space<vmem>> -> memref<1x128xi32, #tpu.memory_space<vmem>>
    %dma_start3A_303 = tpu.memref_squeeze %dma_start3A_302 : memref<1x128xi32, #tpu.memory_space<vmem>> -> memref<128xi32, #tpu.memory_space<vmem>>
    %dma_start3A_304 = tpu.memref_slice %arg3[%add3A_284] : memref<100000xi32, #tpu.memory_space<hbm>> -> memref<128xi32, #tpu.memory_space<hbm>>
    %dma_start3A_305 = arith.constant 0 : i32
    %dma_start3A_306 = tpu.memref_slice %arg7[%dma_start3A_300, %dma_start3A_305] : memref<3x128xi32, #tpu.memory_space<vmem>> -> memref<1x128xi32, #tpu.memory_space<vmem>>
    %dma_start3A_307 = tpu.memref_squeeze %dma_start3A_306 : memref<1x128xi32, #tpu.memory_space<vmem>> -> memref<128xi32, #tpu.memory_space<vmem>>
    %dma_start3A_308 = tpu.memref_slice %arg3[%add3A_284] : memref<100000xi32, #tpu.memory_space<hbm>> -> memref<128xi32, #tpu.memory_space<hbm>>
    tpu.enqueue_dma source(%dma_start3A_308 : memref<128xi32, #tpu.memory_space<hbm>>) target(%dma_start3A_307 : memref<128xi32, #tpu.memory_space<vmem>>) target_semaphore(%arg13 : memref<!tpu.dma_semaphore, #tpu.memory_space<semaphore_mem>>)
    %dma_start3A_309 = arith.constant 2 : i32
    %dma_start3A_310 = arith.constant 0 : i32
    %dma_start3A_311 = tpu.memref_slice %arg7[%dma_start3A_309, %dma_start3A_310] : memref<3x128xi32, #tpu.memory_space<vmem>> -> memref<1x128xi32, #tpu.memory_space<vmem>>
    %dma_start3A_312 = tpu.memref_squeeze %dma_start3A_311 : memref<1x128xi32, #tpu.memory_space<vmem>> -> memref<128xi32, #tpu.memory_space<vmem>>
    %dma_start3A_313 = tpu.memref_slice %arg3[%add3A_286] : memref<100000xi32, #tpu.memory_space<hbm>> -> memref<128xi32, #tpu.memory_space<hbm>>
    %dma_start3A_314 = arith.constant 0 : i32
    %dma_start3A_315 = tpu.memref_slice %arg7[%dma_start3A_309, %dma_start3A_314] : memref<3x128xi32, #tpu.memory_space<vmem>> -> memref<1x128xi32, #tpu.memory_space<vmem>>
    %dma_start3A_316 = tpu.memref_squeeze %dma_start3A_315 : memref<1x128xi32, #tpu.memory_space<vmem>> -> memref<128xi32, #tpu.memory_space<vmem>>
    %dma_start3A_317 = tpu.memref_slice %arg3[%add3A_286] : memref<100000xi32, #tpu.memory_space<hbm>> -> memref<128xi32, #tpu.memory_space<hbm>>
    tpu.enqueue_dma source(%dma_start3A_317 : memref<128xi32, #tpu.memory_space<hbm>>) target(%dma_start3A_316 : memref<128xi32, #tpu.memory_space<vmem>>) target_semaphore(%arg13 : memref<!tpu.dma_semaphore, #tpu.memory_space<semaphore_mem>>)
    %dma_wait3A_318 = arith.constant 0 : i32
    %dma_wait3A_319 = arith.constant 0 : i32
    %dma_wait3A_320 = arith.constant 0 : i32
    %dma_wait3A_321 = tpu.memref_slice %arg6[%dma_wait3A_319, %dma_wait3A_320] : memref<384x128xf32, #tpu.memory_space<vmem>> -> memref<128x128xf32, #tpu.memory_space<vmem>>
    %dma_wait3A_322 = arith.constant 0 : i32
    %dma_wait3A_323 = tpu.memref_slice %arg8[%dma_wait3A_318, %dma_wait3A_322] : memref<3x128xi32, #tpu.memory_space<vmem>> -> memref<1x128xi32, #tpu.memory_space<vmem>>
    %dma_wait3A_324 = tpu.memref_squeeze %dma_wait3A_323 : memref<1x128xi32, #tpu.memory_space<vmem>> -> memref<128xi32, #tpu.memory_space<vmem>>
    %dma_wait3A_325 = arith.constant 0 : i32
    %dma_wait3A_326 = arith.constant 0 : i32
    %dma_wait3A_327 = tpu.memref_slice %arg10[%dma_wait3A_325, %dma_wait3A_326] : memref<80x128xf32, #tpu.memory_space<vmem_shared>> -> memref<80x128xf32, #tpu.memory_space<vmem_shared>>
    tpu.wait_indirect_dma semaphore(%arg16 : memref<!tpu.dma_semaphore, #tpu.memory_space<semaphore_mem>>) src(%dma_wait3A_321 : memref<128x128xf32, #tpu.memory_space<vmem>>) dst(%dma_wait3A_327 : memref<80x128xf32, #tpu.memory_space<vmem_shared>>)
    %dma_wait3A_328 = arith.constant 1 : i32
    %dma_wait3A_329 = arith.constant 128 : i32
    %dma_wait3A_330 = arith.constant 0 : i32
    %dma_wait3A_331 = tpu.memref_slice %arg6[%dma_wait3A_329, %dma_wait3A_330] : memref<384x128xf32, #tpu.memory_space<vmem>> -> memref<128x128xf32, #tpu.memory_space<vmem>>
    %dma_wait3A_332 = arith.constant 0 : i32
    %dma_wait3A_333 = tpu.memref_slice %arg8[%dma_wait3A_328, %dma_wait3A_332] : memref<3x128xi32, #tpu.memory_space<vmem>> -> memref<1x128xi32, #tpu.memory_space<vmem>>
    %dma_wait3A_334 = tpu.memref_squeeze %dma_wait3A_333 : memref<1x128xi32, #tpu.memory_space<vmem>> -> memref<128xi32, #tpu.memory_space<vmem>>
    %dma_wait3A_335 = arith.constant 0 : i32
    %dma_wait3A_336 = arith.constant 0 : i32
    %dma_wait3A_337 = tpu.memref_slice %arg10[%dma_wait3A_335, %dma_wait3A_336] : memref<80x128xf32, #tpu.memory_space<vmem_shared>> -> memref<80x128xf32, #tpu.memory_space<vmem_shared>>
    tpu.wait_indirect_dma semaphore(%arg16 : memref<!tpu.dma_semaphore, #tpu.memory_space<semaphore_mem>>) src(%dma_wait3A_331 : memref<128x128xf32, #tpu.memory_space<vmem>>) dst(%dma_wait3A_337 : memref<80x128xf32, #tpu.memory_space<vmem_shared>>)
    %dma_wait3A_338 = arith.constant 2 : i32
    %dma_wait3A_339 = arith.constant 256 : i32
    %dma_wait3A_340 = arith.constant 0 : i32
    %dma_wait3A_341 = tpu.memref_slice %arg6[%dma_wait3A_339, %dma_wait3A_340] : memref<384x128xf32, #tpu.memory_space<vmem>> -> memref<128x128xf32, #tpu.memory_space<vmem>>
    %dma_wait3A_342 = arith.constant 0 : i32
    %dma_wait3A_343 = tpu.memref_slice %arg8[%dma_wait3A_338, %dma_wait3A_342] : memref<3x128xi32, #tpu.memory_space<vmem>> -> memref<1x128xi32, #tpu.memory_space<vmem>>
    %dma_wait3A_344 = tpu.memref_squeeze %dma_wait3A_343 : memref<1x128xi32, #tpu.memory_space<vmem>> -> memref<128xi32, #tpu.memory_space<vmem>>
    %dma_wait3A_345 = arith.constant 0 : i32
    %dma_wait3A_346 = arith.constant 0 : i32
    %dma_wait3A_347 = tpu.memref_slice %arg10[%dma_wait3A_345, %dma_wait3A_346] : memref<80x128xf32, #tpu.memory_space<vmem_shared>> -> memref<80x128xf32, #tpu.memory_space<vmem_shared>>
    tpu.wait_indirect_dma semaphore(%arg16 : memref<!tpu.dma_semaphore, #tpu.memory_space<semaphore_mem>>) src(%dma_wait3A_341 : memref<128x128xf32, #tpu.memory_space<vmem>>) dst(%dma_wait3A_347 : memref<80x128xf32, #tpu.memory_space<vmem_shared>>)
    %add3A_348 = arith.constant 64 : i32
    %add3A_349 = arith.addi %add3A, %add3A_348 : i32
    %mul3A_350 = arith.constant 384 : i32
    %mul3A_351 = arith.muli %add3A_349, %mul3A_350 : i32
    %add3A_352 = arith.constant 34816 : i32
    %add3A_353 = arith.addi %add3A_352, %mul3A_351 : i32
    %min3A_354 = arith.constant 99616 : i32
    %min3A_355 = arith.minsi %add3A_353, %min3A_354 : i32
    %add3A_356 = arith.constant 0 : i32
    %add3A_357 = arith.addi %min3A_355, %add3A_356 : i32
    %add3A_358 = arith.constant 128 : i32
    %add3A_359 = arith.addi %min3A_355, %add3A_358 : i32
    %add3A_360 = arith.constant 256 : i32
    %add3A_361 = arith.addi %min3A_355, %add3A_360 : i32
    %dma_wait3A_362 = arith.constant 0 : i32
    %dma_wait3A_363 = tpu.memref_slice %arg2[%min3A_355, %dma_wait3A_362] : memref<100000x128xf32, #tpu.memory_space<hbm>> -> memref<384x128xf32, #tpu.memory_space<hbm>>
    %dma_wait3A_364 = arith.constant 0 : i32
    %dma_wait3A_365 = tpu.memref_slice %arg2[%min3A_355, %dma_wait3A_364] : memref<100000x128xf32, #tpu.memory_space<hbm>> -> memref<384x128xf32, #tpu.memory_space<hbm>>
    tpu.wait_dma2 semaphore(%arg11 : memref<!tpu.dma_semaphore, #tpu.memory_space<semaphore_mem>>) src(%dma_wait3A_365 : memref<384x128xf32, #tpu.memory_space<hbm>>) dst(%arg5 : memref<384x128xf32, #tpu.memory_space<vmem>>)
    %dma_wait3A_366 = arith.constant 0 : i32
    %dma_wait3A_367 = arith.constant 0 : i32
    %dma_wait3A_368 = tpu.memref_slice %arg7[%dma_wait3A_366, %dma_wait3A_367] : memref<3x128xi32, #tpu.memory_space<vmem>> -> memref<1x128xi32, #tpu.memory_space<vmem>>
    %dma_wait3A_369 = tpu.memref_squeeze %dma_wait3A_368 : memref<1x128xi32, #tpu.memory_space<vmem>> -> memref<128xi32, #tpu.memory_space<vmem>>
    %dma_wait3A_370 = tpu.memref_slice %arg3[%add3A_357] : memref<100000xi32, #tpu.memory_space<hbm>> -> memref<128xi32, #tpu.memory_space<hbm>>
    %dma_wait3A_371 = arith.constant 0 : i32
    %dma_wait3A_372 = tpu.memref_slice %arg7[%dma_wait3A_366, %dma_wait3A_371] : memref<3x128xi32, #tpu.memory_space<vmem>> -> memref<1x128xi32, #tpu.memory_space<vmem>>
    %dma_wait3A_373 = tpu.memref_squeeze %dma_wait3A_372 : memref<1x128xi32, #tpu.memory_space<vmem>> -> memref<128xi32, #tpu.memory_space<vmem>>
    %dma_wait3A_374 = tpu.memref_slice %arg3[%add3A_357] : memref<100000xi32, #tpu.memory_space<hbm>> -> memref<128xi32, #tpu.memory_space<hbm>>
    tpu.wait_dma2 semaphore(%arg13 : memref<!tpu.dma_semaphore, #tpu.memory_space<semaphore_mem>>) src(%dma_wait3A_374 : memref<128xi32, #tpu.memory_space<hbm>>) dst(%dma_wait3A_373 : memref<128xi32, #tpu.memory_space<vmem>>)
    %dma_wait3A_375 = arith.constant 1 : i32
    %dma_wait3A_376 = arith.constant 0 : i32
    %dma_wait3A_377 = tpu.memref_slice %arg7[%dma_wait3A_375, %dma_wait3A_376] : memref<3x128xi32, #tpu.memory_space<vmem>> -> memref<1x128xi32, #tpu.memory_space<vmem>>
    %dma_wait3A_378 = tpu.memref_squeeze %dma_wait3A_377 : memref<1x128xi32, #tpu.memory_space<vmem>> -> memref<128xi32, #tpu.memory_space<vmem>>
    %dma_wait3A_379 = tpu.memref_slice %arg3[%add3A_359] : memref<100000xi32, #tpu.memory_space<hbm>> -> memref<128xi32, #tpu.memory_space<hbm>>
    %dma_wait3A_380 = arith.constant 0 : i32
    %dma_wait3A_381 = tpu.memref_slice %arg7[%dma_wait3A_375, %dma_wait3A_380] : memref<3x128xi32, #tpu.memory_space<vmem>> -> memref<1x128xi32, #tpu.memory_space<vmem>>
    %dma_wait3A_382 = tpu.memref_squeeze %dma_wait3A_381 : memref<1x128xi32, #tpu.memory_space<vmem>> -> memref<128xi32, #tpu.memory_space<vmem>>
    %dma_wait3A_383 = tpu.memref_slice %arg3[%add3A_359] : memref<100000xi32, #tpu.memory_space<hbm>> -> memref<128xi32, #tpu.memory_space<hbm>>
    tpu.wait_dma2 semaphore(%arg13 : memref<!tpu.dma_semaphore, #tpu.memory_space<semaphore_mem>>) src(%dma_wait3A_383 : memref<128xi32, #tpu.memory_space<hbm>>) dst(%dma_wait3A_382 : memref<128xi32, #tpu.memory_space<vmem>>)
    %dma_wait3A_384 = arith.constant 2 : i32
    %dma_wait3A_385 = arith.constant 0 : i32
    %dma_wait3A_386 = tpu.memref_slice %arg7[%dma_wait3A_384, %dma_wait3A_385] : memref<3x128xi32, #tpu.memory_space<vmem>> -> memref<1x128xi32, #tpu.memory_space<vmem>>
    %dma_wait3A_387 = tpu.memref_squeeze %dma_wait3A_386 : memref<1x128xi32, #tpu.memory_space<vmem>> -> memref<128xi32, #tpu.memory_space<vmem>>
    %dma_wait3A_388 = tpu.memref_slice %arg3[%add3A_361] : memref<100000xi32, #tpu.memory_space<hbm>> -> memref<128xi32, #tpu.memory_space<hbm>>
    %dma_wait3A_389 = arith.constant 0 : i32
    %dma_wait3A_390 = tpu.memref_slice %arg7[%dma_wait3A_384, %dma_wait3A_389] : memref<3x128xi32, #tpu.memory_space<vmem>> -> memref<1x128xi32, #tpu.memory_space<vmem>>
    %dma_wait3A_391 = tpu.memref_squeeze %dma_wait3A_390 : memref<1x128xi32, #tpu.memory_space<vmem>> -> memref<128xi32, #tpu.memory_space<vmem>>
    %dma_wait3A_392 = tpu.memref_slice %arg3[%add3A_361] : memref<100000xi32, #tpu.memory_space<hbm>> -> memref<128xi32, #tpu.memory_space<hbm>>
    tpu.wait_dma2 semaphore(%arg13 : memref<!tpu.dma_semaphore, #tpu.memory_space<semaphore_mem>>) src(%dma_wait3A_392 : memref<128xi32, #tpu.memory_space<hbm>>) dst(%dma_wait3A_391 : memref<128xi32, #tpu.memory_space<vmem>>)
    %dma_start3A_393 = arith.constant 0 : i32
    %dma_start3A_394 = arith.constant 0 : i32
    %dma_start3A_395 = arith.constant 0 : i32
    %dma_start3A_396 = tpu.memref_slice %arg5[%dma_start3A_394, %dma_start3A_395] : memref<384x128xf32, #tpu.memory_space<vmem>> -> memref<128x128xf32, #tpu.memory_space<vmem>>
    %dma_start3A_397 = arith.constant 0 : i32
    %dma_start3A_398 = tpu.memref_slice %arg7[%dma_start3A_393, %dma_start3A_397] : memref<3x128xi32, #tpu.memory_space<vmem>> -> memref<1x128xi32, #tpu.memory_space<vmem>>
    %dma_start3A_399 = tpu.memref_squeeze %dma_start3A_398 : memref<1x128xi32, #tpu.memory_space<vmem>> -> memref<128xi32, #tpu.memory_space<vmem>>
    %dma_start3A_400 = arith.constant 0 : i32
    %dma_start3A_401 = arith.constant 0 : i32
    %dma_start3A_402 = tpu.memref_slice %arg10[%dma_start3A_400, %dma_start3A_401] : memref<80x128xf32, #tpu.memory_space<vmem_shared>> -> memref<80x128xf32, #tpu.memory_space<vmem_shared>>
    tpu.enqueue_indirect_dma source(%dma_start3A_396 : memref<128x128xf32, #tpu.memory_space<vmem>>) target(%dma_start3A_402 : memref<80x128xf32, #tpu.memory_space<vmem_shared>>) offsets(%dma_start3A_399 : memref<128xi32, #tpu.memory_space<vmem>>) semaphore(%arg15 : memref<!tpu.dma_semaphore, #tpu.memory_space<semaphore_mem>>) {add = true}
    %dma_start3A_403 = arith.constant 1 : i32
    %dma_start3A_404 = arith.constant 128 : i32
    %dma_start3A_405 = arith.constant 0 : i32
    %dma_start3A_406 = tpu.memref_slice %arg5[%dma_start3A_404, %dma_start3A_405] : memref<384x128xf32, #tpu.memory_space<vmem>> -> memref<128x128xf32, #tpu.memory_space<vmem>>
    %dma_start3A_407 = arith.constant 0 : i32
    %dma_start3A_408 = tpu.memref_slice %arg7[%dma_start3A_403, %dma_start3A_407] : memref<3x128xi32, #tpu.memory_space<vmem>> -> memref<1x128xi32, #tpu.memory_space<vmem>>
    %dma_start3A_409 = tpu.memref_squeeze %dma_start3A_408 : memref<1x128xi32, #tpu.memory_space<vmem>> -> memref<128xi32, #tpu.memory_space<vmem>>
    %dma_start3A_410 = arith.constant 0 : i32
    %dma_start3A_411 = arith.constant 0 : i32
    %dma_start3A_412 = tpu.memref_slice %arg10[%dma_start3A_410, %dma_start3A_411] : memref<80x128xf32, #tpu.memory_space<vmem_shared>> -> memref<80x128xf32, #tpu.memory_space<vmem_shared>>
    tpu.enqueue_indirect_dma source(%dma_start3A_406 : memref<128x128xf32, #tpu.memory_space<vmem>>) target(%dma_start3A_412 : memref<80x128xf32, #tpu.memory_space<vmem_shared>>) offsets(%dma_start3A_409 : memref<128xi32, #tpu.memory_space<vmem>>) semaphore(%arg15 : memref<!tpu.dma_semaphore, #tpu.memory_space<semaphore_mem>>) {add = true}
    %dma_start3A_413 = arith.constant 2 : i32
    %dma_start3A_414 = arith.constant 256 : i32
    %dma_start3A_415 = arith.constant 0 : i32
    %dma_start3A_416 = tpu.memref_slice %arg5[%dma_start3A_414, %dma_start3A_415] : memref<384x128xf32, #tpu.memory_space<vmem>> -> memref<128x128xf32, #tpu.memory_space<vmem>>
    %dma_start3A_417 = arith.constant 0 : i32
    %dma_start3A_418 = tpu.memref_slice %arg7[%dma_start3A_413, %dma_start3A_417] : memref<3x128xi32, #tpu.memory_space<vmem>> -> memref<1x128xi32, #tpu.memory_space<vmem>>
    %dma_start3A_419 = tpu.memref_squeeze %dma_start3A_418 : memref<1x128xi32, #tpu.memory_space<vmem>> -> memref<128xi32, #tpu.memory_space<vmem>>
    %dma_start3A_420 = arith.constant 0 : i32
    %dma_start3A_421 = arith.constant 0 : i32
    %dma_start3A_422 = tpu.memref_slice %arg10[%dma_start3A_420, %dma_start3A_421] : memref<80x128xf32, #tpu.memory_space<vmem_shared>> -> memref<80x128xf32, #tpu.memory_space<vmem_shared>>
    tpu.enqueue_indirect_dma source(%dma_start3A_416 : memref<128x128xf32, #tpu.memory_space<vmem>>) target(%dma_start3A_422 : memref<80x128xf32, #tpu.memory_space<vmem_shared>>) offsets(%dma_start3A_419 : memref<128xi32, #tpu.memory_space<vmem>>) semaphore(%arg15 : memref<!tpu.dma_semaphore, #tpu.memory_space<semaphore_mem>>) {add = true}
    %add3A_423 = arith.constant 96 : i32
    %add3A_424 = arith.addi %add3A, %add3A_423 : i32
    %mul3A_425 = arith.constant 384 : i32
    %mul3A_426 = arith.muli %add3A_424, %mul3A_425 : i32
    %add3A_427 = arith.constant 34816 : i32
    %add3A_428 = arith.addi %add3A_427, %mul3A_426 : i32
    %min3A_429 = arith.constant 99616 : i32
    %min3A_430 = arith.minsi %add3A_428, %min3A_429 : i32
    %add3A_431 = arith.constant 0 : i32
    %add3A_432 = arith.addi %min3A_430, %add3A_431 : i32
    %add3A_433 = arith.constant 128 : i32
    %add3A_434 = arith.addi %min3A_430, %add3A_433 : i32
    %add3A_435 = arith.constant 256 : i32
    %add3A_436 = arith.addi %min3A_430, %add3A_435 : i32
    %dma_start3A_437 = arith.constant 0 : i32
    %dma_start3A_438 = tpu.memref_slice %arg2[%min3A_430, %dma_start3A_437] : memref<100000x128xf32, #tpu.memory_space<hbm>> -> memref<384x128xf32, #tpu.memory_space<hbm>>
    %dma_start3A_439 = arith.constant 0 : i32
    %dma_start3A_440 = tpu.memref_slice %arg2[%min3A_430, %dma_start3A_439] : memref<100000x128xf32, #tpu.memory_space<hbm>> -> memref<384x128xf32, #tpu.memory_space<hbm>>
    tpu.enqueue_dma source(%dma_start3A_440 : memref<384x128xf32, #tpu.memory_space<hbm>>) target(%arg6 : memref<384x128xf32, #tpu.memory_space<vmem>>) target_semaphore(%arg12 : memref<!tpu.dma_semaphore, #tpu.memory_space<semaphore_mem>>)
    %dma_start3A_441 = arith.constant 0 : i32
    %dma_start3A_442 = arith.constant 0 : i32
    %dma_start3A_443 = tpu.memref_slice %arg8[%dma_start3A_441, %dma_start3A_442] : memref<3x128xi32, #tpu.memory_space<vmem>> -> memref<1x128xi32, #tpu.memory_space<vmem>>
    %dma_start3A_444 = tpu.memref_squeeze %dma_start3A_443 : memref<1x128xi32, #tpu.memory_space<vmem>> -> memref<128xi32, #tpu.memory_space<vmem>>
    %dma_start3A_445 = tpu.memref_slice %arg3[%add3A_432] : memref<100000xi32, #tpu.memory_space<hbm>> -> memref<128xi32, #tpu.memory_space<hbm>>
    %dma_start3A_446 = arith.constant 0 : i32
    %dma_start3A_447 = tpu.memref_slice %arg8[%dma_start3A_441, %dma_start3A_446] : memref<3x128xi32, #tpu.memory_space<vmem>> -> memref<1x128xi32, #tpu.memory_space<vmem>>
    %dma_start3A_448 = tpu.memref_squeeze %dma_start3A_447 : memref<1x128xi32, #tpu.memory_space<vmem>> -> memref<128xi32, #tpu.memory_space<vmem>>
    %dma_start3A_449 = tpu.memref_slice %arg3[%add3A_432] : memref<100000xi32, #tpu.memory_space<hbm>> -> memref<128xi32, #tpu.memory_space<hbm>>
    tpu.enqueue_dma source(%dma_start3A_449 : memref<128xi32, #tpu.memory_space<hbm>>) target(%dma_start3A_448 : memref<128xi32, #tpu.memory_space<vmem>>) target_semaphore(%arg14 : memref<!tpu.dma_semaphore, #tpu.memory_space<semaphore_mem>>)
    %dma_start3A_450 = arith.constant 1 : i32
    %dma_start3A_451 = arith.constant 0 : i32
    %dma_start3A_452 = tpu.memref_slice %arg8[%dma_start3A_450, %dma_start3A_451] : memref<3x128xi32, #tpu.memory_space<vmem>> -> memref<1x128xi32, #tpu.memory_space<vmem>>
    %dma_start3A_453 = tpu.memref_squeeze %dma_start3A_452 : memref<1x128xi32, #tpu.memory_space<vmem>> -> memref<128xi32, #tpu.memory_space<vmem>>
    %dma_start3A_454 = tpu.memref_slice %arg3[%add3A_434] : memref<100000xi32, #tpu.memory_space<hbm>> -> memref<128xi32, #tpu.memory_space<hbm>>
    %dma_start3A_455 = arith.constant 0 : i32
    %dma_start3A_456 = tpu.memref_slice %arg8[%dma_start3A_450, %dma_start3A_455] : memref<3x128xi32, #tpu.memory_space<vmem>> -> memref<1x128xi32, #tpu.memory_space<vmem>>
    %dma_start3A_457 = tpu.memref_squeeze %dma_start3A_456 : memref<1x128xi32, #tpu.memory_space<vmem>> -> memref<128xi32, #tpu.memory_space<vmem>>
    %dma_start3A_458 = tpu.memref_slice %arg3[%add3A_434] : memref<100000xi32, #tpu.memory_space<hbm>> -> memref<128xi32, #tpu.memory_space<hbm>>
    tpu.enqueue_dma source(%dma_start3A_458 : memref<128xi32, #tpu.memory_space<hbm>>) target(%dma_start3A_457 : memref<128xi32, #tpu.memory_space<vmem>>) target_semaphore(%arg14 : memref<!tpu.dma_semaphore, #tpu.memory_space<semaphore_mem>>)
    %dma_start3A_459 = arith.constant 2 : i32
    %dma_start3A_460 = arith.constant 0 : i32
    %dma_start3A_461 = tpu.memref_slice %arg8[%dma_start3A_459, %dma_start3A_460] : memref<3x128xi32, #tpu.memory_space<vmem>> -> memref<1x128xi32, #tpu.memory_space<vmem>>
    %dma_start3A_462 = tpu.memref_squeeze %dma_start3A_461 : memref<1x128xi32, #tpu.memory_space<vmem>> -> memref<128xi32, #tpu.memory_space<vmem>>
    %dma_start3A_463 = tpu.memref_slice %arg3[%add3A_436] : memref<100000xi32, #tpu.memory_space<hbm>> -> memref<128xi32, #tpu.memory_space<hbm>>
    %dma_start3A_464 = arith.constant 0 : i32
    %dma_start3A_465 = tpu.memref_slice %arg8[%dma_start3A_459, %dma_start3A_464] : memref<3x128xi32, #tpu.memory_space<vmem>> -> memref<1x128xi32, #tpu.memory_space<vmem>>
    %dma_start3A_466 = tpu.memref_squeeze %dma_start3A_465 : memref<1x128xi32, #tpu.memory_space<vmem>> -> memref<128xi32, #tpu.memory_space<vmem>>
    %dma_start3A_467 = tpu.memref_slice %arg3[%add3A_436] : memref<100000xi32, #tpu.memory_space<hbm>> -> memref<128xi32, #tpu.memory_space<hbm>>
    tpu.enqueue_dma source(%dma_start3A_467 : memref<128xi32, #tpu.memory_space<hbm>>) target(%dma_start3A_466 : memref<128xi32, #tpu.memory_space<vmem>>) target_semaphore(%arg14 : memref<!tpu.dma_semaphore, #tpu.memory_space<semaphore_mem>>)
    %dma_wait3A_468 = arith.constant 0 : i32
    %dma_wait3A_469 = arith.constant 0 : i32
    %dma_wait3A_470 = arith.constant 0 : i32
    %dma_wait3A_471 = tpu.memref_slice %arg5[%dma_wait3A_469, %dma_wait3A_470] : memref<384x128xf32, #tpu.memory_space<vmem>> -> memref<128x128xf32, #tpu.memory_space<vmem>>
    %dma_wait3A_472 = arith.constant 0 : i32
    %dma_wait3A_473 = tpu.memref_slice %arg7[%dma_wait3A_468, %dma_wait3A_472] : memref<3x128xi32, #tpu.memory_space<vmem>> -> memref<1x128xi32, #tpu.memory_space<vmem>>
    %dma_wait3A_474 = tpu.memref_squeeze %dma_wait3A_473 : memref<1x128xi32, #tpu.memory_space<vmem>> -> memref<128xi32, #tpu.memory_space<vmem>>
    %dma_wait3A_475 = arith.constant 0 : i32
    %dma_wait3A_476 = arith.constant 0 : i32
    %dma_wait3A_477 = tpu.memref_slice %arg10[%dma_wait3A_475, %dma_wait3A_476] : memref<80x128xf32, #tpu.memory_space<vmem_shared>> -> memref<80x128xf32, #tpu.memory_space<vmem_shared>>
    tpu.wait_indirect_dma semaphore(%arg15 : memref<!tpu.dma_semaphore, #tpu.memory_space<semaphore_mem>>) src(%dma_wait3A_471 : memref<128x128xf32, #tpu.memory_space<vmem>>) dst(%dma_wait3A_477 : memref<80x128xf32, #tpu.memory_space<vmem_shared>>)
    %dma_wait3A_478 = arith.constant 1 : i32
    %dma_wait3A_479 = arith.constant 128 : i32
    %dma_wait3A_480 = arith.constant 0 : i32
    %dma_wait3A_481 = tpu.memref_slice %arg5[%dma_wait3A_479, %dma_wait3A_480] : memref<384x128xf32, #tpu.memory_space<vmem>> -> memref<128x128xf32, #tpu.memory_space<vmem>>
    %dma_wait3A_482 = arith.constant 0 : i32
    %dma_wait3A_483 = tpu.memref_slice %arg7[%dma_wait3A_478, %dma_wait3A_482] : memref<3x128xi32, #tpu.memory_space<vmem>> -> memref<1x128xi32, #tpu.memory_space<vmem>>
    %dma_wait3A_484 = tpu.memref_squeeze %dma_wait3A_483 : memref<1x128xi32, #tpu.memory_space<vmem>> -> memref<128xi32, #tpu.memory_space<vmem>>
    %dma_wait3A_485 = arith.constant 0 : i32
    %dma_wait3A_486 = arith.constant 0 : i32
    %dma_wait3A_487 = tpu.memref_slice %arg10[%dma_wait3A_485, %dma_wait3A_486] : memref<80x128xf32, #tpu.memory_space<vmem_shared>> -> memref<80x128xf32, #tpu.memory_space<vmem_shared>>
    tpu.wait_indirect_dma semaphore(%arg15 : memref<!tpu.dma_semaphore, #tpu.memory_space<semaphore_mem>>) src(%dma_wait3A_481 : memref<128x128xf32, #tpu.memory_space<vmem>>) dst(%dma_wait3A_487 : memref<80x128xf32, #tpu.memory_space<vmem_shared>>)
    %dma_wait3A_488 = arith.constant 2 : i32
    %dma_wait3A_489 = arith.constant 256 : i32
    %dma_wait3A_490 = arith.constant 0 : i32
    %dma_wait3A_491 = tpu.memref_slice %arg5[%dma_wait3A_489, %dma_wait3A_490] : memref<384x128xf32, #tpu.memory_space<vmem>> -> memref<128x128xf32, #tpu.memory_space<vmem>>
    %dma_wait3A_492 = arith.constant 0 : i32
    %dma_wait3A_493 = tpu.memref_slice %arg7[%dma_wait3A_488, %dma_wait3A_492] : memref<3x128xi32, #tpu.memory_space<vmem>> -> memref<1x128xi32, #tpu.memory_space<vmem>>
    %dma_wait3A_494 = tpu.memref_squeeze %dma_wait3A_493 : memref<1x128xi32, #tpu.memory_space<vmem>> -> memref<128xi32, #tpu.memory_space<vmem>>
    %dma_wait3A_495 = arith.constant 0 : i32
    %dma_wait3A_496 = arith.constant 0 : i32
    %dma_wait3A_497 = tpu.memref_slice %arg10[%dma_wait3A_495, %dma_wait3A_496] : memref<80x128xf32, #tpu.memory_space<vmem_shared>> -> memref<80x128xf32, #tpu.memory_space<vmem_shared>>
    tpu.wait_indirect_dma semaphore(%arg15 : memref<!tpu.dma_semaphore, #tpu.memory_space<semaphore_mem>>) src(%dma_wait3A_491 : memref<128x128xf32, #tpu.memory_space<vmem>>) dst(%dma_wait3A_497 : memref<80x128xf32, #tpu.memory_space<vmem_shared>>)
    %add3A_498 = arith.constant 96 : i32
    %add3A_499 = arith.addi %add3A, %add3A_498 : i32
    %mul3A_500 = arith.constant 384 : i32
    %mul3A_501 = arith.muli %add3A_499, %mul3A_500 : i32
    %add3A_502 = arith.constant 34816 : i32
    %add3A_503 = arith.addi %add3A_502, %mul3A_501 : i32
    %min3A_504 = arith.constant 99616 : i32
    %min3A_505 = arith.minsi %add3A_503, %min3A_504 : i32
    %add3A_506 = arith.constant 0 : i32
    %add3A_507 = arith.addi %min3A_505, %add3A_506 : i32
    %add3A_508 = arith.constant 128 : i32
    %add3A_509 = arith.addi %min3A_505, %add3A_508 : i32
    %add3A_510 = arith.constant 256 : i32
    %add3A_511 = arith.addi %min3A_505, %add3A_510 : i32
    %dma_wait3A_512 = arith.constant 0 : i32
    %dma_wait3A_513 = tpu.memref_slice %arg2[%min3A_505, %dma_wait3A_512] : memref<100000x128xf32, #tpu.memory_space<hbm>> -> memref<384x128xf32, #tpu.memory_space<hbm>>
    %dma_wait3A_514 = arith.constant 0 : i32
    %dma_wait3A_515 = tpu.memref_slice %arg2[%min3A_505, %dma_wait3A_514] : memref<100000x128xf32, #tpu.memory_space<hbm>> -> memref<384x128xf32, #tpu.memory_space<hbm>>
    tpu.wait_dma2 semaphore(%arg12 : memref<!tpu.dma_semaphore, #tpu.memory_space<semaphore_mem>>) src(%dma_wait3A_515 : memref<384x128xf32, #tpu.memory_space<hbm>>) dst(%arg6 : memref<384x128xf32, #tpu.memory_space<vmem>>)
    %dma_wait3A_516 = arith.constant 0 : i32
    %dma_wait3A_517 = arith.constant 0 : i32
    %dma_wait3A_518 = tpu.memref_slice %arg8[%dma_wait3A_516, %dma_wait3A_517] : memref<3x128xi32, #tpu.memory_space<vmem>> -> memref<1x128xi32, #tpu.memory_space<vmem>>
    %dma_wait3A_519 = tpu.memref_squeeze %dma_wait3A_518 : memref<1x128xi32, #tpu.memory_space<vmem>> -> memref<128xi32, #tpu.memory_space<vmem>>
    %dma_wait3A_520 = tpu.memref_slice %arg3[%add3A_507] : memref<100000xi32, #tpu.memory_space<hbm>> -> memref<128xi32, #tpu.memory_space<hbm>>
    %dma_wait3A_521 = arith.constant 0 : i32
    %dma_wait3A_522 = tpu.memref_slice %arg8[%dma_wait3A_516, %dma_wait3A_521] : memref<3x128xi32, #tpu.memory_space<vmem>> -> memref<1x128xi32, #tpu.memory_space<vmem>>
    %dma_wait3A_523 = tpu.memref_squeeze %dma_wait3A_522 : memref<1x128xi32, #tpu.memory_space<vmem>> -> memref<128xi32, #tpu.memory_space<vmem>>
    %dma_wait3A_524 = tpu.memref_slice %arg3[%add3A_507] : memref<100000xi32, #tpu.memory_space<hbm>> -> memref<128xi32, #tpu.memory_space<hbm>>
    tpu.wait_dma2 semaphore(%arg14 : memref<!tpu.dma_semaphore, #tpu.memory_space<semaphore_mem>>) src(%dma_wait3A_524 : memref<128xi32, #tpu.memory_space<hbm>>) dst(%dma_wait3A_523 : memref<128xi32, #tpu.memory_space<vmem>>)
    %dma_wait3A_525 = arith.constant 1 : i32
    %dma_wait3A_526 = arith.constant 0 : i32
    %dma_wait3A_527 = tpu.memref_slice %arg8[%dma_wait3A_525, %dma_wait3A_526] : memref<3x128xi32, #tpu.memory_space<vmem>> -> memref<1x128xi32, #tpu.memory_space<vmem>>
    %dma_wait3A_528 = tpu.memref_squeeze %dma_wait3A_527 : memref<1x128xi32, #tpu.memory_space<vmem>> -> memref<128xi32, #tpu.memory_space<vmem>>
    %dma_wait3A_529 = tpu.memref_slice %arg3[%add3A_509] : memref<100000xi32, #tpu.memory_space<hbm>> -> memref<128xi32, #tpu.memory_space<hbm>>
    %dma_wait3A_530 = arith.constant 0 : i32
    %dma_wait3A_531 = tpu.memref_slice %arg8[%dma_wait3A_525, %dma_wait3A_530] : memref<3x128xi32, #tpu.memory_space<vmem>> -> memref<1x128xi32, #tpu.memory_space<vmem>>
    %dma_wait3A_532 = tpu.memref_squeeze %dma_wait3A_531 : memref<1x128xi32, #tpu.memory_space<vmem>> -> memref<128xi32, #tpu.memory_space<vmem>>
    %dma_wait3A_533 = tpu.memref_slice %arg3[%add3A_509] : memref<100000xi32, #tpu.memory_space<hbm>> -> memref<128xi32, #tpu.memory_space<hbm>>
    tpu.wait_dma2 semaphore(%arg14 : memref<!tpu.dma_semaphore, #tpu.memory_space<semaphore_mem>>) src(%dma_wait3A_533 : memref<128xi32, #tpu.memory_space<hbm>>) dst(%dma_wait3A_532 : memref<128xi32, #tpu.memory_space<vmem>>)
    %dma_wait3A_534 = arith.constant 2 : i32
    %dma_wait3A_535 = arith.constant 0 : i32
    %dma_wait3A_536 = tpu.memref_slice %arg8[%dma_wait3A_534, %dma_wait3A_535] : memref<3x128xi32, #tpu.memory_space<vmem>> -> memref<1x128xi32, #tpu.memory_space<vmem>>
    %dma_wait3A_537 = tpu.memref_squeeze %dma_wait3A_536 : memref<1x128xi32, #tpu.memory_space<vmem>> -> memref<128xi32, #tpu.memory_space<vmem>>
    %dma_wait3A_538 = tpu.memref_slice %arg3[%add3A_511] : memref<100000xi32, #tpu.memory_space<hbm>> -> memref<128xi32, #tpu.memory_space<hbm>>
    %dma_wait3A_539 = arith.constant 0 : i32
    %dma_wait3A_540 = tpu.memref_slice %arg8[%dma_wait3A_534, %dma_wait3A_539] : memref<3x128xi32, #tpu.memory_space<vmem>> -> memref<1x128xi32, #tpu.memory_space<vmem>>
    %dma_wait3A_541 = tpu.memref_squeeze %dma_wait3A_540 : memref<1x128xi32, #tpu.memory_space<vmem>> -> memref<128xi32, #tpu.memory_space<vmem>>
    %dma_wait3A_542 = tpu.memref_slice %arg3[%add3A_511] : memref<100000xi32, #tpu.memory_space<hbm>> -> memref<128xi32, #tpu.memory_space<hbm>>
    tpu.wait_dma2 semaphore(%arg14 : memref<!tpu.dma_semaphore, #tpu.memory_space<semaphore_mem>>) src(%dma_wait3A_542 : memref<128xi32, #tpu.memory_space<hbm>>) dst(%dma_wait3A_541 : memref<128xi32, #tpu.memory_space<vmem>>)
    %dma_start3A_543 = arith.constant 0 : i32
    %dma_start3A_544 = arith.constant 0 : i32
    %dma_start3A_545 = arith.constant 0 : i32
    %dma_start3A_546 = tpu.memref_slice %arg6[%dma_start3A_544, %dma_start3A_545] : memref<384x128xf32, #tpu.memory_space<vmem>> -> memref<128x128xf32, #tpu.memory_space<vmem>>
    %dma_start3A_547 = arith.constant 0 : i32
    %dma_start3A_548 = tpu.memref_slice %arg8[%dma_start3A_543, %dma_start3A_547] : memref<3x128xi32, #tpu.memory_space<vmem>> -> memref<1x128xi32, #tpu.memory_space<vmem>>
    %dma_start3A_549 = tpu.memref_squeeze %dma_start3A_548 : memref<1x128xi32, #tpu.memory_space<vmem>> -> memref<128xi32, #tpu.memory_space<vmem>>
    %dma_start3A_550 = arith.constant 0 : i32
    %dma_start3A_551 = arith.constant 0 : i32
    %dma_start3A_552 = tpu.memref_slice %arg10[%dma_start3A_550, %dma_start3A_551] : memref<80x128xf32, #tpu.memory_space<vmem_shared>> -> memref<80x128xf32, #tpu.memory_space<vmem_shared>>
    tpu.enqueue_indirect_dma source(%dma_start3A_546 : memref<128x128xf32, #tpu.memory_space<vmem>>) target(%dma_start3A_552 : memref<80x128xf32, #tpu.memory_space<vmem_shared>>) offsets(%dma_start3A_549 : memref<128xi32, #tpu.memory_space<vmem>>) semaphore(%arg16 : memref<!tpu.dma_semaphore, #tpu.memory_space<semaphore_mem>>) {add = true}
    %dma_start3A_553 = arith.constant 1 : i32
    %dma_start3A_554 = arith.constant 128 : i32
    %dma_start3A_555 = arith.constant 0 : i32
    %dma_start3A_556 = tpu.memref_slice %arg6[%dma_start3A_554, %dma_start3A_555] : memref<384x128xf32, #tpu.memory_space<vmem>> -> memref<128x128xf32, #tpu.memory_space<vmem>>
    %dma_start3A_557 = arith.constant 0 : i32
    %dma_start3A_558 = tpu.memref_slice %arg8[%dma_start3A_553, %dma_start3A_557] : memref<3x128xi32, #tpu.memory_space<vmem>> -> memref<1x128xi32, #tpu.memory_space<vmem>>
    %dma_start3A_559 = tpu.memref_squeeze %dma_start3A_558 : memref<1x128xi32, #tpu.memory_space<vmem>> -> memref<128xi32, #tpu.memory_space<vmem>>
    %dma_start3A_560 = arith.constant 0 : i32
    %dma_start3A_561 = arith.constant 0 : i32
    %dma_start3A_562 = tpu.memref_slice %arg10[%dma_start3A_560, %dma_start3A_561] : memref<80x128xf32, #tpu.memory_space<vmem_shared>> -> memref<80x128xf32, #tpu.memory_space<vmem_shared>>
    tpu.enqueue_indirect_dma source(%dma_start3A_556 : memref<128x128xf32, #tpu.memory_space<vmem>>) target(%dma_start3A_562 : memref<80x128xf32, #tpu.memory_space<vmem_shared>>) offsets(%dma_start3A_559 : memref<128xi32, #tpu.memory_space<vmem>>) semaphore(%arg16 : memref<!tpu.dma_semaphore, #tpu.memory_space<semaphore_mem>>) {add = true}
    %dma_start3A_563 = arith.constant 2 : i32
    %dma_start3A_564 = arith.constant 256 : i32
    %dma_start3A_565 = arith.constant 0 : i32
    %dma_start3A_566 = tpu.memref_slice %arg6[%dma_start3A_564, %dma_start3A_565] : memref<384x128xf32, #tpu.memory_space<vmem>> -> memref<128x128xf32, #tpu.memory_space<vmem>>
    %dma_start3A_567 = arith.constant 0 : i32
    %dma_start3A_568 = tpu.memref_slice %arg8[%dma_start3A_563, %dma_start3A_567] : memref<3x128xi32, #tpu.memory_space<vmem>> -> memref<1x128xi32, #tpu.memory_space<vmem>>
    %dma_start3A_569 = tpu.memref_squeeze %dma_start3A_568 : memref<1x128xi32, #tpu.memory_space<vmem>> -> memref<128xi32, #tpu.memory_space<vmem>>
    %dma_start3A_570 = arith.constant 0 : i32
    %dma_start3A_571 = arith.constant 0 : i32
    %dma_start3A_572 = tpu.memref_slice %arg10[%dma_start3A_570, %dma_start3A_571] : memref<80x128xf32, #tpu.memory_space<vmem_shared>> -> memref<80x128xf32, #tpu.memory_space<vmem_shared>>
    tpu.enqueue_indirect_dma source(%dma_start3A_566 : memref<128x128xf32, #tpu.memory_space<vmem>>) target(%dma_start3A_572 : memref<80x128xf32, #tpu.memory_space<vmem_shared>>) offsets(%dma_start3A_569 : memref<128xi32, #tpu.memory_space<vmem>>) semaphore(%arg16 : memref<!tpu.dma_semaphore, #tpu.memory_space<semaphore_mem>>) {add = true}
    %add3A_573 = arith.constant 128 : i32
    %add3A_574 = arith.addi %add3A, %add3A_573 : i32
    %mul3A_575 = arith.constant 384 : i32
    %mul3A_576 = arith.muli %add3A_574, %mul3A_575 : i32
    %add3A_577 = arith.constant 34816 : i32
    %add3A_578 = arith.addi %add3A_577, %mul3A_576 : i32
    %min3A_579 = arith.constant 99616 : i32
    %min3A_580 = arith.minsi %add3A_578, %min3A_579 : i32
    %add3A_581 = arith.constant 0 : i32
    %add3A_582 = arith.addi %min3A_580, %add3A_581 : i32
    %add3A_583 = arith.constant 128 : i32
    %add3A_584 = arith.addi %min3A_580, %add3A_583 : i32
    %add3A_585 = arith.constant 256 : i32
    %add3A_586 = arith.addi %min3A_580, %add3A_585 : i32
    %dma_start3A_587 = arith.constant 0 : i32
    %dma_start3A_588 = tpu.memref_slice %arg2[%min3A_580, %dma_start3A_587] : memref<100000x128xf32, #tpu.memory_space<hbm>> -> memref<384x128xf32, #tpu.memory_space<hbm>>
    %dma_start3A_589 = arith.constant 0 : i32
    %dma_start3A_590 = tpu.memref_slice %arg2[%min3A_580, %dma_start3A_589] : memref<100000x128xf32, #tpu.memory_space<hbm>> -> memref<384x128xf32, #tpu.memory_space<hbm>>
    tpu.enqueue_dma source(%dma_start3A_590 : memref<384x128xf32, #tpu.memory_space<hbm>>) target(%arg5 : memref<384x128xf32, #tpu.memory_space<vmem>>) target_semaphore(%arg11 : memref<!tpu.dma_semaphore, #tpu.memory_space<semaphore_mem>>)
    %dma_start3A_591 = arith.constant 0 : i32
    %dma_start3A_592 = arith.constant 0 : i32
    %dma_start3A_593 = tpu.memref_slice %arg7[%dma_start3A_591, %dma_start3A_592] : memref<3x128xi32, #tpu.memory_space<vmem>> -> memref<1x128xi32, #tpu.memory_space<vmem>>
    %dma_start3A_594 = tpu.memref_squeeze %dma_start3A_593 : memref<1x128xi32, #tpu.memory_space<vmem>> -> memref<128xi32, #tpu.memory_space<vmem>>
    %dma_start3A_595 = tpu.memref_slice %arg3[%add3A_582] : memref<100000xi32, #tpu.memory_space<hbm>> -> memref<128xi32, #tpu.memory_space<hbm>>
    %dma_start3A_596 = arith.constant 0 : i32
    %dma_start3A_597 = tpu.memref_slice %arg7[%dma_start3A_591, %dma_start3A_596] : memref<3x128xi32, #tpu.memory_space<vmem>> -> memref<1x128xi32, #tpu.memory_space<vmem>>
    %dma_start3A_598 = tpu.memref_squeeze %dma_start3A_597 : memref<1x128xi32, #tpu.memory_space<vmem>> -> memref<128xi32, #tpu.memory_space<vmem>>
    %dma_start3A_599 = tpu.memref_slice %arg3[%add3A_582] : memref<100000xi32, #tpu.memory_space<hbm>> -> memref<128xi32, #tpu.memory_space<hbm>>
    tpu.enqueue_dma source(%dma_start3A_599 : memref<128xi32, #tpu.memory_space<hbm>>) target(%dma_start3A_598 : memref<128xi32, #tpu.memory_space<vmem>>) target_semaphore(%arg13 : memref<!tpu.dma_semaphore, #tpu.memory_space<semaphore_mem>>)
    %dma_start3A_600 = arith.constant 1 : i32
    %dma_start3A_601 = arith.constant 0 : i32
    %dma_start3A_602 = tpu.memref_slice %arg7[%dma_start3A_600, %dma_start3A_601] : memref<3x128xi32, #tpu.memory_space<vmem>> -> memref<1x128xi32, #tpu.memory_space<vmem>>
    %dma_start3A_603 = tpu.memref_squeeze %dma_start3A_602 : memref<1x128xi32, #tpu.memory_space<vmem>> -> memref<128xi32, #tpu.memory_space<vmem>>
    %dma_start3A_604 = tpu.memref_slice %arg3[%add3A_584] : memref<100000xi32, #tpu.memory_space<hbm>> -> memref<128xi32, #tpu.memory_space<hbm>>
    %dma_start3A_605 = arith.constant 0 : i32
    %dma_start3A_606 = tpu.memref_slice %arg7[%dma_start3A_600, %dma_start3A_605] : memref<3x128xi32, #tpu.memory_space<vmem>> -> memref<1x128xi32, #tpu.memory_space<vmem>>
    %dma_start3A_607 = tpu.memref_squeeze %dma_start3A_606 : memref<1x128xi32, #tpu.memory_space<vmem>> -> memref<128xi32, #tpu.memory_space<vmem>>
    %dma_start3A_608 = tpu.memref_slice %arg3[%add3A_584] : memref<100000xi32, #tpu.memory_space<hbm>> -> memref<128xi32, #tpu.memory_space<hbm>>
    tpu.enqueue_dma source(%dma_start3A_608 : memref<128xi32, #tpu.memory_space<hbm>>) target(%dma_start3A_607 : memref<128xi32, #tpu.memory_space<vmem>>) target_semaphore(%arg13 : memref<!tpu.dma_semaphore, #tpu.memory_space<semaphore_mem>>)
    %dma_start3A_609 = arith.constant 2 : i32
    %dma_start3A_610 = arith.constant 0 : i32
    %dma_start3A_611 = tpu.memref_slice %arg7[%dma_start3A_609, %dma_start3A_610] : memref<3x128xi32, #tpu.memory_space<vmem>> -> memref<1x128xi32, #tpu.memory_space<vmem>>
    %dma_start3A_612 = tpu.memref_squeeze %dma_start3A_611 : memref<1x128xi32, #tpu.memory_space<vmem>> -> memref<128xi32, #tpu.memory_space<vmem>>
    %dma_start3A_613 = tpu.memref_slice %arg3[%add3A_586] : memref<100000xi32, #tpu.memory_space<hbm>> -> memref<128xi32, #tpu.memory_space<hbm>>
    %dma_start3A_614 = arith.constant 0 : i32
    %dma_start3A_615 = tpu.memref_slice %arg7[%dma_start3A_609, %dma_start3A_614] : memref<3x128xi32, #tpu.memory_space<vmem>> -> memref<1x128xi32, #tpu.memory_space<vmem>>
    %dma_start3A_616 = tpu.memref_squeeze %dma_start3A_615 : memref<1x128xi32, #tpu.memory_space<vmem>> -> memref<128xi32, #tpu.memory_space<vmem>>
    %dma_start3A_617 = tpu.memref_slice %arg3[%add3A_586] : memref<100000xi32, #tpu.memory_space<hbm>> -> memref<128xi32, #tpu.memory_space<hbm>>
    tpu.enqueue_dma source(%dma_start3A_617 : memref<128xi32, #tpu.memory_space<hbm>>) target(%dma_start3A_616 : memref<128xi32, #tpu.memory_space<vmem>>) target_semaphore(%arg13 : memref<!tpu.dma_semaphore, #tpu.memory_space<semaphore_mem>>)
    %dma_wait3A_618 = arith.constant 0 : i32
    %dma_wait3A_619 = arith.constant 0 : i32
    %dma_wait3A_620 = arith.constant 0 : i32
    %dma_wait3A_621 = tpu.memref_slice %arg6[%dma_wait3A_619, %dma_wait3A_620] : memref<384x128xf32, #tpu.memory_space<vmem>> -> memref<128x128xf32, #tpu.memory_space<vmem>>
    %dma_wait3A_622 = arith.constant 0 : i32
    %dma_wait3A_623 = tpu.memref_slice %arg8[%dma_wait3A_618, %dma_wait3A_622] : memref<3x128xi32, #tpu.memory_space<vmem>> -> memref<1x128xi32, #tpu.memory_space<vmem>>
    %dma_wait3A_624 = tpu.memref_squeeze %dma_wait3A_623 : memref<1x128xi32, #tpu.memory_space<vmem>> -> memref<128xi32, #tpu.memory_space<vmem>>
    %dma_wait3A_625 = arith.constant 0 : i32
    %dma_wait3A_626 = arith.constant 0 : i32
    %dma_wait3A_627 = tpu.memref_slice %arg10[%dma_wait3A_625, %dma_wait3A_626] : memref<80x128xf32, #tpu.memory_space<vmem_shared>> -> memref<80x128xf32, #tpu.memory_space<vmem_shared>>
    tpu.wait_indirect_dma semaphore(%arg16 : memref<!tpu.dma_semaphore, #tpu.memory_space<semaphore_mem>>) src(%dma_wait3A_621 : memref<128x128xf32, #tpu.memory_space<vmem>>) dst(%dma_wait3A_627 : memref<80x128xf32, #tpu.memory_space<vmem_shared>>)
    %dma_wait3A_628 = arith.constant 1 : i32
    %dma_wait3A_629 = arith.constant 128 : i32
    %dma_wait3A_630 = arith.constant 0 : i32
    %dma_wait3A_631 = tpu.memref_slice %arg6[%dma_wait3A_629, %dma_wait3A_630] : memref<384x128xf32, #tpu.memory_space<vmem>> -> memref<128x128xf32, #tpu.memory_space<vmem>>
    %dma_wait3A_632 = arith.constant 0 : i32
    %dma_wait3A_633 = tpu.memref_slice %arg8[%dma_wait3A_628, %dma_wait3A_632] : memref<3x128xi32, #tpu.memory_space<vmem>> -> memref<1x128xi32, #tpu.memory_space<vmem>>
    %dma_wait3A_634 = tpu.memref_squeeze %dma_wait3A_633 : memref<1x128xi32, #tpu.memory_space<vmem>> -> memref<128xi32, #tpu.memory_space<vmem>>
    %dma_wait3A_635 = arith.constant 0 : i32
    %dma_wait3A_636 = arith.constant 0 : i32
    %dma_wait3A_637 = tpu.memref_slice %arg10[%dma_wait3A_635, %dma_wait3A_636] : memref<80x128xf32, #tpu.memory_space<vmem_shared>> -> memref<80x128xf32, #tpu.memory_space<vmem_shared>>
    tpu.wait_indirect_dma semaphore(%arg16 : memref<!tpu.dma_semaphore, #tpu.memory_space<semaphore_mem>>) src(%dma_wait3A_631 : memref<128x128xf32, #tpu.memory_space<vmem>>) dst(%dma_wait3A_637 : memref<80x128xf32, #tpu.memory_space<vmem_shared>>)
    %dma_wait3A_638 = arith.constant 2 : i32
    %dma_wait3A_639 = arith.constant 256 : i32
    %dma_wait3A_640 = arith.constant 0 : i32
    %dma_wait3A_641 = tpu.memref_slice %arg6[%dma_wait3A_639, %dma_wait3A_640] : memref<384x128xf32, #tpu.memory_space<vmem>> -> memref<128x128xf32, #tpu.memory_space<vmem>>
    %dma_wait3A_642 = arith.constant 0 : i32
    %dma_wait3A_643 = tpu.memref_slice %arg8[%dma_wait3A_638, %dma_wait3A_642] : memref<3x128xi32, #tpu.memory_space<vmem>> -> memref<1x128xi32, #tpu.memory_space<vmem>>
    %dma_wait3A_644 = tpu.memref_squeeze %dma_wait3A_643 : memref<1x128xi32, #tpu.memory_space<vmem>> -> memref<128xi32, #tpu.memory_space<vmem>>
    %dma_wait3A_645 = arith.constant 0 : i32
    %dma_wait3A_646 = arith.constant 0 : i32
    %dma_wait3A_647 = tpu.memref_slice %arg10[%dma_wait3A_645, %dma_wait3A_646] : memref<80x128xf32, #tpu.memory_space<vmem_shared>> -> memref<80x128xf32, #tpu.memory_space<vmem_shared>>
    tpu.wait_indirect_dma semaphore(%arg16 : memref<!tpu.dma_semaphore, #tpu.memory_space<semaphore_mem>>) src(%dma_wait3A_641 : memref<128x128xf32, #tpu.memory_space<vmem>>) dst(%dma_wait3A_647 : memref<80x128xf32, #tpu.memory_space<vmem_shared>>)
    %add3A_648 = arith.constant 128 : i32
    %add3A_649 = arith.addi %add3A, %add3A_648 : i32
    %mul3A_650 = arith.constant 384 : i32
    %mul3A_651 = arith.muli %add3A_649, %mul3A_650 : i32
    %add3A_652 = arith.constant 34816 : i32
    %add3A_653 = arith.addi %add3A_652, %mul3A_651 : i32
    %min3A_654 = arith.constant 99616 : i32
    %min3A_655 = arith.minsi %add3A_653, %min3A_654 : i32
    %add3A_656 = arith.constant 0 : i32
    %add3A_657 = arith.addi %min3A_655, %add3A_656 : i32
    %add3A_658 = arith.constant 128 : i32
    %add3A_659 = arith.addi %min3A_655, %add3A_658 : i32
    %add3A_660 = arith.constant 256 : i32
    %add3A_661 = arith.addi %min3A_655, %add3A_660 : i32
    %dma_wait3A_662 = arith.constant 0 : i32
    %dma_wait3A_663 = tpu.memref_slice %arg2[%min3A_655, %dma_wait3A_662] : memref<100000x128xf32, #tpu.memory_space<hbm>> -> memref<384x128xf32, #tpu.memory_space<hbm>>
    %dma_wait3A_664 = arith.constant 0 : i32
    %dma_wait3A_665 = tpu.memref_slice %arg2[%min3A_655, %dma_wait3A_664] : memref<100000x128xf32, #tpu.memory_space<hbm>> -> memref<384x128xf32, #tpu.memory_space<hbm>>
    tpu.wait_dma2 semaphore(%arg11 : memref<!tpu.dma_semaphore, #tpu.memory_space<semaphore_mem>>) src(%dma_wait3A_665 : memref<384x128xf32, #tpu.memory_space<hbm>>) dst(%arg5 : memref<384x128xf32, #tpu.memory_space<vmem>>)
    %dma_wait3A_666 = arith.constant 0 : i32
    %dma_wait3A_667 = arith.constant 0 : i32
    %dma_wait3A_668 = tpu.memref_slice %arg7[%dma_wait3A_666, %dma_wait3A_667] : memref<3x128xi32, #tpu.memory_space<vmem>> -> memref<1x128xi32, #tpu.memory_space<vmem>>
    %dma_wait3A_669 = tpu.memref_squeeze %dma_wait3A_668 : memref<1x128xi32, #tpu.memory_space<vmem>> -> memref<128xi32, #tpu.memory_space<vmem>>
    %dma_wait3A_670 = tpu.memref_slice %arg3[%add3A_657] : memref<100000xi32, #tpu.memory_space<hbm>> -> memref<128xi32, #tpu.memory_space<hbm>>
    %dma_wait3A_671 = arith.constant 0 : i32
    %dma_wait3A_672 = tpu.memref_slice %arg7[%dma_wait3A_666, %dma_wait3A_671] : memref<3x128xi32, #tpu.memory_space<vmem>> -> memref<1x128xi32, #tpu.memory_space<vmem>>
    %dma_wait3A_673 = tpu.memref_squeeze %dma_wait3A_672 : memref<1x128xi32, #tpu.memory_space<vmem>> -> memref<128xi32, #tpu.memory_space<vmem>>
    %dma_wait3A_674 = tpu.memref_slice %arg3[%add3A_657] : memref<100000xi32, #tpu.memory_space<hbm>> -> memref<128xi32, #tpu.memory_space<hbm>>
    tpu.wait_dma2 semaphore(%arg13 : memref<!tpu.dma_semaphore, #tpu.memory_space<semaphore_mem>>) src(%dma_wait3A_674 : memref<128xi32, #tpu.memory_space<hbm>>) dst(%dma_wait3A_673 : memref<128xi32, #tpu.memory_space<vmem>>)
    %dma_wait3A_675 = arith.constant 1 : i32
    %dma_wait3A_676 = arith.constant 0 : i32
    %dma_wait3A_677 = tpu.memref_slice %arg7[%dma_wait3A_675, %dma_wait3A_676] : memref<3x128xi32, #tpu.memory_space<vmem>> -> memref<1x128xi32, #tpu.memory_space<vmem>>
    %dma_wait3A_678 = tpu.memref_squeeze %dma_wait3A_677 : memref<1x128xi32, #tpu.memory_space<vmem>> -> memref<128xi32, #tpu.memory_space<vmem>>
    %dma_wait3A_679 = tpu.memref_slice %arg3[%add3A_659] : memref<100000xi32, #tpu.memory_space<hbm>> -> memref<128xi32, #tpu.memory_space<hbm>>
    %dma_wait3A_680 = arith.constant 0 : i32
    %dma_wait3A_681 = tpu.memref_slice %arg7[%dma_wait3A_675, %dma_wait3A_680] : memref<3x128xi32, #tpu.memory_space<vmem>> -> memref<1x128xi32, #tpu.memory_space<vmem>>
    %dma_wait3A_682 = tpu.memref_squeeze %dma_wait3A_681 : memref<1x128xi32, #tpu.memory_space<vmem>> -> memref<128xi32, #tpu.memory_space<vmem>>
    %dma_wait3A_683 = tpu.memref_slice %arg3[%add3A_659] : memref<100000xi32, #tpu.memory_space<hbm>> -> memref<128xi32, #tpu.memory_space<hbm>>
    tpu.wait_dma2 semaphore(%arg13 : memref<!tpu.dma_semaphore, #tpu.memory_space<semaphore_mem>>) src(%dma_wait3A_683 : memref<128xi32, #tpu.memory_space<hbm>>) dst(%dma_wait3A_682 : memref<128xi32, #tpu.memory_space<vmem>>)
    %dma_wait3A_684 = arith.constant 2 : i32
    %dma_wait3A_685 = arith.constant 0 : i32
    %dma_wait3A_686 = tpu.memref_slice %arg7[%dma_wait3A_684, %dma_wait3A_685] : memref<3x128xi32, #tpu.memory_space<vmem>> -> memref<1x128xi32, #tpu.memory_space<vmem>>
    %dma_wait3A_687 = tpu.memref_squeeze %dma_wait3A_686 : memref<1x128xi32, #tpu.memory_space<vmem>> -> memref<128xi32, #tpu.memory_space<vmem>>
    %dma_wait3A_688 = tpu.memref_slice %arg3[%add3A_661] : memref<100000xi32, #tpu.memory_space<hbm>> -> memref<128xi32, #tpu.memory_space<hbm>>
    %dma_wait3A_689 = arith.constant 0 : i32
    %dma_wait3A_690 = tpu.memref_slice %arg7[%dma_wait3A_684, %dma_wait3A_689] : memref<3x128xi32, #tpu.memory_space<vmem>> -> memref<1x128xi32, #tpu.memory_space<vmem>>
    %dma_wait3A_691 = tpu.memref_squeeze %dma_wait3A_690 : memref<1x128xi32, #tpu.memory_space<vmem>> -> memref<128xi32, #tpu.memory_space<vmem>>
    %dma_wait3A_692 = tpu.memref_slice %arg3[%add3A_661] : memref<100000xi32, #tpu.memory_space<hbm>> -> memref<128xi32, #tpu.memory_space<hbm>>
    tpu.wait_dma2 semaphore(%arg13 : memref<!tpu.dma_semaphore, #tpu.memory_space<semaphore_mem>>) src(%dma_wait3A_692 : memref<128xi32, #tpu.memory_space<hbm>>) dst(%dma_wait3A_691 : memref<128xi32, #tpu.memory_space<vmem>>)
    %dma_start3A_693 = arith.constant 0 : i32
    %dma_start3A_694 = arith.constant 0 : i32
    %dma_start3A_695 = arith.constant 0 : i32
    %dma_start3A_696 = tpu.memref_slice %arg5[%dma_start3A_694, %dma_start3A_695] : memref<384x128xf32, #tpu.memory_space<vmem>> -> memref<128x128xf32, #tpu.memory_space<vmem>>
    %dma_start3A_697 = arith.constant 0 : i32
    %dma_start3A_698 = tpu.memref_slice %arg7[%dma_start3A_693, %dma_start3A_697] : memref<3x128xi32, #tpu.memory_space<vmem>> -> memref<1x128xi32, #tpu.memory_space<vmem>>
    %dma_start3A_699 = tpu.memref_squeeze %dma_start3A_698 : memref<1x128xi32, #tpu.memory_space<vmem>> -> memref<128xi32, #tpu.memory_space<vmem>>
    %dma_start3A_700 = arith.constant 0 : i32
    %dma_start3A_701 = arith.constant 0 : i32
    %dma_start3A_702 = tpu.memref_slice %arg10[%dma_start3A_700, %dma_start3A_701] : memref<80x128xf32, #tpu.memory_space<vmem_shared>> -> memref<80x128xf32, #tpu.memory_space<vmem_shared>>
    tpu.enqueue_indirect_dma source(%dma_start3A_696 : memref<128x128xf32, #tpu.memory_space<vmem>>) target(%dma_start3A_702 : memref<80x128xf32, #tpu.memory_space<vmem_shared>>) offsets(%dma_start3A_699 : memref<128xi32, #tpu.memory_space<vmem>>) semaphore(%arg15 : memref<!tpu.dma_semaphore, #tpu.memory_space<semaphore_mem>>) {add = true}
    %dma_start3A_703 = arith.constant 1 : i32
    %dma_start3A_704 = arith.constant 128 : i32
    %dma_start3A_705 = arith.constant 0 : i32
    %dma_start3A_706 = tpu.memref_slice %arg5[%dma_start3A_704, %dma_start3A_705] : memref<384x128xf32, #tpu.memory_space<vmem>> -> memref<128x128xf32, #tpu.memory_space<vmem>>
    %dma_start3A_707 = arith.constant 0 : i32
    %dma_start3A_708 = tpu.memref_slice %arg7[%dma_start3A_703, %dma_start3A_707] : memref<3x128xi32, #tpu.memory_space<vmem>> -> memref<1x128xi32, #tpu.memory_space<vmem>>
    %dma_start3A_709 = tpu.memref_squeeze %dma_start3A_708 : memref<1x128xi32, #tpu.memory_space<vmem>> -> memref<128xi32, #tpu.memory_space<vmem>>
    %dma_start3A_710 = arith.constant 0 : i32
    %dma_start3A_711 = arith.constant 0 : i32
    %dma_start3A_712 = tpu.memref_slice %arg10[%dma_start3A_710, %dma_start3A_711] : memref<80x128xf32, #tpu.memory_space<vmem_shared>> -> memref<80x128xf32, #tpu.memory_space<vmem_shared>>
    tpu.enqueue_indirect_dma source(%dma_start3A_706 : memref<128x128xf32, #tpu.memory_space<vmem>>) target(%dma_start3A_712 : memref<80x128xf32, #tpu.memory_space<vmem_shared>>) offsets(%dma_start3A_709 : memref<128xi32, #tpu.memory_space<vmem>>) semaphore(%arg15 : memref<!tpu.dma_semaphore, #tpu.memory_space<semaphore_mem>>) {add = true}
    %dma_start3A_713 = arith.constant 2 : i32
    %dma_start3A_714 = arith.constant 256 : i32
    %dma_start3A_715 = arith.constant 0 : i32
    %dma_start3A_716 = tpu.memref_slice %arg5[%dma_start3A_714, %dma_start3A_715] : memref<384x128xf32, #tpu.memory_space<vmem>> -> memref<128x128xf32, #tpu.memory_space<vmem>>
    %dma_start3A_717 = arith.constant 0 : i32
    %dma_start3A_718 = tpu.memref_slice %arg7[%dma_start3A_713, %dma_start3A_717] : memref<3x128xi32, #tpu.memory_space<vmem>> -> memref<1x128xi32, #tpu.memory_space<vmem>>
    %dma_start3A_719 = tpu.memref_squeeze %dma_start3A_718 : memref<1x128xi32, #tpu.memory_space<vmem>> -> memref<128xi32, #tpu.memory_space<vmem>>
    %dma_start3A_720 = arith.constant 0 : i32
    %dma_start3A_721 = arith.constant 0 : i32
    %dma_start3A_722 = tpu.memref_slice %arg10[%dma_start3A_720, %dma_start3A_721] : memref<80x128xf32, #tpu.memory_space<vmem_shared>> -> memref<80x128xf32, #tpu.memory_space<vmem_shared>>
    tpu.enqueue_indirect_dma source(%dma_start3A_716 : memref<128x128xf32, #tpu.memory_space<vmem>>) target(%dma_start3A_722 : memref<80x128xf32, #tpu.memory_space<vmem_shared>>) offsets(%dma_start3A_719 : memref<128xi32, #tpu.memory_space<vmem>>) semaphore(%arg15 : memref<!tpu.dma_semaphore, #tpu.memory_space<semaphore_mem>>) {add = true}
    %lt3A = arith.constant 10 : i32
    %lt3A_723 = arith.cmpi slt, %add3A, %lt3A : i32
    %convert_element_type3A_724 = arith.extui %lt3A_723 : i1 to i32
    %cond3A_725 = arith.constant 0 : i32
    %cond3A_726 = arith.cmpi ne, %convert_element_type3A_724, %cond3A_725 : i32
    scf.if %cond3A_726 {
      %add3A_773 = arith.constant 160 : i32
      %add3A_774 = arith.addi %add3A, %add3A_773 : i32
      %mul3A_775 = arith.constant 384 : i32
      %mul3A_776 = arith.muli %add3A_774, %mul3A_775 : i32
      %add3A_777 = arith.constant 34816 : i32
      %add3A_778 = arith.addi %add3A_777, %mul3A_776 : i32
      %min3A_779 = arith.constant 99616 : i32
      %min3A_780 = arith.minsi %add3A_778, %min3A_779 : i32
      %add3A_781 = arith.constant 0 : i32
      %add3A_782 = arith.addi %min3A_780, %add3A_781 : i32
      %add3A_783 = arith.constant 128 : i32
      %add3A_784 = arith.addi %min3A_780, %add3A_783 : i32
      %add3A_785 = arith.constant 256 : i32
      %add3A_786 = arith.addi %min3A_780, %add3A_785 : i32
      %dma_start3A_787 = arith.constant 0 : i32
      %dma_start3A_788 = tpu.memref_slice %arg2[%min3A_780, %dma_start3A_787] : memref<100000x128xf32, #tpu.memory_space<hbm>> -> memref<384x128xf32, #tpu.memory_space<hbm>>
      %dma_start3A_789 = arith.constant 0 : i32
      %dma_start3A_790 = tpu.memref_slice %arg2[%min3A_780, %dma_start3A_789] : memref<100000x128xf32, #tpu.memory_space<hbm>> -> memref<384x128xf32, #tpu.memory_space<hbm>>
      tpu.enqueue_dma source(%dma_start3A_790 : memref<384x128xf32, #tpu.memory_space<hbm>>) target(%arg6 : memref<384x128xf32, #tpu.memory_space<vmem>>) target_semaphore(%arg12 : memref<!tpu.dma_semaphore, #tpu.memory_space<semaphore_mem>>)
      %dma_start3A_791 = arith.constant 0 : i32
      %dma_start3A_792 = arith.constant 0 : i32
      %dma_start3A_793 = tpu.memref_slice %arg8[%dma_start3A_791, %dma_start3A_792] : memref<3x128xi32, #tpu.memory_space<vmem>> -> memref<1x128xi32, #tpu.memory_space<vmem>>
      %dma_start3A_794 = tpu.memref_squeeze %dma_start3A_793 : memref<1x128xi32, #tpu.memory_space<vmem>> -> memref<128xi32, #tpu.memory_space<vmem>>
      %dma_start3A_795 = tpu.memref_slice %arg3[%add3A_782] : memref<100000xi32, #tpu.memory_space<hbm>> -> memref<128xi32, #tpu.memory_space<hbm>>
      %dma_start3A_796 = arith.constant 0 : i32
      %dma_start3A_797 = tpu.memref_slice %arg8[%dma_start3A_791, %dma_start3A_796] : memref<3x128xi32, #tpu.memory_space<vmem>> -> memref<1x128xi32, #tpu.memory_space<vmem>>
      %dma_start3A_798 = tpu.memref_squeeze %dma_start3A_797 : memref<1x128xi32, #tpu.memory_space<vmem>> -> memref<128xi32, #tpu.memory_space<vmem>>
      %dma_start3A_799 = tpu.memref_slice %arg3[%add3A_782] : memref<100000xi32, #tpu.memory_space<hbm>> -> memref<128xi32, #tpu.memory_space<hbm>>
      tpu.enqueue_dma source(%dma_start3A_799 : memref<128xi32, #tpu.memory_space<hbm>>) target(%dma_start3A_798 : memref<128xi32, #tpu.memory_space<vmem>>) target_semaphore(%arg14 : memref<!tpu.dma_semaphore, #tpu.memory_space<semaphore_mem>>)
      %dma_start3A_800 = arith.constant 1 : i32
      %dma_start3A_801 = arith.constant 0 : i32
      %dma_start3A_802 = tpu.memref_slice %arg8[%dma_start3A_800, %dma_start3A_801] : memref<3x128xi32, #tpu.memory_space<vmem>> -> memref<1x128xi32, #tpu.memory_space<vmem>>
      %dma_start3A_803 = tpu.memref_squeeze %dma_start3A_802 : memref<1x128xi32, #tpu.memory_space<vmem>> -> memref<128xi32, #tpu.memory_space<vmem>>
      %dma_start3A_804 = tpu.memref_slice %arg3[%add3A_784] : memref<100000xi32, #tpu.memory_space<hbm>> -> memref<128xi32, #tpu.memory_space<hbm>>
      %dma_start3A_805 = arith.constant 0 : i32
      %dma_start3A_806 = tpu.memref_slice %arg8[%dma_start3A_800, %dma_start3A_805] : memref<3x128xi32, #tpu.memory_space<vmem>> -> memref<1x128xi32, #tpu.memory_space<vmem>>
      %dma_start3A_807 = tpu.memref_squeeze %dma_start3A_806 : memref<1x128xi32, #tpu.memory_space<vmem>> -> memref<128xi32, #tpu.memory_space<vmem>>
      %dma_start3A_808 = tpu.memref_slice %arg3[%add3A_784] : memref<100000xi32, #tpu.memory_space<hbm>> -> memref<128xi32, #tpu.memory_space<hbm>>
      tpu.enqueue_dma source(%dma_start3A_808 : memref<128xi32, #tpu.memory_space<hbm>>) target(%dma_start3A_807 : memref<128xi32, #tpu.memory_space<vmem>>) target_semaphore(%arg14 : memref<!tpu.dma_semaphore, #tpu.memory_space<semaphore_mem>>)
      %dma_start3A_809 = arith.constant 2 : i32
      %dma_start3A_810 = arith.constant 0 : i32
      %dma_start3A_811 = tpu.memref_slice %arg8[%dma_start3A_809, %dma_start3A_810] : memref<3x128xi32, #tpu.memory_space<vmem>> -> memref<1x128xi32, #tpu.memory_space<vmem>>
      %dma_start3A_812 = tpu.memref_squeeze %dma_start3A_811 : memref<1x128xi32, #tpu.memory_space<vmem>> -> memref<128xi32, #tpu.memory_space<vmem>>
      %dma_start3A_813 = tpu.memref_slice %arg3[%add3A_786] : memref<100000xi32, #tpu.memory_space<hbm>> -> memref<128xi32, #tpu.memory_space<hbm>>
      %dma_start3A_814 = arith.constant 0 : i32
      %dma_start3A_815 = tpu.memref_slice %arg8[%dma_start3A_809, %dma_start3A_814] : memref<3x128xi32, #tpu.memory_space<vmem>> -> memref<1x128xi32, #tpu.memory_space<vmem>>
      %dma_start3A_816 = tpu.memref_squeeze %dma_start3A_815 : memref<1x128xi32, #tpu.memory_space<vmem>> -> memref<128xi32, #tpu.memory_space<vmem>>
      %dma_start3A_817 = tpu.memref_slice %arg3[%add3A_786] : memref<100000xi32, #tpu.memory_space<hbm>> -> memref<128xi32, #tpu.memory_space<hbm>>
      tpu.enqueue_dma source(%dma_start3A_817 : memref<128xi32, #tpu.memory_space<hbm>>) target(%dma_start3A_816 : memref<128xi32, #tpu.memory_space<vmem>>) target_semaphore(%arg14 : memref<!tpu.dma_semaphore, #tpu.memory_space<semaphore_mem>>)
    } else {
    }
    %dma_wait3A_727 = arith.constant 0 : i32
    %dma_wait3A_728 = arith.constant 0 : i32
    %dma_wait3A_729 = arith.constant 0 : i32
    %dma_wait3A_730 = tpu.memref_slice %arg5[%dma_wait3A_728, %dma_wait3A_729] : memref<384x128xf32, #tpu.memory_space<vmem>> -> memref<128x128xf32, #tpu.memory_space<vmem>>
    %dma_wait3A_731 = arith.constant 0 : i32
    %dma_wait3A_732 = tpu.memref_slice %arg7[%dma_wait3A_727, %dma_wait3A_731] : memref<3x128xi32, #tpu.memory_space<vmem>> -> memref<1x128xi32, #tpu.memory_space<vmem>>
    %dma_wait3A_733 = tpu.memref_squeeze %dma_wait3A_732 : memref<1x128xi32, #tpu.memory_space<vmem>> -> memref<128xi32, #tpu.memory_space<vmem>>
    %dma_wait3A_734 = arith.constant 0 : i32
    %dma_wait3A_735 = arith.constant 0 : i32
    %dma_wait3A_736 = tpu.memref_slice %arg10[%dma_wait3A_734, %dma_wait3A_735] : memref<80x128xf32, #tpu.memory_space<vmem_shared>> -> memref<80x128xf32, #tpu.memory_space<vmem_shared>>
    tpu.wait_indirect_dma semaphore(%arg15 : memref<!tpu.dma_semaphore, #tpu.memory_space<semaphore_mem>>) src(%dma_wait3A_730 : memref<128x128xf32, #tpu.memory_space<vmem>>) dst(%dma_wait3A_736 : memref<80x128xf32, #tpu.memory_space<vmem_shared>>)
    %dma_wait3A_737 = arith.constant 1 : i32
    %dma_wait3A_738 = arith.constant 128 : i32
    %dma_wait3A_739 = arith.constant 0 : i32
    %dma_wait3A_740 = tpu.memref_slice %arg5[%dma_wait3A_738, %dma_wait3A_739] : memref<384x128xf32, #tpu.memory_space<vmem>> -> memref<128x128xf32, #tpu.memory_space<vmem>>
    %dma_wait3A_741 = arith.constant 0 : i32
    %dma_wait3A_742 = tpu.memref_slice %arg7[%dma_wait3A_737, %dma_wait3A_741] : memref<3x128xi32, #tpu.memory_space<vmem>> -> memref<1x128xi32, #tpu.memory_space<vmem>>
    %dma_wait3A_743 = tpu.memref_squeeze %dma_wait3A_742 : memref<1x128xi32, #tpu.memory_space<vmem>> -> memref<128xi32, #tpu.memory_space<vmem>>
    %dma_wait3A_744 = arith.constant 0 : i32
    %dma_wait3A_745 = arith.constant 0 : i32
    %dma_wait3A_746 = tpu.memref_slice %arg10[%dma_wait3A_744, %dma_wait3A_745] : memref<80x128xf32, #tpu.memory_space<vmem_shared>> -> memref<80x128xf32, #tpu.memory_space<vmem_shared>>
    tpu.wait_indirect_dma semaphore(%arg15 : memref<!tpu.dma_semaphore, #tpu.memory_space<semaphore_mem>>) src(%dma_wait3A_740 : memref<128x128xf32, #tpu.memory_space<vmem>>) dst(%dma_wait3A_746 : memref<80x128xf32, #tpu.memory_space<vmem_shared>>)
    %dma_wait3A_747 = arith.constant 2 : i32
    %dma_wait3A_748 = arith.constant 256 : i32
    %dma_wait3A_749 = arith.constant 0 : i32
    %dma_wait3A_750 = tpu.memref_slice %arg5[%dma_wait3A_748, %dma_wait3A_749] : memref<384x128xf32, #tpu.memory_space<vmem>> -> memref<128x128xf32, #tpu.memory_space<vmem>>
    %dma_wait3A_751 = arith.constant 0 : i32
    %dma_wait3A_752 = tpu.memref_slice %arg7[%dma_wait3A_747, %dma_wait3A_751] : memref<3x128xi32, #tpu.memory_space<vmem>> -> memref<1x128xi32, #tpu.memory_space<vmem>>
    %dma_wait3A_753 = tpu.memref_squeeze %dma_wait3A_752 : memref<1x128xi32, #tpu.memory_space<vmem>> -> memref<128xi32, #tpu.memory_space<vmem>>
    %dma_wait3A_754 = arith.constant 0 : i32
    %dma_wait3A_755 = arith.constant 0 : i32
    %dma_wait3A_756 = tpu.memref_slice %arg10[%dma_wait3A_754, %dma_wait3A_755] : memref<80x128xf32, #tpu.memory_space<vmem_shared>> -> memref<80x128xf32, #tpu.memory_space<vmem_shared>>
    tpu.wait_indirect_dma semaphore(%arg15 : memref<!tpu.dma_semaphore, #tpu.memory_space<semaphore_mem>>) src(%dma_wait3A_750 : memref<128x128xf32, #tpu.memory_space<vmem>>) dst(%dma_wait3A_756 : memref<80x128xf32, #tpu.memory_space<vmem_shared>>)
    %lt3A_757 = arith.constant 10 : i32
    %lt3A_758 = arith.cmpi slt, %add3A, %lt3A_757 : i32
    %convert_element_type3A_759 = arith.extui %lt3A_758 : i1 to i32
    %cond3A_760 = arith.constant 0 : i32
    %cond3A_761 = arith.cmpi ne, %convert_element_type3A_759, %cond3A_760 : i32
    scf.if %cond3A_761 {
      %add3A_773 = arith.constant 160 : i32
      %add3A_774 = arith.addi %add3A, %add3A_773 : i32
      %mul3A_775 = arith.constant 384 : i32
      %mul3A_776 = arith.muli %add3A_774, %mul3A_775 : i32
      %add3A_777 = arith.constant 34816 : i32
      %add3A_778 = arith.addi %add3A_777, %mul3A_776 : i32
      %min3A_779 = arith.constant 99616 : i32
      %min3A_780 = arith.minsi %add3A_778, %min3A_779 : i32
      %add3A_781 = arith.constant 0 : i32
      %add3A_782 = arith.addi %min3A_780, %add3A_781 : i32
      %add3A_783 = arith.constant 128 : i32
      %add3A_784 = arith.addi %min3A_780, %add3A_783 : i32
      %add3A_785 = arith.constant 256 : i32
      %add3A_786 = arith.addi %min3A_780, %add3A_785 : i32
      %dma_wait3A_787 = arith.constant 0 : i32
      %dma_wait3A_788 = tpu.memref_slice %arg2[%min3A_780, %dma_wait3A_787] : memref<100000x128xf32, #tpu.memory_space<hbm>> -> memref<384x128xf32, #tpu.memory_space<hbm>>
      %dma_wait3A_789 = arith.constant 0 : i32
      %dma_wait3A_790 = tpu.memref_slice %arg2[%min3A_780, %dma_wait3A_789] : memref<100000x128xf32, #tpu.memory_space<hbm>> -> memref<384x128xf32, #tpu.memory_space<hbm>>
      tpu.wait_dma2 semaphore(%arg12 : memref<!tpu.dma_semaphore, #tpu.memory_space<semaphore_mem>>) src(%dma_wait3A_790 : memref<384x128xf32, #tpu.memory_space<hbm>>) dst(%arg6 : memref<384x128xf32, #tpu.memory_space<vmem>>)
      %dma_wait3A_791 = arith.constant 0 : i32
      %dma_wait3A_792 = arith.constant 0 : i32
      %dma_wait3A_793 = tpu.memref_slice %arg8[%dma_wait3A_791, %dma_wait3A_792] : memref<3x128xi32, #tpu.memory_space<vmem>> -> memref<1x128xi32, #tpu.memory_space<vmem>>
      %dma_wait3A_794 = tpu.memref_squeeze %dma_wait3A_793 : memref<1x128xi32, #tpu.memory_space<vmem>> -> memref<128xi32, #tpu.memory_space<vmem>>
      %dma_wait3A_795 = tpu.memref_slice %arg3[%add3A_782] : memref<100000xi32, #tpu.memory_space<hbm>> -> memref<128xi32, #tpu.memory_space<hbm>>
      %dma_wait3A_796 = arith.constant 0 : i32
      %dma_wait3A_797 = tpu.memref_slice %arg8[%dma_wait3A_791, %dma_wait3A_796] : memref<3x128xi32, #tpu.memory_space<vmem>> -> memref<1x128xi32, #tpu.memory_space<vmem>>
      %dma_wait3A_798 = tpu.memref_squeeze %dma_wait3A_797 : memref<1x128xi32, #tpu.memory_space<vmem>> -> memref<128xi32, #tpu.memory_space<vmem>>
      %dma_wait3A_799 = tpu.memref_slice %arg3[%add3A_782] : memref<100000xi32, #tpu.memory_space<hbm>> -> memref<128xi32, #tpu.memory_space<hbm>>
      tpu.wait_dma2 semaphore(%arg14 : memref<!tpu.dma_semaphore, #tpu.memory_space<semaphore_mem>>) src(%dma_wait3A_799 : memref<128xi32, #tpu.memory_space<hbm>>) dst(%dma_wait3A_798 : memref<128xi32, #tpu.memory_space<vmem>>)
      %dma_wait3A_800 = arith.constant 1 : i32
      %dma_wait3A_801 = arith.constant 0 : i32
      %dma_wait3A_802 = tpu.memref_slice %arg8[%dma_wait3A_800, %dma_wait3A_801] : memref<3x128xi32, #tpu.memory_space<vmem>> -> memref<1x128xi32, #tpu.memory_space<vmem>>
      %dma_wait3A_803 = tpu.memref_squeeze %dma_wait3A_802 : memref<1x128xi32, #tpu.memory_space<vmem>> -> memref<128xi32, #tpu.memory_space<vmem>>
      %dma_wait3A_804 = tpu.memref_slice %arg3[%add3A_784] : memref<100000xi32, #tpu.memory_space<hbm>> -> memref<128xi32, #tpu.memory_space<hbm>>
      %dma_wait3A_805 = arith.constant 0 : i32
      %dma_wait3A_806 = tpu.memref_slice %arg8[%dma_wait3A_800, %dma_wait3A_805] : memref<3x128xi32, #tpu.memory_space<vmem>> -> memref<1x128xi32, #tpu.memory_space<vmem>>
      %dma_wait3A_807 = tpu.memref_squeeze %dma_wait3A_806 : memref<1x128xi32, #tpu.memory_space<vmem>> -> memref<128xi32, #tpu.memory_space<vmem>>
      %dma_wait3A_808 = tpu.memref_slice %arg3[%add3A_784] : memref<100000xi32, #tpu.memory_space<hbm>> -> memref<128xi32, #tpu.memory_space<hbm>>
      tpu.wait_dma2 semaphore(%arg14 : memref<!tpu.dma_semaphore, #tpu.memory_space<semaphore_mem>>) src(%dma_wait3A_808 : memref<128xi32, #tpu.memory_space<hbm>>) dst(%dma_wait3A_807 : memref<128xi32, #tpu.memory_space<vmem>>)
      %dma_wait3A_809 = arith.constant 2 : i32
      %dma_wait3A_810 = arith.constant 0 : i32
      %dma_wait3A_811 = tpu.memref_slice %arg8[%dma_wait3A_809, %dma_wait3A_810] : memref<3x128xi32, #tpu.memory_space<vmem>> -> memref<1x128xi32, #tpu.memory_space<vmem>>
      %dma_wait3A_812 = tpu.memref_squeeze %dma_wait3A_811 : memref<1x128xi32, #tpu.memory_space<vmem>> -> memref<128xi32, #tpu.memory_space<vmem>>
      %dma_wait3A_813 = tpu.memref_slice %arg3[%add3A_786] : memref<100000xi32, #tpu.memory_space<hbm>> -> memref<128xi32, #tpu.memory_space<hbm>>
      %dma_wait3A_814 = arith.constant 0 : i32
      %dma_wait3A_815 = tpu.memref_slice %arg8[%dma_wait3A_809, %dma_wait3A_814] : memref<3x128xi32, #tpu.memory_space<vmem>> -> memref<1x128xi32, #tpu.memory_space<vmem>>
      %dma_wait3A_816 = tpu.memref_squeeze %dma_wait3A_815 : memref<1x128xi32, #tpu.memory_space<vmem>> -> memref<128xi32, #tpu.memory_space<vmem>>
      %dma_wait3A_817 = tpu.memref_slice %arg3[%add3A_786] : memref<100000xi32, #tpu.memory_space<hbm>> -> memref<128xi32, #tpu.memory_space<hbm>>
      tpu.wait_dma2 semaphore(%arg14 : memref<!tpu.dma_semaphore, #tpu.memory_space<semaphore_mem>>) src(%dma_wait3A_817 : memref<128xi32, #tpu.memory_space<hbm>>) dst(%dma_wait3A_816 : memref<128xi32, #tpu.memory_space<vmem>>)
      %eq3A_818 = arith.constant 9 : i32
      %eq3A_819 = arith.cmpi eq, %add3A, %eq3A_818 : i32
      %convert_element_type3A_820 = arith.extui %eq3A_819 : i1 to i32
      %cond3A_821 = arith.constant 0 : i32
      %cond3A_822 = arith.cmpi ne, %convert_element_type3A_820, %cond3A_821 : i32
      scf.if %cond3A_822 {
        %swap3A = arith.constant 0 : i32
        %swap3A_853 = arith.index_cast %swap3A : i32 to index
        %swap3A_854 = arith.constant 0 : index
        %swap3A_855 = tpu.vector_load %arg8[%swap3A_853, %swap3A_854] {strides = array<i32>} : memref<3x128xi32, #tpu.memory_space<vmem>>, vector<1x16xi32>,
        %swap3A_856 = vector.shape_cast %swap3A_855 : vector<1x16xi32> to vector<16xi32>
        %swap3A_857 = vector.shape_cast %broadcast_in_dim3A_3 : vector<16xi32> to vector<1x16xi32>
        tpu.vector_store %arg8[%swap3A_853, %swap3A_854], %swap3A_857 {strides = array<i32>} : memref<3x128xi32, #tpu.memory_space<vmem>>, vector<1x16xi32>,
        %swap3A_858 = arith.constant 0 : i32
        %swap3A_859 = arith.index_cast %swap3A_858 : i32 to index
        %swap3A_860 = arith.constant 16 : index
        %swap3A_861 = tpu.vector_load %arg8[%swap3A_859, %swap3A_860] {strides = array<i32>} : memref<3x128xi32, #tpu.memory_space<vmem>>, vector<1x16xi32>,
        %swap3A_862 = vector.shape_cast %swap3A_861 : vector<1x16xi32> to vector<16xi32>
        %swap3A_863 = vector.shape_cast %broadcast_in_dim3A_3 : vector<16xi32> to vector<1x16xi32>
        tpu.vector_store %arg8[%swap3A_859, %swap3A_860], %swap3A_863 {strides = array<i32>} : memref<3x128xi32, #tpu.memory_space<vmem>>, vector<1x16xi32>,
        %swap3A_864 = arith.constant 0 : i32
        %swap3A_865 = arith.index_cast %swap3A_864 : i32 to index
        %swap3A_866 = arith.constant 32 : index
        %swap3A_867 = tpu.vector_load %arg8[%swap3A_865, %swap3A_866] {strides = array<i32>} : memref<3x128xi32, #tpu.memory_space<vmem>>, vector<1x16xi32>,
        %swap3A_868 = vector.shape_cast %swap3A_867 : vector<1x16xi32> to vector<16xi32>
        %swap3A_869 = vector.shape_cast %broadcast_in_dim3A_3 : vector<16xi32> to vector<1x16xi32>
        tpu.vector_store %arg8[%swap3A_865, %swap3A_866], %swap3A_869 {strides = array<i32>} : memref<3x128xi32, #tpu.memory_space<vmem>>, vector<1x16xi32>,
        %swap3A_870 = arith.constant 0 : i32
        %swap3A_871 = arith.index_cast %swap3A_870 : i32 to index
        %swap3A_872 = arith.constant 48 : index
        %swap3A_873 = tpu.vector_load %arg8[%swap3A_871, %swap3A_872] {strides = array<i32>} : memref<3x128xi32, #tpu.memory_space<vmem>>, vector<1x16xi32>,
        %swap3A_874 = vector.shape_cast %swap3A_873 : vector<1x16xi32> to vector<16xi32>
        %swap3A_875 = vector.shape_cast %broadcast_in_dim3A_3 : vector<16xi32> to vector<1x16xi32>
        tpu.vector_store %arg8[%swap3A_871, %swap3A_872], %swap3A_875 {strides = array<i32>} : memref<3x128xi32, #tpu.memory_space<vmem>>, vector<1x16xi32>,
        %swap3A_876 = arith.constant 0 : i32
        %swap3A_877 = arith.index_cast %swap3A_876 : i32 to index
        %swap3A_878 = arith.constant 64 : index
        %swap3A_879 = tpu.vector_load %arg8[%swap3A_877, %swap3A_878] {strides = array<i32>} : memref<3x128xi32, #tpu.memory_space<vmem>>, vector<1x16xi32>,
        %swap3A_880 = vector.shape_cast %swap3A_879 : vector<1x16xi32> to vector<16xi32>
        %swap3A_881 = vector.shape_cast %broadcast_in_dim3A_3 : vector<16xi32> to vector<1x16xi32>
        tpu.vector_store %arg8[%swap3A_877, %swap3A_878], %swap3A_881 {strides = array<i32>} : memref<3x128xi32, #tpu.memory_space<vmem>>, vector<1x16xi32>,
        %swap3A_882 = arith.constant 0 : i32
        %swap3A_883 = arith.index_cast %swap3A_882 : i32 to index
        %swap3A_884 = arith.constant 80 : index
        %swap3A_885 = tpu.vector_load %arg8[%swap3A_883, %swap3A_884] {strides = array<i32>} : memref<3x128xi32, #tpu.memory_space<vmem>>, vector<1x16xi32>,
        %swap3A_886 = vector.shape_cast %swap3A_885 : vector<1x16xi32> to vector<16xi32>
        %swap3A_887 = vector.shape_cast %broadcast_in_dim3A_3 : vector<16xi32> to vector<1x16xi32>
        tpu.vector_store %arg8[%swap3A_883, %swap3A_884], %swap3A_887 {strides = array<i32>} : memref<3x128xi32, #tpu.memory_space<vmem>>, vector<1x16xi32>,
      } else {
      }
      %dma_start3A_823 = arith.constant 0 : i32
      %dma_start3A_824 = arith.constant 0 : i32
      %dma_start3A_825 = arith.constant 0 : i32
      %dma_start3A_826 = tpu.memref_slice %arg6[%dma_start3A_824, %dma_start3A_825] : memref<384x128xf32, #tpu.memory_space<vmem>> -> memref<128x128xf32, #tpu.memory_space<vmem>>
      %dma_start3A_827 = arith.constant 0 : i32
      %dma_start3A_828 = tpu.memref_slice %arg8[%dma_start3A_823, %dma_start3A_827] : memref<3x128xi32, #tpu.memory_space<vmem>> -> memref<1x128xi32, #tpu.memory_space<vmem>>
      %dma_start3A_829 = tpu.memref_squeeze %dma_start3A_828 : memref<1x128xi32, #tpu.memory_space<vmem>> -> memref<128xi32, #tpu.memory_space<vmem>>
      %dma_start3A_830 = arith.constant 0 : i32
      %dma_start3A_831 = arith.constant 0 : i32
      %dma_start3A_832 = tpu.memref_slice %arg10[%dma_start3A_830, %dma_start3A_831] : memref<80x128xf32, #tpu.memory_space<vmem_shared>> -> memref<80x128xf32, #tpu.memory_space<vmem_shared>>
      tpu.enqueue_indirect_dma source(%dma_start3A_826 : memref<128x128xf32, #tpu.memory_space<vmem>>) target(%dma_start3A_832 : memref<80x128xf32, #tpu.memory_space<vmem_shared>>) offsets(%dma_start3A_829 : memref<128xi32, #tpu.memory_space<vmem>>) semaphore(%arg16 : memref<!tpu.dma_semaphore, #tpu.memory_space<semaphore_mem>>) {add = true}
      %dma_start3A_833 = arith.constant 1 : i32
      %dma_start3A_834 = arith.constant 128 : i32
      %dma_start3A_835 = arith.constant 0 : i32
      %dma_start3A_836 = tpu.memref_slice %arg6[%dma_start3A_834, %dma_start3A_835] : memref<384x128xf32, #tpu.memory_space<vmem>> -> memref<128x128xf32, #tpu.memory_space<vmem>>
      %dma_start3A_837 = arith.constant 0 : i32
      %dma_start3A_838 = tpu.memref_slice %arg8[%dma_start3A_833, %dma_start3A_837] : memref<3x128xi32, #tpu.memory_space<vmem>> -> memref<1x128xi32, #tpu.memory_space<vmem>>
      %dma_start3A_839 = tpu.memref_squeeze %dma_start3A_838 : memref<1x128xi32, #tpu.memory_space<vmem>> -> memref<128xi32, #tpu.memory_space<vmem>>
      %dma_start3A_840 = arith.constant 0 : i32
      %dma_start3A_841 = arith.constant 0 : i32
      %dma_start3A_842 = tpu.memref_slice %arg10[%dma_start3A_840, %dma_start3A_841] : memref<80x128xf32, #tpu.memory_space<vmem_shared>> -> memref<80x128xf32, #tpu.memory_space<vmem_shared>>
      tpu.enqueue_indirect_dma source(%dma_start3A_836 : memref<128x128xf32, #tpu.memory_space<vmem>>) target(%dma_start3A_842 : memref<80x128xf32, #tpu.memory_space<vmem_shared>>) offsets(%dma_start3A_839 : memref<128xi32, #tpu.memory_space<vmem>>) semaphore(%arg16 : memref<!tpu.dma_semaphore, #tpu.memory_space<semaphore_mem>>) {add = true}
      %dma_start3A_843 = arith.constant 2 : i32
      %dma_start3A_844 = arith.constant 256 : i32
      %dma_start3A_845 = arith.constant 0 : i32
      %dma_start3A_846 = tpu.memref_slice %arg6[%dma_start3A_844, %dma_start3A_845] : memref<384x128xf32, #tpu.memory_space<vmem>> -> memref<128x128xf32, #tpu.memory_space<vmem>>
      %dma_start3A_847 = arith.constant 0 : i32
      %dma_start3A_848 = tpu.memref_slice %arg8[%dma_start3A_843, %dma_start3A_847] : memref<3x128xi32, #tpu.memory_space<vmem>> -> memref<1x128xi32, #tpu.memory_space<vmem>>
      %dma_start3A_849 = tpu.memref_squeeze %dma_start3A_848 : memref<1x128xi32, #tpu.memory_space<vmem>> -> memref<128xi32, #tpu.memory_space<vmem>>
      %dma_start3A_850 = arith.constant 0 : i32
      %dma_start3A_851 = arith.constant 0 : i32
      %dma_start3A_852 = tpu.memref_slice %arg10[%dma_start3A_850, %dma_start3A_851] : memref<80x128xf32, #tpu.memory_space<vmem_shared>> -> memref<80x128xf32, #tpu.memory_space<vmem_shared>>
      tpu.enqueue_indirect_dma source(%dma_start3A_846 : memref<128x128xf32, #tpu.memory_space<vmem>>) target(%dma_start3A_852 : memref<80x128xf32, #tpu.memory_space<vmem_shared>>) offsets(%dma_start3A_849 : memref<128xi32, #tpu.memory_space<vmem>>) semaphore(%arg16 : memref<!tpu.dma_semaphore, #tpu.memory_space<semaphore_mem>>) {add = true}
    } else {
    }
    %lt3A_762 = arith.constant 10 : i32
    %lt3A_763 = arith.cmpi slt, %add3A, %lt3A_762 : i32
    %convert_element_type3A_764 = arith.extui %lt3A_763 : i1 to i32
    %cond3A_765 = arith.constant 0 : i32
    %cond3A_766 = arith.cmpi ne, %convert_element_type3A_764, %cond3A_765 : i32
    scf.if %cond3A_766 {
      %dma_wait3A_773 = arith.constant 0 : i32
      %dma_wait3A_774 = arith.constant 0 : i32
      %dma_wait3A_775 = arith.constant 0 : i32
      %dma_wait3A_776 = tpu.memref_slice %arg6[%dma_wait3A_774, %dma_wait3A_775] : memref<384x128xf32, #tpu.memory_space<vmem>> -> memref<128x128xf32, #tpu.memory_space<vmem>>
      %dma_wait3A_777 = arith.constant 0 : i32
      %dma_wait3A_778 = tpu.memref_slice %arg8[%dma_wait3A_773, %dma_wait3A_777] : memref<3x128xi32, #tpu.memory_space<vmem>> -> memref<1x128xi32, #tpu.memory_space<vmem>>
      %dma_wait3A_779 = tpu.memref_squeeze %dma_wait3A_778 : memref<1x128xi32, #tpu.memory_space<vmem>> -> memref<128xi32, #tpu.memory_space<vmem>>
      %dma_wait3A_780 = arith.constant 0 : i32
      %dma_wait3A_781 = arith.constant 0 : i32
      %dma_wait3A_782 = tpu.memref_slice %arg10[%dma_wait3A_780, %dma_wait3A_781] : memref<80x128xf32, #tpu.memory_space<vmem_shared>> -> memref<80x128xf32, #tpu.memory_space<vmem_shared>>
      tpu.wait_indirect_dma semaphore(%arg16 : memref<!tpu.dma_semaphore, #tpu.memory_space<semaphore_mem>>) src(%dma_wait3A_776 : memref<128x128xf32, #tpu.memory_space<vmem>>) dst(%dma_wait3A_782 : memref<80x128xf32, #tpu.memory_space<vmem_shared>>)
      %dma_wait3A_783 = arith.constant 1 : i32
      %dma_wait3A_784 = arith.constant 128 : i32
      %dma_wait3A_785 = arith.constant 0 : i32
      %dma_wait3A_786 = tpu.memref_slice %arg6[%dma_wait3A_784, %dma_wait3A_785] : memref<384x128xf32, #tpu.memory_space<vmem>> -> memref<128x128xf32, #tpu.memory_space<vmem>>
      %dma_wait3A_787 = arith.constant 0 : i32
      %dma_wait3A_788 = tpu.memref_slice %arg8[%dma_wait3A_783, %dma_wait3A_787] : memref<3x128xi32, #tpu.memory_space<vmem>> -> memref<1x128xi32, #tpu.memory_space<vmem>>
      %dma_wait3A_789 = tpu.memref_squeeze %dma_wait3A_788 : memref<1x128xi32, #tpu.memory_space<vmem>> -> memref<128xi32, #tpu.memory_space<vmem>>
      %dma_wait3A_790 = arith.constant 0 : i32
      %dma_wait3A_791 = arith.constant 0 : i32
      %dma_wait3A_792 = tpu.memref_slice %arg10[%dma_wait3A_790, %dma_wait3A_791] : memref<80x128xf32, #tpu.memory_space<vmem_shared>> -> memref<80x128xf32, #tpu.memory_space<vmem_shared>>
      tpu.wait_indirect_dma semaphore(%arg16 : memref<!tpu.dma_semaphore, #tpu.memory_space<semaphore_mem>>) src(%dma_wait3A_786 : memref<128x128xf32, #tpu.memory_space<vmem>>) dst(%dma_wait3A_792 : memref<80x128xf32, #tpu.memory_space<vmem_shared>>)
      %dma_wait3A_793 = arith.constant 2 : i32
      %dma_wait3A_794 = arith.constant 256 : i32
      %dma_wait3A_795 = arith.constant 0 : i32
      %dma_wait3A_796 = tpu.memref_slice %arg6[%dma_wait3A_794, %dma_wait3A_795] : memref<384x128xf32, #tpu.memory_space<vmem>> -> memref<128x128xf32, #tpu.memory_space<vmem>>
      %dma_wait3A_797 = arith.constant 0 : i32
      %dma_wait3A_798 = tpu.memref_slice %arg8[%dma_wait3A_793, %dma_wait3A_797] : memref<3x128xi32, #tpu.memory_space<vmem>> -> memref<1x128xi32, #tpu.memory_space<vmem>>
      %dma_wait3A_799 = tpu.memref_squeeze %dma_wait3A_798 : memref<1x128xi32, #tpu.memory_space<vmem>> -> memref<128xi32, #tpu.memory_space<vmem>>
      %dma_wait3A_800 = arith.constant 0 : i32
      %dma_wait3A_801 = arith.constant 0 : i32
      %dma_wait3A_802 = tpu.memref_slice %arg10[%dma_wait3A_800, %dma_wait3A_801] : memref<80x128xf32, #tpu.memory_space<vmem_shared>> -> memref<80x128xf32, #tpu.memory_space<vmem_shared>>
      tpu.wait_indirect_dma semaphore(%arg16 : memref<!tpu.dma_semaphore, #tpu.memory_space<semaphore_mem>>) src(%dma_wait3A_796 : memref<128x128xf32, #tpu.memory_space<vmem>>) dst(%dma_wait3A_802 : memref<80x128xf32, #tpu.memory_space<vmem_shared>>)
    } else {
    }
    %barrier3A_767 = arith.constant 0 : index
    tpu.barrier barrier_id(%barrier3A_767)
    %eq3A_768 = arith.constant 0 : i32
    %eq3A_769 = arith.cmpi eq, %arg1, %eq3A_768 : i32
    %convert_element_type3A_770 = arith.extui %eq3A_769 : i1 to i32
    %cond3A_771 = arith.constant 0 : i32
    %cond3A_772 = arith.cmpi ne, %convert_element_type3A_770, %cond3A_771 : i32
    scf.if %cond3A_772 {
      "tpu.region"() ({
        %run_scoped3A = tpu.sem_alloc : memref<!tpu.dma_semaphore, #tpu.memory_space<semaphore_mem>>
        tpu.enqueue_dma source(%arg10 : memref<80x128xf32, #tpu.memory_space<vmem_shared>>) target(%arg9 : memref<80x128xf32, #tpu.memory_space<vmem>>) target_semaphore(%run_scoped3A : memref<!tpu.dma_semaphore, #tpu.memory_space<semaphore_mem>>)
        tpu.wait_dma2 semaphore(%run_scoped3A : memref<!tpu.dma_semaphore, #tpu.memory_space<semaphore_mem>>) src(%arg10 : memref<80x128xf32, #tpu.memory_space<vmem_shared>>) dst(%arg9 : memref<80x128xf32, #tpu.memory_space<vmem>>)
        tpu.yield
      }) : () -> ()
      "tpu.region"() ({
        %run_scoped3A = tpu.sem_alloc : memref<!tpu.dma_semaphore, #tpu.memory_space<semaphore_mem>>
        %dma_start3A_773 = arith.constant 0 : i32
        %dma_start3A_774 = arith.constant 0 : i32
        %dma_start3A_775 = tpu.memref_slice %arg4[%arg0, %dma_start3A_773, %dma_start3A_774] : memref<2x80x128xf32, #tpu.memory_space<hbm>> -> memref<1x80x128xf32, #tpu.memory_space<hbm>>
        %dma_start3A_776 = tpu.memref_squeeze %dma_start3A_775 : memref<1x80x128xf32, #tpu.memory_space<hbm>> -> memref<80x128xf32, #tpu.memory_space<hbm>>
        %dma_start3A_777 = arith.constant 0 : i32
        %dma_start3A_778 = arith.constant 0 : i32
        %dma_start3A_779 = tpu.memref_slice %arg4[%arg0, %dma_start3A_777, %dma_start3A_778] : memref<2x80x128xf32, #tpu.memory_space<hbm>> -> memref<1x80x128xf32, #tpu.memory_space<hbm>>
        %dma_start3A_780 = tpu.memref_squeeze %dma_start3A_779 : memref<1x80x128xf32, #tpu.memory_space<hbm>> -> memref<80x128xf32, #tpu.memory_space<hbm>>
        tpu.enqueue_dma source(%arg9 : memref<80x128xf32, #tpu.memory_space<vmem>>) target(%dma_start3A_780 : memref<80x128xf32, #tpu.memory_space<hbm>>) target_semaphore(%run_scoped3A : memref<!tpu.dma_semaphore, #tpu.memory_space<semaphore_mem>>)
        %dma_wait3A_781 = arith.constant 0 : i32
        %dma_wait3A_782 = arith.constant 0 : i32
        %dma_wait3A_783 = tpu.memref_slice %arg4[%arg0, %dma_wait3A_781, %dma_wait3A_782] : memref<2x80x128xf32, #tpu.memory_space<hbm>> -> memref<1x80x128xf32, #tpu.memory_space<hbm>>
        %dma_wait3A_784 = tpu.memref_squeeze %dma_wait3A_783 : memref<1x80x128xf32, #tpu.memory_space<hbm>> -> memref<80x128xf32, #tpu.memory_space<hbm>>
        %dma_wait3A_785 = arith.constant 0 : i32
        %dma_wait3A_786 = arith.constant 0 : i32
        %dma_wait3A_787 = tpu.memref_slice %arg4[%arg0, %dma_wait3A_785, %dma_wait3A_786] : memref<2x80x128xf32, #tpu.memory_space<hbm>> -> memref<1x80x128xf32, #tpu.memory_space<hbm>>
        %dma_wait3A_788 = tpu.memref_squeeze %dma_wait3A_787 : memref<1x80x128xf32, #tpu.memory_space<hbm>> -> memref<80x128xf32, #tpu.memory_space<hbm>>
        tpu.wait_dma2 semaphore(%run_scoped3A : memref<!tpu.dma_semaphore, #tpu.memory_space<semaphore_mem>>) src(%arg9 : memref<80x128xf32, #tpu.memory_space<vmem>>) dst(%dma_wait3A_788 : memref<80x128xf32, #tpu.memory_space<hbm>>)
        tpu.yield
      }) : () -> ()
    } else {
    }
    return
  }
}

module attributes {stable_mosaic.version = 14 : i64} {
  func.func @body(%arg0: memref<2x80x128xf32, #tpu.memory_space<vmem>>, %arg1: memref<64x128xf32, #tpu.memory_space<vmem>>, %arg2: memref<64x1xf32, #tpu.memory_space<vmem>>, %arg3: memref<64x128xf32, #tpu.memory_space<vmem>>) attributes {dimension_semantics = [], scalar_prefetch = 0 : i64, scratch_operands = 0 : i64, tpu.core_type = #tpu.core_type<tc>} {
    %get3A = arith.constant 0 : index
    %get3A_0 = arith.constant 0 : index
    %get3A_1 = arith.constant 0 : index
    %get3A_2 = vector.load %arg0[%get3A, %get3A_0, %get3A_1] : memref<2x80x128xf32, #tpu.memory_space<vmem>>, vector<1x64x128xf32>
    %get3A_3 = vector.shape_cast %get3A_2 : vector<1x64x128xf32> to vector<64x128xf32>
    %get3A_4 = arith.constant 1 : index
    %get3A_5 = arith.constant 0 : index
    %get3A_6 = arith.constant 0 : index
    %get3A_7 = vector.load %arg0[%get3A_4, %get3A_5, %get3A_6] : memref<2x80x128xf32, #tpu.memory_space<vmem>>, vector<1x64x128xf32>
    %get3A_8 = vector.shape_cast %get3A_7 : vector<1x64x128xf32> to vector<64x128xf32>
    %add3A = arith.addf %get3A_3, %get3A_8 : vector<64x128xf32>
    %get3A_9 = arith.constant 0 : index
    %get3A_10 = arith.constant 0 : index
    %get3A_11 = vector.load %arg1[%get3A_9, %get3A_10] : memref<64x128xf32, #tpu.memory_space<vmem>>, vector<64x128xf32>
    %add3A_12 = arith.addf %add3A, %get3A_11 : vector<64x128xf32>
    %get3A_13 = arith.constant 0 : index
    %get3A_14 = arith.constant 0 : index
    %get3A_15 = vector.load %arg2[%get3A_13, %get3A_14] : memref<64x1xf32, #tpu.memory_space<vmem>>, vector<64x1xf32>
    %max3A = arith.constant 1.000000e+00 : f32
    %max3A_16 = vector.broadcast %max3A : f32 to vector<64x1xf32>
    %max3A_17 = arith.maximumf %get3A_15, %max3A_16 : vector<64x1xf32>
    %div3A = vector.broadcast %max3A_17 : vector<64x1xf32> to vector<64x128xf32>
    %div3A_18 = arith.divf %add3A_12, %div3A : vector<64x128xf32>
    %swap3A = arith.constant 0 : index
    %swap3A_19 = arith.constant 0 : index
    %swap3A_20 = vector.load %arg3[%swap3A, %swap3A_19] : memref<64x128xf32, #tpu.memory_space<vmem>>, vector<64x128xf32>
    tpu.vector_store %arg3[%swap3A, %swap3A_19], %div3A_18 {strides = array<i32>} : memref<64x128xf32, #tpu.memory_space<vmem>>, vector<64x128xf32>,
    return
  }
}

module attributes {stable_mosaic.version = 14 : i64} {
  func.func @body(%arg0: memref<782x128xi32, #tpu.memory_space<vmem>>, %arg1: memref<64x1xf32, #tpu.memory_space<vmem>>) attributes {dimension_semantics = [], scalar_prefetch = 0 : i64, scratch_operands = 0 : i64, tpu.core_type = #tpu.core_type<tc>} {
    %get3A = arith.constant 0 : index
    %get3A_0 = arith.constant 0 : index
    %get3A_1 = vector.load %arg0[%get3A, %get3A_0] : memref<782x128xi32, #tpu.memory_space<vmem>>, vector<782x128xi32>
    %eq3A = arith.constant 0 : i32
    %eq3A_2 = vector.broadcast %eq3A : i32 to vector<782x128xi32>
    %eq3A_3 = arith.cmpi eq, %get3A_1, %eq3A_2 : vector<782x128xi32>
    %jit3A = arith.constant 1.000000e+00 : f32
    %jit3A_4 = arith.constant 0.000000e+00 : f32
    %broadcast_in_dim3A = vector.broadcast %jit3A : f32 to vector<782x128xf32>
    %broadcast_in_dim3A_5 = vector.broadcast %jit3A_4 : f32 to vector<782x128xf32>
    %select_n3A = arith.select %eq3A_3, %broadcast_in_dim3A, %broadcast_in_dim3A_5 : vector<782x128xi1>, vector<782x128xf32>
    %reduce_sum3A = arith.constant dense<0.000000e+00> : vector<128xf32>
    %reduce_sum3A_6 = vector.multi_reduction <add>, %select_n3A, %reduce_sum3A [0] : vector<782x128xf32> to vector<128xf32>
    %eq3A_7 = arith.constant 1 : i32
    %eq3A_8 = vector.broadcast %eq3A_7 : i32 to vector<782x128xi32>
    %eq3A_9 = arith.cmpi eq, %get3A_1, %eq3A_8 : vector<782x128xi32>
    %jit3A_10 = arith.constant 1.000000e+00 : f32
    %jit3A_11 = arith.constant 0.000000e+00 : f32
    %broadcast_in_dim3A_12 = vector.broadcast %jit3A_10 : f32 to vector<782x128xf32>
    %broadcast_in_dim3A_13 = vector.broadcast %jit3A_11 : f32 to vector<782x128xf32>
    %select_n3A_14 = arith.select %eq3A_9, %broadcast_in_dim3A_12, %broadcast_in_dim3A_13 : vector<782x128xi1>, vector<782x128xf32>
    %reduce_sum3A_15 = arith.constant dense<0.000000e+00> : vector<128xf32>
    %reduce_sum3A_16 = vector.multi_reduction <add>, %select_n3A_14, %reduce_sum3A_15 [0] : vector<782x128xf32> to vector<128xf32>
    %eq3A_17 = arith.constant 2 : i32
    %eq3A_18 = vector.broadcast %eq3A_17 : i32 to vector<782x128xi32>
    %eq3A_19 = arith.cmpi eq, %get3A_1, %eq3A_18 : vector<782x128xi32>
    %jit3A_20 = arith.constant 1.000000e+00 : f32
    %jit3A_21 = arith.constant 0.000000e+00 : f32
    %broadcast_in_dim3A_22 = vector.broadcast %jit3A_20 : f32 to vector<782x128xf32>
    %broadcast_in_dim3A_23 = vector.broadcast %jit3A_21 : f32 to vector<782x128xf32>
    %select_n3A_24 = arith.select %eq3A_19, %broadcast_in_dim3A_22, %broadcast_in_dim3A_23 : vector<782x128xi1>, vector<782x128xf32>
    %reduce_sum3A_25 = arith.constant dense<0.000000e+00> : vector<128xf32>
    %reduce_sum3A_26 = vector.multi_reduction <add>, %select_n3A_24, %reduce_sum3A_25 [0] : vector<782x128xf32> to vector<128xf32>
    %eq3A_27 = arith.constant 3 : i32
    %eq3A_28 = vector.broadcast %eq3A_27 : i32 to vector<782x128xi32>
    %eq3A_29 = arith.cmpi eq, %get3A_1, %eq3A_28 : vector<782x128xi32>
    %jit3A_30 = arith.constant 1.000000e+00 : f32
    %jit3A_31 = arith.constant 0.000000e+00 : f32
    %broadcast_in_dim3A_32 = vector.broadcast %jit3A_30 : f32 to vector<782x128xf32>
    %broadcast_in_dim3A_33 = vector.broadcast %jit3A_31 : f32 to vector<782x128xf32>
    %select_n3A_34 = arith.select %eq3A_29, %broadcast_in_dim3A_32, %broadcast_in_dim3A_33 : vector<782x128xi1>, vector<782x128xf32>
    %reduce_sum3A_35 = arith.constant dense<0.000000e+00> : vector<128xf32>
    %reduce_sum3A_36 = vector.multi_reduction <add>, %select_n3A_34, %reduce_sum3A_35 [0] : vector<782x128xf32> to vector<128xf32>
    %eq3A_37 = arith.constant 4 : i32
    %eq3A_38 = vector.broadcast %eq3A_37 : i32 to vector<782x128xi32>
    %eq3A_39 = arith.cmpi eq, %get3A_1, %eq3A_38 : vector<782x128xi32>
    %jit3A_40 = arith.constant 1.000000e+00 : f32
    %jit3A_41 = arith.constant 0.000000e+00 : f32
    %broadcast_in_dim3A_42 = vector.broadcast %jit3A_40 : f32 to vector<782x128xf32>
    %broadcast_in_dim3A_43 = vector.broadcast %jit3A_41 : f32 to vector<782x128xf32>
    %select_n3A_44 = arith.select %eq3A_39, %broadcast_in_dim3A_42, %broadcast_in_dim3A_43 : vector<782x128xi1>, vector<782x128xf32>
    %reduce_sum3A_45 = arith.constant dense<0.000000e+00> : vector<128xf32>
    %reduce_sum3A_46 = vector.multi_reduction <add>, %select_n3A_44, %reduce_sum3A_45 [0] : vector<782x128xf32> to vector<128xf32>
    %eq3A_47 = arith.constant 5 : i32
    %eq3A_48 = vector.broadcast %eq3A_47 : i32 to vector<782x128xi32>
    %eq3A_49 = arith.cmpi eq, %get3A_1, %eq3A_48 : vector<782x128xi32>
    %jit3A_50 = arith.constant 1.000000e+00 : f32
    %jit3A_51 = arith.constant 0.000000e+00 : f32
    %broadcast_in_dim3A_52 = vector.broadcast %jit3A_50 : f32 to vector<782x128xf32>
    %broadcast_in_dim3A_53 = vector.broadcast %jit3A_51 : f32 to vector<782x128xf32>
    %select_n3A_54 = arith.select %eq3A_49, %broadcast_in_dim3A_52, %broadcast_in_dim3A_53 : vector<782x128xi1>, vector<782x128xf32>
    %reduce_sum3A_55 = arith.constant dense<0.000000e+00> : vector<128xf32>
    %reduce_sum3A_56 = vector.multi_reduction <add>, %select_n3A_54, %reduce_sum3A_55 [0] : vector<782x128xf32> to vector<128xf32>
    %eq3A_57 = arith.constant 6 : i32
    %eq3A_58 = vector.broadcast %eq3A_57 : i32 to vector<782x128xi32>
    %eq3A_59 = arith.cmpi eq, %get3A_1, %eq3A_58 : vector<782x128xi32>
    %jit3A_60 = arith.constant 1.000000e+00 : f32
    %jit3A_61 = arith.constant 0.000000e+00 : f32
    %broadcast_in_dim3A_62 = vector.broadcast %jit3A_60 : f32 to vector<782x128xf32>
    %broadcast_in_dim3A_63 = vector.broadcast %jit3A_61 : f32 to vector<782x128xf32>
    %select_n3A_64 = arith.select %eq3A_59, %broadcast_in_dim3A_62, %broadcast_in_dim3A_63 : vector<782x128xi1>, vector<782x128xf32>
    %reduce_sum3A_65 = arith.constant dense<0.000000e+00> : vector<128xf32>
    %reduce_sum3A_66 = vector.multi_reduction <add>, %select_n3A_64, %reduce_sum3A_65 [0] : vector<782x128xf32> to vector<128xf32>
    %eq3A_67 = arith.constant 7 : i32
    %eq3A_68 = vector.broadcast %eq3A_67 : i32 to vector<782x128xi32>
    %eq3A_69 = arith.cmpi eq, %get3A_1, %eq3A_68 : vector<782x128xi32>
    %jit3A_70 = arith.constant 1.000000e+00 : f32
    %jit3A_71 = arith.constant 0.000000e+00 : f32
    %broadcast_in_dim3A_72 = vector.broadcast %jit3A_70 : f32 to vector<782x128xf32>
    %broadcast_in_dim3A_73 = vector.broadcast %jit3A_71 : f32 to vector<782x128xf32>
    %select_n3A_74 = arith.select %eq3A_69, %broadcast_in_dim3A_72, %broadcast_in_dim3A_73 : vector<782x128xi1>, vector<782x128xf32>
    %reduce_sum3A_75 = arith.constant dense<0.000000e+00> : vector<128xf32>
    %reduce_sum3A_76 = vector.multi_reduction <add>, %select_n3A_74, %reduce_sum3A_75 [0] : vector<782x128xf32> to vector<128xf32>
    %eq3A_77 = arith.constant 8 : i32
    %eq3A_78 = vector.broadcast %eq3A_77 : i32 to vector<782x128xi32>
    %eq3A_79 = arith.cmpi eq, %get3A_1, %eq3A_78 : vector<782x128xi32>
    %jit3A_80 = arith.constant 1.000000e+00 : f32
    %jit3A_81 = arith.constant 0.000000e+00 : f32
    %broadcast_in_dim3A_82 = vector.broadcast %jit3A_80 : f32 to vector<782x128xf32>
    %broadcast_in_dim3A_83 = vector.broadcast %jit3A_81 : f32 to vector<782x128xf32>
    %select_n3A_84 = arith.select %eq3A_79, %broadcast_in_dim3A_82, %broadcast_in_dim3A_83 : vector<782x128xi1>, vector<782x128xf32>
    %reduce_sum3A_85 = arith.constant dense<0.000000e+00> : vector<128xf32>
    %reduce_sum3A_86 = vector.multi_reduction <add>, %select_n3A_84, %reduce_sum3A_85 [0] : vector<782x128xf32> to vector<128xf32>
    %eq3A_87 = arith.constant 9 : i32
    %eq3A_88 = vector.broadcast %eq3A_87 : i32 to vector<782x128xi32>
    %eq3A_89 = arith.cmpi eq, %get3A_1, %eq3A_88 : vector<782x128xi32>
    %jit3A_90 = arith.constant 1.000000e+00 : f32
    %jit3A_91 = arith.constant 0.000000e+00 : f32
    %broadcast_in_dim3A_92 = vector.broadcast %jit3A_90 : f32 to vector<782x128xf32>
    %broadcast_in_dim3A_93 = vector.broadcast %jit3A_91 : f32 to vector<782x128xf32>
    %select_n3A_94 = arith.select %eq3A_89, %broadcast_in_dim3A_92, %broadcast_in_dim3A_93 : vector<782x128xi1>, vector<782x128xf32>
    %reduce_sum3A_95 = arith.constant dense<0.000000e+00> : vector<128xf32>
    %reduce_sum3A_96 = vector.multi_reduction <add>, %select_n3A_94, %reduce_sum3A_95 [0] : vector<782x128xf32> to vector<128xf32>
    %eq3A_97 = arith.constant 10 : i32
    %eq3A_98 = vector.broadcast %eq3A_97 : i32 to vector<782x128xi32>
    %eq3A_99 = arith.cmpi eq, %get3A_1, %eq3A_98 : vector<782x128xi32>
    %jit3A_100 = arith.constant 1.000000e+00 : f32
    %jit3A_101 = arith.constant 0.000000e+00 : f32
    %broadcast_in_dim3A_102 = vector.broadcast %jit3A_100 : f32 to vector<782x128xf32>
    %broadcast_in_dim3A_103 = vector.broadcast %jit3A_101 : f32 to vector<782x128xf32>
    %select_n3A_104 = arith.select %eq3A_99, %broadcast_in_dim3A_102, %broadcast_in_dim3A_103 : vector<782x128xi1>, vector<782x128xf32>
    %reduce_sum3A_105 = arith.constant dense<0.000000e+00> : vector<128xf32>
    %reduce_sum3A_106 = vector.multi_reduction <add>, %select_n3A_104, %reduce_sum3A_105 [0] : vector<782x128xf32> to vector<128xf32>
    %eq3A_107 = arith.constant 11 : i32
    %eq3A_108 = vector.broadcast %eq3A_107 : i32 to vector<782x128xi32>
    %eq3A_109 = arith.cmpi eq, %get3A_1, %eq3A_108 : vector<782x128xi32>
    %jit3A_110 = arith.constant 1.000000e+00 : f32
    %jit3A_111 = arith.constant 0.000000e+00 : f32
    %broadcast_in_dim3A_112 = vector.broadcast %jit3A_110 : f32 to vector<782x128xf32>
    %broadcast_in_dim3A_113 = vector.broadcast %jit3A_111 : f32 to vector<782x128xf32>
    %select_n3A_114 = arith.select %eq3A_109, %broadcast_in_dim3A_112, %broadcast_in_dim3A_113 : vector<782x128xi1>, vector<782x128xf32>
    %reduce_sum3A_115 = arith.constant dense<0.000000e+00> : vector<128xf32>
    %reduce_sum3A_116 = vector.multi_reduction <add>, %select_n3A_114, %reduce_sum3A_115 [0] : vector<782x128xf32> to vector<128xf32>
    %eq3A_117 = arith.constant 12 : i32
    %eq3A_118 = vector.broadcast %eq3A_117 : i32 to vector<782x128xi32>
    %eq3A_119 = arith.cmpi eq, %get3A_1, %eq3A_118 : vector<782x128xi32>
    %jit3A_120 = arith.constant 1.000000e+00 : f32
    %jit3A_121 = arith.constant 0.000000e+00 : f32
    %broadcast_in_dim3A_122 = vector.broadcast %jit3A_120 : f32 to vector<782x128xf32>
    %broadcast_in_dim3A_123 = vector.broadcast %jit3A_121 : f32 to vector<782x128xf32>
    %select_n3A_124 = arith.select %eq3A_119, %broadcast_in_dim3A_122, %broadcast_in_dim3A_123 : vector<782x128xi1>, vector<782x128xf32>
    %reduce_sum3A_125 = arith.constant dense<0.000000e+00> : vector<128xf32>
    %reduce_sum3A_126 = vector.multi_reduction <add>, %select_n3A_124, %reduce_sum3A_125 [0] : vector<782x128xf32> to vector<128xf32>
    %eq3A_127 = arith.constant 13 : i32
    %eq3A_128 = vector.broadcast %eq3A_127 : i32 to vector<782x128xi32>
    %eq3A_129 = arith.cmpi eq, %get3A_1, %eq3A_128 : vector<782x128xi32>
    %jit3A_130 = arith.constant 1.000000e+00 : f32
    %jit3A_131 = arith.constant 0.000000e+00 : f32
    %broadcast_in_dim3A_132 = vector.broadcast %jit3A_130 : f32 to vector<782x128xf32>
    %broadcast_in_dim3A_133 = vector.broadcast %jit3A_131 : f32 to vector<782x128xf32>
    %select_n3A_134 = arith.select %eq3A_129, %broadcast_in_dim3A_132, %broadcast_in_dim3A_133 : vector<782x128xi1>, vector<782x128xf32>
    %reduce_sum3A_135 = arith.constant dense<0.000000e+00> : vector<128xf32>
    %reduce_sum3A_136 = vector.multi_reduction <add>, %select_n3A_134, %reduce_sum3A_135 [0] : vector<782x128xf32> to vector<128xf32>
    %eq3A_137 = arith.constant 14 : i32
    %eq3A_138 = vector.broadcast %eq3A_137 : i32 to vector<782x128xi32>
    %eq3A_139 = arith.cmpi eq, %get3A_1, %eq3A_138 : vector<782x128xi32>
    %jit3A_140 = arith.constant 1.000000e+00 : f32
    %jit3A_141 = arith.constant 0.000000e+00 : f32
    %broadcast_in_dim3A_142 = vector.broadcast %jit3A_140 : f32 to vector<782x128xf32>
    %broadcast_in_dim3A_143 = vector.broadcast %jit3A_141 : f32 to vector<782x128xf32>
    %select_n3A_144 = arith.select %eq3A_139, %broadcast_in_dim3A_142, %broadcast_in_dim3A_143 : vector<782x128xi1>, vector<782x128xf32>
    %reduce_sum3A_145 = arith.constant dense<0.000000e+00> : vector<128xf32>
    %reduce_sum3A_146 = vector.multi_reduction <add>, %select_n3A_144, %reduce_sum3A_145 [0] : vector<782x128xf32> to vector<128xf32>
    %eq3A_147 = arith.constant 15 : i32
    %eq3A_148 = vector.broadcast %eq3A_147 : i32 to vector<782x128xi32>
    %eq3A_149 = arith.cmpi eq, %get3A_1, %eq3A_148 : vector<782x128xi32>
    %jit3A_150 = arith.constant 1.000000e+00 : f32
    %jit3A_151 = arith.constant 0.000000e+00 : f32
    %broadcast_in_dim3A_152 = vector.broadcast %jit3A_150 : f32 to vector<782x128xf32>
    %broadcast_in_dim3A_153 = vector.broadcast %jit3A_151 : f32 to vector<782x128xf32>
    %select_n3A_154 = arith.select %eq3A_149, %broadcast_in_dim3A_152, %broadcast_in_dim3A_153 : vector<782x128xi1>, vector<782x128xf32>
    %reduce_sum3A_155 = arith.constant dense<0.000000e+00> : vector<128xf32>
    %reduce_sum3A_156 = vector.multi_reduction <add>, %select_n3A_154, %reduce_sum3A_155 [0] : vector<782x128xf32> to vector<128xf32>
    %eq3A_157 = arith.constant 16 : i32
    %eq3A_158 = vector.broadcast %eq3A_157 : i32 to vector<782x128xi32>
    %eq3A_159 = arith.cmpi eq, %get3A_1, %eq3A_158 : vector<782x128xi32>
    %jit3A_160 = arith.constant 1.000000e+00 : f32
    %jit3A_161 = arith.constant 0.000000e+00 : f32
    %broadcast_in_dim3A_162 = vector.broadcast %jit3A_160 : f32 to vector<782x128xf32>
    %broadcast_in_dim3A_163 = vector.broadcast %jit3A_161 : f32 to vector<782x128xf32>
    %select_n3A_164 = arith.select %eq3A_159, %broadcast_in_dim3A_162, %broadcast_in_dim3A_163 : vector<782x128xi1>, vector<782x128xf32>
    %reduce_sum3A_165 = arith.constant dense<0.000000e+00> : vector<128xf32>
    %reduce_sum3A_166 = vector.multi_reduction <add>, %select_n3A_164, %reduce_sum3A_165 [0] : vector<782x128xf32> to vector<128xf32>
    %eq3A_167 = arith.constant 17 : i32
    %eq3A_168 = vector.broadcast %eq3A_167 : i32 to vector<782x128xi32>
    %eq3A_169 = arith.cmpi eq, %get3A_1, %eq3A_168 : vector<782x128xi32>
    %jit3A_170 = arith.constant 1.000000e+00 : f32
    %jit3A_171 = arith.constant 0.000000e+00 : f32
    %broadcast_in_dim3A_172 = vector.broadcast %jit3A_170 : f32 to vector<782x128xf32>
    %broadcast_in_dim3A_173 = vector.broadcast %jit3A_171 : f32 to vector<782x128xf32>
    %select_n3A_174 = arith.select %eq3A_169, %broadcast_in_dim3A_172, %broadcast_in_dim3A_173 : vector<782x128xi1>, vector<782x128xf32>
    %reduce_sum3A_175 = arith.constant dense<0.000000e+00> : vector<128xf32>
    %reduce_sum3A_176 = vector.multi_reduction <add>, %select_n3A_174, %reduce_sum3A_175 [0] : vector<782x128xf32> to vector<128xf32>
    %eq3A_177 = arith.constant 18 : i32
    %eq3A_178 = vector.broadcast %eq3A_177 : i32 to vector<782x128xi32>
    %eq3A_179 = arith.cmpi eq, %get3A_1, %eq3A_178 : vector<782x128xi32>
    %jit3A_180 = arith.constant 1.000000e+00 : f32
    %jit3A_181 = arith.constant 0.000000e+00 : f32
    %broadcast_in_dim3A_182 = vector.broadcast %jit3A_180 : f32 to vector<782x128xf32>
    %broadcast_in_dim3A_183 = vector.broadcast %jit3A_181 : f32 to vector<782x128xf32>
    %select_n3A_184 = arith.select %eq3A_179, %broadcast_in_dim3A_182, %broadcast_in_dim3A_183 : vector<782x128xi1>, vector<782x128xf32>
    %reduce_sum3A_185 = arith.constant dense<0.000000e+00> : vector<128xf32>
    %reduce_sum3A_186 = vector.multi_reduction <add>, %select_n3A_184, %reduce_sum3A_185 [0] : vector<782x128xf32> to vector<128xf32>
    %eq3A_187 = arith.constant 19 : i32
    %eq3A_188 = vector.broadcast %eq3A_187 : i32 to vector<782x128xi32>
    %eq3A_189 = arith.cmpi eq, %get3A_1, %eq3A_188 : vector<782x128xi32>
    %jit3A_190 = arith.constant 1.000000e+00 : f32
    %jit3A_191 = arith.constant 0.000000e+00 : f32
    %broadcast_in_dim3A_192 = vector.broadcast %jit3A_190 : f32 to vector<782x128xf32>
    %broadcast_in_dim3A_193 = vector.broadcast %jit3A_191 : f32 to vector<782x128xf32>
    %select_n3A_194 = arith.select %eq3A_189, %broadcast_in_dim3A_192, %broadcast_in_dim3A_193 : vector<782x128xi1>, vector<782x128xf32>
    %reduce_sum3A_195 = arith.constant dense<0.000000e+00> : vector<128xf32>
    %reduce_sum3A_196 = vector.multi_reduction <add>, %select_n3A_194, %reduce_sum3A_195 [0] : vector<782x128xf32> to vector<128xf32>
    %eq3A_197 = arith.constant 20 : i32
    %eq3A_198 = vector.broadcast %eq3A_197 : i32 to vector<782x128xi32>
    %eq3A_199 = arith.cmpi eq, %get3A_1, %eq3A_198 : vector<782x128xi32>
    %jit3A_200 = arith.constant 1.000000e+00 : f32
    %jit3A_201 = arith.constant 0.000000e+00 : f32
    %broadcast_in_dim3A_202 = vector.broadcast %jit3A_200 : f32 to vector<782x128xf32>
    %broadcast_in_dim3A_203 = vector.broadcast %jit3A_201 : f32 to vector<782x128xf32>
    %select_n3A_204 = arith.select %eq3A_199, %broadcast_in_dim3A_202, %broadcast_in_dim3A_203 : vector<782x128xi1>, vector<782x128xf32>
    %reduce_sum3A_205 = arith.constant dense<0.000000e+00> : vector<128xf32>
    %reduce_sum3A_206 = vector.multi_reduction <add>, %select_n3A_204, %reduce_sum3A_205 [0] : vector<782x128xf32> to vector<128xf32>
    %eq3A_207 = arith.constant 21 : i32
    %eq3A_208 = vector.broadcast %eq3A_207 : i32 to vector<782x128xi32>
    %eq3A_209 = arith.cmpi eq, %get3A_1, %eq3A_208 : vector<782x128xi32>
    %jit3A_210 = arith.constant 1.000000e+00 : f32
    %jit3A_211 = arith.constant 0.000000e+00 : f32
    %broadcast_in_dim3A_212 = vector.broadcast %jit3A_210 : f32 to vector<782x128xf32>
    %broadcast_in_dim3A_213 = vector.broadcast %jit3A_211 : f32 to vector<782x128xf32>
    %select_n3A_214 = arith.select %eq3A_209, %broadcast_in_dim3A_212, %broadcast_in_dim3A_213 : vector<782x128xi1>, vector<782x128xf32>
    %reduce_sum3A_215 = arith.constant dense<0.000000e+00> : vector<128xf32>
    %reduce_sum3A_216 = vector.multi_reduction <add>, %select_n3A_214, %reduce_sum3A_215 [0] : vector<782x128xf32> to vector<128xf32>
    %eq3A_217 = arith.constant 22 : i32
    %eq3A_218 = vector.broadcast %eq3A_217 : i32 to vector<782x128xi32>
    %eq3A_219 = arith.cmpi eq, %get3A_1, %eq3A_218 : vector<782x128xi32>
    %jit3A_220 = arith.constant 1.000000e+00 : f32
    %jit3A_221 = arith.constant 0.000000e+00 : f32
    %broadcast_in_dim3A_222 = vector.broadcast %jit3A_220 : f32 to vector<782x128xf32>
    %broadcast_in_dim3A_223 = vector.broadcast %jit3A_221 : f32 to vector<782x128xf32>
    %select_n3A_224 = arith.select %eq3A_219, %broadcast_in_dim3A_222, %broadcast_in_dim3A_223 : vector<782x128xi1>, vector<782x128xf32>
    %reduce_sum3A_225 = arith.constant dense<0.000000e+00> : vector<128xf32>
    %reduce_sum3A_226 = vector.multi_reduction <add>, %select_n3A_224, %reduce_sum3A_225 [0] : vector<782x128xf32> to vector<128xf32>
    %eq3A_227 = arith.constant 23 : i32
    %eq3A_228 = vector.broadcast %eq3A_227 : i32 to vector<782x128xi32>
    %eq3A_229 = arith.cmpi eq, %get3A_1, %eq3A_228 : vector<782x128xi32>
    %jit3A_230 = arith.constant 1.000000e+00 : f32
    %jit3A_231 = arith.constant 0.000000e+00 : f32
    %broadcast_in_dim3A_232 = vector.broadcast %jit3A_230 : f32 to vector<782x128xf32>
    %broadcast_in_dim3A_233 = vector.broadcast %jit3A_231 : f32 to vector<782x128xf32>
    %select_n3A_234 = arith.select %eq3A_229, %broadcast_in_dim3A_232, %broadcast_in_dim3A_233 : vector<782x128xi1>, vector<782x128xf32>
    %reduce_sum3A_235 = arith.constant dense<0.000000e+00> : vector<128xf32>
    %reduce_sum3A_236 = vector.multi_reduction <add>, %select_n3A_234, %reduce_sum3A_235 [0] : vector<782x128xf32> to vector<128xf32>
    %eq3A_237 = arith.constant 24 : i32
    %eq3A_238 = vector.broadcast %eq3A_237 : i32 to vector<782x128xi32>
    %eq3A_239 = arith.cmpi eq, %get3A_1, %eq3A_238 : vector<782x128xi32>
    %jit3A_240 = arith.constant 1.000000e+00 : f32
    %jit3A_241 = arith.constant 0.000000e+00 : f32
    %broadcast_in_dim3A_242 = vector.broadcast %jit3A_240 : f32 to vector<782x128xf32>
    %broadcast_in_dim3A_243 = vector.broadcast %jit3A_241 : f32 to vector<782x128xf32>
    %select_n3A_244 = arith.select %eq3A_239, %broadcast_in_dim3A_242, %broadcast_in_dim3A_243 : vector<782x128xi1>, vector<782x128xf32>
    %reduce_sum3A_245 = arith.constant dense<0.000000e+00> : vector<128xf32>
    %reduce_sum3A_246 = vector.multi_reduction <add>, %select_n3A_244, %reduce_sum3A_245 [0] : vector<782x128xf32> to vector<128xf32>
    %eq3A_247 = arith.constant 25 : i32
    %eq3A_248 = vector.broadcast %eq3A_247 : i32 to vector<782x128xi32>
    %eq3A_249 = arith.cmpi eq, %get3A_1, %eq3A_248 : vector<782x128xi32>
    %jit3A_250 = arith.constant 1.000000e+00 : f32
    %jit3A_251 = arith.constant 0.000000e+00 : f32
    %broadcast_in_dim3A_252 = vector.broadcast %jit3A_250 : f32 to vector<782x128xf32>
    %broadcast_in_dim3A_253 = vector.broadcast %jit3A_251 : f32 to vector<782x128xf32>
    %select_n3A_254 = arith.select %eq3A_249, %broadcast_in_dim3A_252, %broadcast_in_dim3A_253 : vector<782x128xi1>, vector<782x128xf32>
    %reduce_sum3A_255 = arith.constant dense<0.000000e+00> : vector<128xf32>
    %reduce_sum3A_256 = vector.multi_reduction <add>, %select_n3A_254, %reduce_sum3A_255 [0] : vector<782x128xf32> to vector<128xf32>
    %eq3A_257 = arith.constant 26 : i32
    %eq3A_258 = vector.broadcast %eq3A_257 : i32 to vector<782x128xi32>
    %eq3A_259 = arith.cmpi eq, %get3A_1, %eq3A_258 : vector<782x128xi32>
    %jit3A_260 = arith.constant 1.000000e+00 : f32
    %jit3A_261 = arith.constant 0.000000e+00 : f32
    %broadcast_in_dim3A_262 = vector.broadcast %jit3A_260 : f32 to vector<782x128xf32>
    %broadcast_in_dim3A_263 = vector.broadcast %jit3A_261 : f32 to vector<782x128xf32>
    %select_n3A_264 = arith.select %eq3A_259, %broadcast_in_dim3A_262, %broadcast_in_dim3A_263 : vector<782x128xi1>, vector<782x128xf32>
    %reduce_sum3A_265 = arith.constant dense<0.000000e+00> : vector<128xf32>
    %reduce_sum3A_266 = vector.multi_reduction <add>, %select_n3A_264, %reduce_sum3A_265 [0] : vector<782x128xf32> to vector<128xf32>
    %eq3A_267 = arith.constant 27 : i32
    %eq3A_268 = vector.broadcast %eq3A_267 : i32 to vector<782x128xi32>
    %eq3A_269 = arith.cmpi eq, %get3A_1, %eq3A_268 : vector<782x128xi32>
    %jit3A_270 = arith.constant 1.000000e+00 : f32
    %jit3A_271 = arith.constant 0.000000e+00 : f32
    %broadcast_in_dim3A_272 = vector.broadcast %jit3A_270 : f32 to vector<782x128xf32>
    %broadcast_in_dim3A_273 = vector.broadcast %jit3A_271 : f32 to vector<782x128xf32>
    %select_n3A_274 = arith.select %eq3A_269, %broadcast_in_dim3A_272, %broadcast_in_dim3A_273 : vector<782x128xi1>, vector<782x128xf32>
    %reduce_sum3A_275 = arith.constant dense<0.000000e+00> : vector<128xf32>
    %reduce_sum3A_276 = vector.multi_reduction <add>, %select_n3A_274, %reduce_sum3A_275 [0] : vector<782x128xf32> to vector<128xf32>
    %eq3A_277 = arith.constant 28 : i32
    %eq3A_278 = vector.broadcast %eq3A_277 : i32 to vector<782x128xi32>
    %eq3A_279 = arith.cmpi eq, %get3A_1, %eq3A_278 : vector<782x128xi32>
    %jit3A_280 = arith.constant 1.000000e+00 : f32
    %jit3A_281 = arith.constant 0.000000e+00 : f32
    %broadcast_in_dim3A_282 = vector.broadcast %jit3A_280 : f32 to vector<782x128xf32>
    %broadcast_in_dim3A_283 = vector.broadcast %jit3A_281 : f32 to vector<782x128xf32>
    %select_n3A_284 = arith.select %eq3A_279, %broadcast_in_dim3A_282, %broadcast_in_dim3A_283 : vector<782x128xi1>, vector<782x128xf32>
    %reduce_sum3A_285 = arith.constant dense<0.000000e+00> : vector<128xf32>
    %reduce_sum3A_286 = vector.multi_reduction <add>, %select_n3A_284, %reduce_sum3A_285 [0] : vector<782x128xf32> to vector<128xf32>
    %eq3A_287 = arith.constant 29 : i32
    %eq3A_288 = vector.broadcast %eq3A_287 : i32 to vector<782x128xi32>
    %eq3A_289 = arith.cmpi eq, %get3A_1, %eq3A_288 : vector<782x128xi32>
    %jit3A_290 = arith.constant 1.000000e+00 : f32
    %jit3A_291 = arith.constant 0.000000e+00 : f32
    %broadcast_in_dim3A_292 = vector.broadcast %jit3A_290 : f32 to vector<782x128xf32>
    %broadcast_in_dim3A_293 = vector.broadcast %jit3A_291 : f32 to vector<782x128xf32>
    %select_n3A_294 = arith.select %eq3A_289, %broadcast_in_dim3A_292, %broadcast_in_dim3A_293 : vector<782x128xi1>, vector<782x128xf32>
    %reduce_sum3A_295 = arith.constant dense<0.000000e+00> : vector<128xf32>
    %reduce_sum3A_296 = vector.multi_reduction <add>, %select_n3A_294, %reduce_sum3A_295 [0] : vector<782x128xf32> to vector<128xf32>
    %eq3A_297 = arith.constant 30 : i32
    %eq3A_298 = vector.broadcast %eq3A_297 : i32 to vector<782x128xi32>
    %eq3A_299 = arith.cmpi eq, %get3A_1, %eq3A_298 : vector<782x128xi32>
    %jit3A_300 = arith.constant 1.000000e+00 : f32
    %jit3A_301 = arith.constant 0.000000e+00 : f32
    %broadcast_in_dim3A_302 = vector.broadcast %jit3A_300 : f32 to vector<782x128xf32>
    %broadcast_in_dim3A_303 = vector.broadcast %jit3A_301 : f32 to vector<782x128xf32>
    %select_n3A_304 = arith.select %eq3A_299, %broadcast_in_dim3A_302, %broadcast_in_dim3A_303 : vector<782x128xi1>, vector<782x128xf32>
    %reduce_sum3A_305 = arith.constant dense<0.000000e+00> : vector<128xf32>
    %reduce_sum3A_306 = vector.multi_reduction <add>, %select_n3A_304, %reduce_sum3A_305 [0] : vector<782x128xf32> to vector<128xf32>
    %eq3A_307 = arith.constant 31 : i32
    %eq3A_308 = vector.broadcast %eq3A_307 : i32 to vector<782x128xi32>
    %eq3A_309 = arith.cmpi eq, %get3A_1, %eq3A_308 : vector<782x128xi32>
    %jit3A_310 = arith.constant 1.000000e+00 : f32
    %jit3A_311 = arith.constant 0.000000e+00 : f32
    %broadcast_in_dim3A_312 = vector.broadcast %jit3A_310 : f32 to vector<782x128xf32>
    %broadcast_in_dim3A_313 = vector.broadcast %jit3A_311 : f32 to vector<782x128xf32>
    %select_n3A_314 = arith.select %eq3A_309, %broadcast_in_dim3A_312, %broadcast_in_dim3A_313 : vector<782x128xi1>, vector<782x128xf32>
    %reduce_sum3A_315 = arith.constant dense<0.000000e+00> : vector<128xf32>
    %reduce_sum3A_316 = vector.multi_reduction <add>, %select_n3A_314, %reduce_sum3A_315 [0] : vector<782x128xf32> to vector<128xf32>
    %eq3A_317 = arith.constant 32 : i32
    %eq3A_318 = vector.broadcast %eq3A_317 : i32 to vector<782x128xi32>
    %eq3A_319 = arith.cmpi eq, %get3A_1, %eq3A_318 : vector<782x128xi32>
    %jit3A_320 = arith.constant 1.000000e+00 : f32
    %jit3A_321 = arith.constant 0.000000e+00 : f32
    %broadcast_in_dim3A_322 = vector.broadcast %jit3A_320 : f32 to vector<782x128xf32>
    %broadcast_in_dim3A_323 = vector.broadcast %jit3A_321 : f32 to vector<782x128xf32>
    %select_n3A_324 = arith.select %eq3A_319, %broadcast_in_dim3A_322, %broadcast_in_dim3A_323 : vector<782x128xi1>, vector<782x128xf32>
    %reduce_sum3A_325 = arith.constant dense<0.000000e+00> : vector<128xf32>
    %reduce_sum3A_326 = vector.multi_reduction <add>, %select_n3A_324, %reduce_sum3A_325 [0] : vector<782x128xf32> to vector<128xf32>
    %eq3A_327 = arith.constant 33 : i32
    %eq3A_328 = vector.broadcast %eq3A_327 : i32 to vector<782x128xi32>
    %eq3A_329 = arith.cmpi eq, %get3A_1, %eq3A_328 : vector<782x128xi32>
    %jit3A_330 = arith.constant 1.000000e+00 : f32
    %jit3A_331 = arith.constant 0.000000e+00 : f32
    %broadcast_in_dim3A_332 = vector.broadcast %jit3A_330 : f32 to vector<782x128xf32>
    %broadcast_in_dim3A_333 = vector.broadcast %jit3A_331 : f32 to vector<782x128xf32>
    %select_n3A_334 = arith.select %eq3A_329, %broadcast_in_dim3A_332, %broadcast_in_dim3A_333 : vector<782x128xi1>, vector<782x128xf32>
    %reduce_sum3A_335 = arith.constant dense<0.000000e+00> : vector<128xf32>
    %reduce_sum3A_336 = vector.multi_reduction <add>, %select_n3A_334, %reduce_sum3A_335 [0] : vector<782x128xf32> to vector<128xf32>
    %eq3A_337 = arith.constant 34 : i32
    %eq3A_338 = vector.broadcast %eq3A_337 : i32 to vector<782x128xi32>
    %eq3A_339 = arith.cmpi eq, %get3A_1, %eq3A_338 : vector<782x128xi32>
    %jit3A_340 = arith.constant 1.000000e+00 : f32
    %jit3A_341 = arith.constant 0.000000e+00 : f32
    %broadcast_in_dim3A_342 = vector.broadcast %jit3A_340 : f32 to vector<782x128xf32>
    %broadcast_in_dim3A_343 = vector.broadcast %jit3A_341 : f32 to vector<782x128xf32>
    %select_n3A_344 = arith.select %eq3A_339, %broadcast_in_dim3A_342, %broadcast_in_dim3A_343 : vector<782x128xi1>, vector<782x128xf32>
    %reduce_sum3A_345 = arith.constant dense<0.000000e+00> : vector<128xf32>
    %reduce_sum3A_346 = vector.multi_reduction <add>, %select_n3A_344, %reduce_sum3A_345 [0] : vector<782x128xf32> to vector<128xf32>
    %eq3A_347 = arith.constant 35 : i32
    %eq3A_348 = vector.broadcast %eq3A_347 : i32 to vector<782x128xi32>
    %eq3A_349 = arith.cmpi eq, %get3A_1, %eq3A_348 : vector<782x128xi32>
    %jit3A_350 = arith.constant 1.000000e+00 : f32
    %jit3A_351 = arith.constant 0.000000e+00 : f32
    %broadcast_in_dim3A_352 = vector.broadcast %jit3A_350 : f32 to vector<782x128xf32>
    %broadcast_in_dim3A_353 = vector.broadcast %jit3A_351 : f32 to vector<782x128xf32>
    %select_n3A_354 = arith.select %eq3A_349, %broadcast_in_dim3A_352, %broadcast_in_dim3A_353 : vector<782x128xi1>, vector<782x128xf32>
    %reduce_sum3A_355 = arith.constant dense<0.000000e+00> : vector<128xf32>
    %reduce_sum3A_356 = vector.multi_reduction <add>, %select_n3A_354, %reduce_sum3A_355 [0] : vector<782x128xf32> to vector<128xf32>
    %eq3A_357 = arith.constant 36 : i32
    %eq3A_358 = vector.broadcast %eq3A_357 : i32 to vector<782x128xi32>
    %eq3A_359 = arith.cmpi eq, %get3A_1, %eq3A_358 : vector<782x128xi32>
    %jit3A_360 = arith.constant 1.000000e+00 : f32
    %jit3A_361 = arith.constant 0.000000e+00 : f32
    %broadcast_in_dim3A_362 = vector.broadcast %jit3A_360 : f32 to vector<782x128xf32>
    %broadcast_in_dim3A_363 = vector.broadcast %jit3A_361 : f32 to vector<782x128xf32>
    %select_n3A_364 = arith.select %eq3A_359, %broadcast_in_dim3A_362, %broadcast_in_dim3A_363 : vector<782x128xi1>, vector<782x128xf32>
    %reduce_sum3A_365 = arith.constant dense<0.000000e+00> : vector<128xf32>
    %reduce_sum3A_366 = vector.multi_reduction <add>, %select_n3A_364, %reduce_sum3A_365 [0] : vector<782x128xf32> to vector<128xf32>
    %eq3A_367 = arith.constant 37 : i32
    %eq3A_368 = vector.broadcast %eq3A_367 : i32 to vector<782x128xi32>
    %eq3A_369 = arith.cmpi eq, %get3A_1, %eq3A_368 : vector<782x128xi32>
    %jit3A_370 = arith.constant 1.000000e+00 : f32
    %jit3A_371 = arith.constant 0.000000e+00 : f32
    %broadcast_in_dim3A_372 = vector.broadcast %jit3A_370 : f32 to vector<782x128xf32>
    %broadcast_in_dim3A_373 = vector.broadcast %jit3A_371 : f32 to vector<782x128xf32>
    %select_n3A_374 = arith.select %eq3A_369, %broadcast_in_dim3A_372, %broadcast_in_dim3A_373 : vector<782x128xi1>, vector<782x128xf32>
    %reduce_sum3A_375 = arith.constant dense<0.000000e+00> : vector<128xf32>
    %reduce_sum3A_376 = vector.multi_reduction <add>, %select_n3A_374, %reduce_sum3A_375 [0] : vector<782x128xf32> to vector<128xf32>
    %eq3A_377 = arith.constant 38 : i32
    %eq3A_378 = vector.broadcast %eq3A_377 : i32 to vector<782x128xi32>
    %eq3A_379 = arith.cmpi eq, %get3A_1, %eq3A_378 : vector<782x128xi32>
    %jit3A_380 = arith.constant 1.000000e+00 : f32
    %jit3A_381 = arith.constant 0.000000e+00 : f32
    %broadcast_in_dim3A_382 = vector.broadcast %jit3A_380 : f32 to vector<782x128xf32>
    %broadcast_in_dim3A_383 = vector.broadcast %jit3A_381 : f32 to vector<782x128xf32>
    %select_n3A_384 = arith.select %eq3A_379, %broadcast_in_dim3A_382, %broadcast_in_dim3A_383 : vector<782x128xi1>, vector<782x128xf32>
    %reduce_sum3A_385 = arith.constant dense<0.000000e+00> : vector<128xf32>
    %reduce_sum3A_386 = vector.multi_reduction <add>, %select_n3A_384, %reduce_sum3A_385 [0] : vector<782x128xf32> to vector<128xf32>
    %eq3A_387 = arith.constant 39 : i32
    %eq3A_388 = vector.broadcast %eq3A_387 : i32 to vector<782x128xi32>
    %eq3A_389 = arith.cmpi eq, %get3A_1, %eq3A_388 : vector<782x128xi32>
    %jit3A_390 = arith.constant 1.000000e+00 : f32
    %jit3A_391 = arith.constant 0.000000e+00 : f32
    %broadcast_in_dim3A_392 = vector.broadcast %jit3A_390 : f32 to vector<782x128xf32>
    %broadcast_in_dim3A_393 = vector.broadcast %jit3A_391 : f32 to vector<782x128xf32>
    %select_n3A_394 = arith.select %eq3A_389, %broadcast_in_dim3A_392, %broadcast_in_dim3A_393 : vector<782x128xi1>, vector<782x128xf32>
    %reduce_sum3A_395 = arith.constant dense<0.000000e+00> : vector<128xf32>
    %reduce_sum3A_396 = vector.multi_reduction <add>, %select_n3A_394, %reduce_sum3A_395 [0] : vector<782x128xf32> to vector<128xf32>
    %eq3A_397 = arith.constant 40 : i32
    %eq3A_398 = vector.broadcast %eq3A_397 : i32 to vector<782x128xi32>
    %eq3A_399 = arith.cmpi eq, %get3A_1, %eq3A_398 : vector<782x128xi32>
    %jit3A_400 = arith.constant 1.000000e+00 : f32
    %jit3A_401 = arith.constant 0.000000e+00 : f32
    %broadcast_in_dim3A_402 = vector.broadcast %jit3A_400 : f32 to vector<782x128xf32>
    %broadcast_in_dim3A_403 = vector.broadcast %jit3A_401 : f32 to vector<782x128xf32>
    %select_n3A_404 = arith.select %eq3A_399, %broadcast_in_dim3A_402, %broadcast_in_dim3A_403 : vector<782x128xi1>, vector<782x128xf32>
    %reduce_sum3A_405 = arith.constant dense<0.000000e+00> : vector<128xf32>
    %reduce_sum3A_406 = vector.multi_reduction <add>, %select_n3A_404, %reduce_sum3A_405 [0] : vector<782x128xf32> to vector<128xf32>
    %eq3A_407 = arith.constant 41 : i32
    %eq3A_408 = vector.broadcast %eq3A_407 : i32 to vector<782x128xi32>
    %eq3A_409 = arith.cmpi eq, %get3A_1, %eq3A_408 : vector<782x128xi32>
    %jit3A_410 = arith.constant 1.000000e+00 : f32
    %jit3A_411 = arith.constant 0.000000e+00 : f32
    %broadcast_in_dim3A_412 = vector.broadcast %jit3A_410 : f32 to vector<782x128xf32>
    %broadcast_in_dim3A_413 = vector.broadcast %jit3A_411 : f32 to vector<782x128xf32>
    %select_n3A_414 = arith.select %eq3A_409, %broadcast_in_dim3A_412, %broadcast_in_dim3A_413 : vector<782x128xi1>, vector<782x128xf32>
    %reduce_sum3A_415 = arith.constant dense<0.000000e+00> : vector<128xf32>
    %reduce_sum3A_416 = vector.multi_reduction <add>, %select_n3A_414, %reduce_sum3A_415 [0] : vector<782x128xf32> to vector<128xf32>
    %eq3A_417 = arith.constant 42 : i32
    %eq3A_418 = vector.broadcast %eq3A_417 : i32 to vector<782x128xi32>
    %eq3A_419 = arith.cmpi eq, %get3A_1, %eq3A_418 : vector<782x128xi32>
    %jit3A_420 = arith.constant 1.000000e+00 : f32
    %jit3A_421 = arith.constant 0.000000e+00 : f32
    %broadcast_in_dim3A_422 = vector.broadcast %jit3A_420 : f32 to vector<782x128xf32>
    %broadcast_in_dim3A_423 = vector.broadcast %jit3A_421 : f32 to vector<782x128xf32>
    %select_n3A_424 = arith.select %eq3A_419, %broadcast_in_dim3A_422, %broadcast_in_dim3A_423 : vector<782x128xi1>, vector<782x128xf32>
    %reduce_sum3A_425 = arith.constant dense<0.000000e+00> : vector<128xf32>
    %reduce_sum3A_426 = vector.multi_reduction <add>, %select_n3A_424, %reduce_sum3A_425 [0] : vector<782x128xf32> to vector<128xf32>
    %eq3A_427 = arith.constant 43 : i32
    %eq3A_428 = vector.broadcast %eq3A_427 : i32 to vector<782x128xi32>
    %eq3A_429 = arith.cmpi eq, %get3A_1, %eq3A_428 : vector<782x128xi32>
    %jit3A_430 = arith.constant 1.000000e+00 : f32
    %jit3A_431 = arith.constant 0.000000e+00 : f32
    %broadcast_in_dim3A_432 = vector.broadcast %jit3A_430 : f32 to vector<782x128xf32>
    %broadcast_in_dim3A_433 = vector.broadcast %jit3A_431 : f32 to vector<782x128xf32>
    %select_n3A_434 = arith.select %eq3A_429, %broadcast_in_dim3A_432, %broadcast_in_dim3A_433 : vector<782x128xi1>, vector<782x128xf32>
    %reduce_sum3A_435 = arith.constant dense<0.000000e+00> : vector<128xf32>
    %reduce_sum3A_436 = vector.multi_reduction <add>, %select_n3A_434, %reduce_sum3A_435 [0] : vector<782x128xf32> to vector<128xf32>
    %eq3A_437 = arith.constant 44 : i32
    %eq3A_438 = vector.broadcast %eq3A_437 : i32 to vector<782x128xi32>
    %eq3A_439 = arith.cmpi eq, %get3A_1, %eq3A_438 : vector<782x128xi32>
    %jit3A_440 = arith.constant 1.000000e+00 : f32
    %jit3A_441 = arith.constant 0.000000e+00 : f32
    %broadcast_in_dim3A_442 = vector.broadcast %jit3A_440 : f32 to vector<782x128xf32>
    %broadcast_in_dim3A_443 = vector.broadcast %jit3A_441 : f32 to vector<782x128xf32>
    %select_n3A_444 = arith.select %eq3A_439, %broadcast_in_dim3A_442, %broadcast_in_dim3A_443 : vector<782x128xi1>, vector<782x128xf32>
    %reduce_sum3A_445 = arith.constant dense<0.000000e+00> : vector<128xf32>
    %reduce_sum3A_446 = vector.multi_reduction <add>, %select_n3A_444, %reduce_sum3A_445 [0] : vector<782x128xf32> to vector<128xf32>
    %eq3A_447 = arith.constant 45 : i32
    %eq3A_448 = vector.broadcast %eq3A_447 : i32 to vector<782x128xi32>
    %eq3A_449 = arith.cmpi eq, %get3A_1, %eq3A_448 : vector<782x128xi32>
    %jit3A_450 = arith.constant 1.000000e+00 : f32
    %jit3A_451 = arith.constant 0.000000e+00 : f32
    %broadcast_in_dim3A_452 = vector.broadcast %jit3A_450 : f32 to vector<782x128xf32>
    %broadcast_in_dim3A_453 = vector.broadcast %jit3A_451 : f32 to vector<782x128xf32>
    %select_n3A_454 = arith.select %eq3A_449, %broadcast_in_dim3A_452, %broadcast_in_dim3A_453 : vector<782x128xi1>, vector<782x128xf32>
    %reduce_sum3A_455 = arith.constant dense<0.000000e+00> : vector<128xf32>
    %reduce_sum3A_456 = vector.multi_reduction <add>, %select_n3A_454, %reduce_sum3A_455 [0] : vector<782x128xf32> to vector<128xf32>
    %eq3A_457 = arith.constant 46 : i32
    %eq3A_458 = vector.broadcast %eq3A_457 : i32 to vector<782x128xi32>
    %eq3A_459 = arith.cmpi eq, %get3A_1, %eq3A_458 : vector<782x128xi32>
    %jit3A_460 = arith.constant 1.000000e+00 : f32
    %jit3A_461 = arith.constant 0.000000e+00 : f32
    %broadcast_in_dim3A_462 = vector.broadcast %jit3A_460 : f32 to vector<782x128xf32>
    %broadcast_in_dim3A_463 = vector.broadcast %jit3A_461 : f32 to vector<782x128xf32>
    %select_n3A_464 = arith.select %eq3A_459, %broadcast_in_dim3A_462, %broadcast_in_dim3A_463 : vector<782x128xi1>, vector<782x128xf32>
    %reduce_sum3A_465 = arith.constant dense<0.000000e+00> : vector<128xf32>
    %reduce_sum3A_466 = vector.multi_reduction <add>, %select_n3A_464, %reduce_sum3A_465 [0] : vector<782x128xf32> to vector<128xf32>
    %eq3A_467 = arith.constant 47 : i32
    %eq3A_468 = vector.broadcast %eq3A_467 : i32 to vector<782x128xi32>
    %eq3A_469 = arith.cmpi eq, %get3A_1, %eq3A_468 : vector<782x128xi32>
    %jit3A_470 = arith.constant 1.000000e+00 : f32
    %jit3A_471 = arith.constant 0.000000e+00 : f32
    %broadcast_in_dim3A_472 = vector.broadcast %jit3A_470 : f32 to vector<782x128xf32>
    %broadcast_in_dim3A_473 = vector.broadcast %jit3A_471 : f32 to vector<782x128xf32>
    %select_n3A_474 = arith.select %eq3A_469, %broadcast_in_dim3A_472, %broadcast_in_dim3A_473 : vector<782x128xi1>, vector<782x128xf32>
    %reduce_sum3A_475 = arith.constant dense<0.000000e+00> : vector<128xf32>
    %reduce_sum3A_476 = vector.multi_reduction <add>, %select_n3A_474, %reduce_sum3A_475 [0] : vector<782x128xf32> to vector<128xf32>
    %eq3A_477 = arith.constant 48 : i32
    %eq3A_478 = vector.broadcast %eq3A_477 : i32 to vector<782x128xi32>
    %eq3A_479 = arith.cmpi eq, %get3A_1, %eq3A_478 : vector<782x128xi32>
    %jit3A_480 = arith.constant 1.000000e+00 : f32
    %jit3A_481 = arith.constant 0.000000e+00 : f32
    %broadcast_in_dim3A_482 = vector.broadcast %jit3A_480 : f32 to vector<782x128xf32>
    %broadcast_in_dim3A_483 = vector.broadcast %jit3A_481 : f32 to vector<782x128xf32>
    %select_n3A_484 = arith.select %eq3A_479, %broadcast_in_dim3A_482, %broadcast_in_dim3A_483 : vector<782x128xi1>, vector<782x128xf32>
    %reduce_sum3A_485 = arith.constant dense<0.000000e+00> : vector<128xf32>
    %reduce_sum3A_486 = vector.multi_reduction <add>, %select_n3A_484, %reduce_sum3A_485 [0] : vector<782x128xf32> to vector<128xf32>
    %eq3A_487 = arith.constant 49 : i32
    %eq3A_488 = vector.broadcast %eq3A_487 : i32 to vector<782x128xi32>
    %eq3A_489 = arith.cmpi eq, %get3A_1, %eq3A_488 : vector<782x128xi32>
    %jit3A_490 = arith.constant 1.000000e+00 : f32
    %jit3A_491 = arith.constant 0.000000e+00 : f32
    %broadcast_in_dim3A_492 = vector.broadcast %jit3A_490 : f32 to vector<782x128xf32>
    %broadcast_in_dim3A_493 = vector.broadcast %jit3A_491 : f32 to vector<782x128xf32>
    %select_n3A_494 = arith.select %eq3A_489, %broadcast_in_dim3A_492, %broadcast_in_dim3A_493 : vector<782x128xi1>, vector<782x128xf32>
    %reduce_sum3A_495 = arith.constant dense<0.000000e+00> : vector<128xf32>
    %reduce_sum3A_496 = vector.multi_reduction <add>, %select_n3A_494, %reduce_sum3A_495 [0] : vector<782x128xf32> to vector<128xf32>
    %eq3A_497 = arith.constant 50 : i32
    %eq3A_498 = vector.broadcast %eq3A_497 : i32 to vector<782x128xi32>
    %eq3A_499 = arith.cmpi eq, %get3A_1, %eq3A_498 : vector<782x128xi32>
    %jit3A_500 = arith.constant 1.000000e+00 : f32
    %jit3A_501 = arith.constant 0.000000e+00 : f32
    %broadcast_in_dim3A_502 = vector.broadcast %jit3A_500 : f32 to vector<782x128xf32>
    %broadcast_in_dim3A_503 = vector.broadcast %jit3A_501 : f32 to vector<782x128xf32>
    %select_n3A_504 = arith.select %eq3A_499, %broadcast_in_dim3A_502, %broadcast_in_dim3A_503 : vector<782x128xi1>, vector<782x128xf32>
    %reduce_sum3A_505 = arith.constant dense<0.000000e+00> : vector<128xf32>
    %reduce_sum3A_506 = vector.multi_reduction <add>, %select_n3A_504, %reduce_sum3A_505 [0] : vector<782x128xf32> to vector<128xf32>
    %eq3A_507 = arith.constant 51 : i32
    %eq3A_508 = vector.broadcast %eq3A_507 : i32 to vector<782x128xi32>
    %eq3A_509 = arith.cmpi eq, %get3A_1, %eq3A_508 : vector<782x128xi32>
    %jit3A_510 = arith.constant 1.000000e+00 : f32
    %jit3A_511 = arith.constant 0.000000e+00 : f32
    %broadcast_in_dim3A_512 = vector.broadcast %jit3A_510 : f32 to vector<782x128xf32>
    %broadcast_in_dim3A_513 = vector.broadcast %jit3A_511 : f32 to vector<782x128xf32>
    %select_n3A_514 = arith.select %eq3A_509, %broadcast_in_dim3A_512, %broadcast_in_dim3A_513 : vector<782x128xi1>, vector<782x128xf32>
    %reduce_sum3A_515 = arith.constant dense<0.000000e+00> : vector<128xf32>
    %reduce_sum3A_516 = vector.multi_reduction <add>, %select_n3A_514, %reduce_sum3A_515 [0] : vector<782x128xf32> to vector<128xf32>
    %eq3A_517 = arith.constant 52 : i32
    %eq3A_518 = vector.broadcast %eq3A_517 : i32 to vector<782x128xi32>
    %eq3A_519 = arith.cmpi eq, %get3A_1, %eq3A_518 : vector<782x128xi32>
    %jit3A_520 = arith.constant 1.000000e+00 : f32
    %jit3A_521 = arith.constant 0.000000e+00 : f32
    %broadcast_in_dim3A_522 = vector.broadcast %jit3A_520 : f32 to vector<782x128xf32>
    %broadcast_in_dim3A_523 = vector.broadcast %jit3A_521 : f32 to vector<782x128xf32>
    %select_n3A_524 = arith.select %eq3A_519, %broadcast_in_dim3A_522, %broadcast_in_dim3A_523 : vector<782x128xi1>, vector<782x128xf32>
    %reduce_sum3A_525 = arith.constant dense<0.000000e+00> : vector<128xf32>
    %reduce_sum3A_526 = vector.multi_reduction <add>, %select_n3A_524, %reduce_sum3A_525 [0] : vector<782x128xf32> to vector<128xf32>
    %eq3A_527 = arith.constant 53 : i32
    %eq3A_528 = vector.broadcast %eq3A_527 : i32 to vector<782x128xi32>
    %eq3A_529 = arith.cmpi eq, %get3A_1, %eq3A_528 : vector<782x128xi32>
    %jit3A_530 = arith.constant 1.000000e+00 : f32
    %jit3A_531 = arith.constant 0.000000e+00 : f32
    %broadcast_in_dim3A_532 = vector.broadcast %jit3A_530 : f32 to vector<782x128xf32>
    %broadcast_in_dim3A_533 = vector.broadcast %jit3A_531 : f32 to vector<782x128xf32>
    %select_n3A_534 = arith.select %eq3A_529, %broadcast_in_dim3A_532, %broadcast_in_dim3A_533 : vector<782x128xi1>, vector<782x128xf32>
    %reduce_sum3A_535 = arith.constant dense<0.000000e+00> : vector<128xf32>
    %reduce_sum3A_536 = vector.multi_reduction <add>, %select_n3A_534, %reduce_sum3A_535 [0] : vector<782x128xf32> to vector<128xf32>
    %eq3A_537 = arith.constant 54 : i32
    %eq3A_538 = vector.broadcast %eq3A_537 : i32 to vector<782x128xi32>
    %eq3A_539 = arith.cmpi eq, %get3A_1, %eq3A_538 : vector<782x128xi32>
    %jit3A_540 = arith.constant 1.000000e+00 : f32
    %jit3A_541 = arith.constant 0.000000e+00 : f32
    %broadcast_in_dim3A_542 = vector.broadcast %jit3A_540 : f32 to vector<782x128xf32>
    %broadcast_in_dim3A_543 = vector.broadcast %jit3A_541 : f32 to vector<782x128xf32>
    %select_n3A_544 = arith.select %eq3A_539, %broadcast_in_dim3A_542, %broadcast_in_dim3A_543 : vector<782x128xi1>, vector<782x128xf32>
    %reduce_sum3A_545 = arith.constant dense<0.000000e+00> : vector<128xf32>
    %reduce_sum3A_546 = vector.multi_reduction <add>, %select_n3A_544, %reduce_sum3A_545 [0] : vector<782x128xf32> to vector<128xf32>
    %eq3A_547 = arith.constant 55 : i32
    %eq3A_548 = vector.broadcast %eq3A_547 : i32 to vector<782x128xi32>
    %eq3A_549 = arith.cmpi eq, %get3A_1, %eq3A_548 : vector<782x128xi32>
    %jit3A_550 = arith.constant 1.000000e+00 : f32
    %jit3A_551 = arith.constant 0.000000e+00 : f32
    %broadcast_in_dim3A_552 = vector.broadcast %jit3A_550 : f32 to vector<782x128xf32>
    %broadcast_in_dim3A_553 = vector.broadcast %jit3A_551 : f32 to vector<782x128xf32>
    %select_n3A_554 = arith.select %eq3A_549, %broadcast_in_dim3A_552, %broadcast_in_dim3A_553 : vector<782x128xi1>, vector<782x128xf32>
    %reduce_sum3A_555 = arith.constant dense<0.000000e+00> : vector<128xf32>
    %reduce_sum3A_556 = vector.multi_reduction <add>, %select_n3A_554, %reduce_sum3A_555 [0] : vector<782x128xf32> to vector<128xf32>
    %eq3A_557 = arith.constant 56 : i32
    %eq3A_558 = vector.broadcast %eq3A_557 : i32 to vector<782x128xi32>
    %eq3A_559 = arith.cmpi eq, %get3A_1, %eq3A_558 : vector<782x128xi32>
    %jit3A_560 = arith.constant 1.000000e+00 : f32
    %jit3A_561 = arith.constant 0.000000e+00 : f32
    %broadcast_in_dim3A_562 = vector.broadcast %jit3A_560 : f32 to vector<782x128xf32>
    %broadcast_in_dim3A_563 = vector.broadcast %jit3A_561 : f32 to vector<782x128xf32>
    %select_n3A_564 = arith.select %eq3A_559, %broadcast_in_dim3A_562, %broadcast_in_dim3A_563 : vector<782x128xi1>, vector<782x128xf32>
    %reduce_sum3A_565 = arith.constant dense<0.000000e+00> : vector<128xf32>
    %reduce_sum3A_566 = vector.multi_reduction <add>, %select_n3A_564, %reduce_sum3A_565 [0] : vector<782x128xf32> to vector<128xf32>
    %eq3A_567 = arith.constant 57 : i32
    %eq3A_568 = vector.broadcast %eq3A_567 : i32 to vector<782x128xi32>
    %eq3A_569 = arith.cmpi eq, %get3A_1, %eq3A_568 : vector<782x128xi32>
    %jit3A_570 = arith.constant 1.000000e+00 : f32
    %jit3A_571 = arith.constant 0.000000e+00 : f32
    %broadcast_in_dim3A_572 = vector.broadcast %jit3A_570 : f32 to vector<782x128xf32>
    %broadcast_in_dim3A_573 = vector.broadcast %jit3A_571 : f32 to vector<782x128xf32>
    %select_n3A_574 = arith.select %eq3A_569, %broadcast_in_dim3A_572, %broadcast_in_dim3A_573 : vector<782x128xi1>, vector<782x128xf32>
    %reduce_sum3A_575 = arith.constant dense<0.000000e+00> : vector<128xf32>
    %reduce_sum3A_576 = vector.multi_reduction <add>, %select_n3A_574, %reduce_sum3A_575 [0] : vector<782x128xf32> to vector<128xf32>
    %eq3A_577 = arith.constant 58 : i32
    %eq3A_578 = vector.broadcast %eq3A_577 : i32 to vector<782x128xi32>
    %eq3A_579 = arith.cmpi eq, %get3A_1, %eq3A_578 : vector<782x128xi32>
    %jit3A_580 = arith.constant 1.000000e+00 : f32
    %jit3A_581 = arith.constant 0.000000e+00 : f32
    %broadcast_in_dim3A_582 = vector.broadcast %jit3A_580 : f32 to vector<782x128xf32>
    %broadcast_in_dim3A_583 = vector.broadcast %jit3A_581 : f32 to vector<782x128xf32>
    %select_n3A_584 = arith.select %eq3A_579, %broadcast_in_dim3A_582, %broadcast_in_dim3A_583 : vector<782x128xi1>, vector<782x128xf32>
    %reduce_sum3A_585 = arith.constant dense<0.000000e+00> : vector<128xf32>
    %reduce_sum3A_586 = vector.multi_reduction <add>, %select_n3A_584, %reduce_sum3A_585 [0] : vector<782x128xf32> to vector<128xf32>
    %eq3A_587 = arith.constant 59 : i32
    %eq3A_588 = vector.broadcast %eq3A_587 : i32 to vector<782x128xi32>
    %eq3A_589 = arith.cmpi eq, %get3A_1, %eq3A_588 : vector<782x128xi32>
    %jit3A_590 = arith.constant 1.000000e+00 : f32
    %jit3A_591 = arith.constant 0.000000e+00 : f32
    %broadcast_in_dim3A_592 = vector.broadcast %jit3A_590 : f32 to vector<782x128xf32>
    %broadcast_in_dim3A_593 = vector.broadcast %jit3A_591 : f32 to vector<782x128xf32>
    %select_n3A_594 = arith.select %eq3A_589, %broadcast_in_dim3A_592, %broadcast_in_dim3A_593 : vector<782x128xi1>, vector<782x128xf32>
    %reduce_sum3A_595 = arith.constant dense<0.000000e+00> : vector<128xf32>
    %reduce_sum3A_596 = vector.multi_reduction <add>, %select_n3A_594, %reduce_sum3A_595 [0] : vector<782x128xf32> to vector<128xf32>
    %eq3A_597 = arith.constant 60 : i32
    %eq3A_598 = vector.broadcast %eq3A_597 : i32 to vector<782x128xi32>
    %eq3A_599 = arith.cmpi eq, %get3A_1, %eq3A_598 : vector<782x128xi32>
    %jit3A_600 = arith.constant 1.000000e+00 : f32
    %jit3A_601 = arith.constant 0.000000e+00 : f32
    %broadcast_in_dim3A_602 = vector.broadcast %jit3A_600 : f32 to vector<782x128xf32>
    %broadcast_in_dim3A_603 = vector.broadcast %jit3A_601 : f32 to vector<782x128xf32>
    %select_n3A_604 = arith.select %eq3A_599, %broadcast_in_dim3A_602, %broadcast_in_dim3A_603 : vector<782x128xi1>, vector<782x128xf32>
    %reduce_sum3A_605 = arith.constant dense<0.000000e+00> : vector<128xf32>
    %reduce_sum3A_606 = vector.multi_reduction <add>, %select_n3A_604, %reduce_sum3A_605 [0] : vector<782x128xf32> to vector<128xf32>
    %eq3A_607 = arith.constant 61 : i32
    %eq3A_608 = vector.broadcast %eq3A_607 : i32 to vector<782x128xi32>
    %eq3A_609 = arith.cmpi eq, %get3A_1, %eq3A_608 : vector<782x128xi32>
    %jit3A_610 = arith.constant 1.000000e+00 : f32
    %jit3A_611 = arith.constant 0.000000e+00 : f32
    %broadcast_in_dim3A_612 = vector.broadcast %jit3A_610 : f32 to vector<782x128xf32>
    %broadcast_in_dim3A_613 = vector.broadcast %jit3A_611 : f32 to vector<782x128xf32>
    %select_n3A_614 = arith.select %eq3A_609, %broadcast_in_dim3A_612, %broadcast_in_dim3A_613 : vector<782x128xi1>, vector<782x128xf32>
    %reduce_sum3A_615 = arith.constant dense<0.000000e+00> : vector<128xf32>
    %reduce_sum3A_616 = vector.multi_reduction <add>, %select_n3A_614, %reduce_sum3A_615 [0] : vector<782x128xf32> to vector<128xf32>
    %eq3A_617 = arith.constant 62 : i32
    %eq3A_618 = vector.broadcast %eq3A_617 : i32 to vector<782x128xi32>
    %eq3A_619 = arith.cmpi eq, %get3A_1, %eq3A_618 : vector<782x128xi32>
    %jit3A_620 = arith.constant 1.000000e+00 : f32
    %jit3A_621 = arith.constant 0.000000e+00 : f32
    %broadcast_in_dim3A_622 = vector.broadcast %jit3A_620 : f32 to vector<782x128xf32>
    %broadcast_in_dim3A_623 = vector.broadcast %jit3A_621 : f32 to vector<782x128xf32>
    %select_n3A_624 = arith.select %eq3A_619, %broadcast_in_dim3A_622, %broadcast_in_dim3A_623 : vector<782x128xi1>, vector<782x128xf32>
    %reduce_sum3A_625 = arith.constant dense<0.000000e+00> : vector<128xf32>
    %reduce_sum3A_626 = vector.multi_reduction <add>, %select_n3A_624, %reduce_sum3A_625 [0] : vector<782x128xf32> to vector<128xf32>
    %eq3A_627 = arith.constant 63 : i32
    %eq3A_628 = vector.broadcast %eq3A_627 : i32 to vector<782x128xi32>
    %eq3A_629 = arith.cmpi eq, %get3A_1, %eq3A_628 : vector<782x128xi32>
    %jit3A_630 = arith.constant 1.000000e+00 : f32
    %jit3A_631 = arith.constant 0.000000e+00 : f32
    %broadcast_in_dim3A_632 = vector.broadcast %jit3A_630 : f32 to vector<782x128xf32>
    %broadcast_in_dim3A_633 = vector.broadcast %jit3A_631 : f32 to vector<782x128xf32>
    %select_n3A_634 = arith.select %eq3A_629, %broadcast_in_dim3A_632, %broadcast_in_dim3A_633 : vector<782x128xi1>, vector<782x128xf32>
    %reduce_sum3A_635 = arith.constant dense<0.000000e+00> : vector<128xf32>
    %reduce_sum3A_636 = vector.multi_reduction <add>, %select_n3A_634, %reduce_sum3A_635 [0] : vector<782x128xf32> to vector<128xf32>
    %stack3A = vector.shape_cast %reduce_sum3A_6 : vector<128xf32> to vector<1x128xf32>
    %stack3A_637 = vector.shape_cast %reduce_sum3A_16 : vector<128xf32> to vector<1x128xf32>
    %stack3A_638 = vector.shape_cast %reduce_sum3A_26 : vector<128xf32> to vector<1x128xf32>
    %stack3A_639 = vector.shape_cast %reduce_sum3A_36 : vector<128xf32> to vector<1x128xf32>
    %stack3A_640 = vector.shape_cast %reduce_sum3A_46 : vector<128xf32> to vector<1x128xf32>
    %stack3A_641 = vector.shape_cast %reduce_sum3A_56 : vector<128xf32> to vector<1x128xf32>
    %stack3A_642 = vector.shape_cast %reduce_sum3A_66 : vector<128xf32> to vector<1x128xf32>
    %stack3A_643 = vector.shape_cast %reduce_sum3A_76 : vector<128xf32> to vector<1x128xf32>
    %stack3A_644 = vector.shape_cast %reduce_sum3A_86 : vector<128xf32> to vector<1x128xf32>
    %stack3A_645 = vector.shape_cast %reduce_sum3A_96 : vector<128xf32> to vector<1x128xf32>
    %stack3A_646 = vector.shape_cast %reduce_sum3A_106 : vector<128xf32> to vector<1x128xf32>
    %stack3A_647 = vector.shape_cast %reduce_sum3A_116 : vector<128xf32> to vector<1x128xf32>
    %stack3A_648 = vector.shape_cast %reduce_sum3A_126 : vector<128xf32> to vector<1x128xf32>
    %stack3A_649 = vector.shape_cast %reduce_sum3A_136 : vector<128xf32> to vector<1x128xf32>
    %stack3A_650 = vector.shape_cast %reduce_sum3A_146 : vector<128xf32> to vector<1x128xf32>
    %stack3A_651 = vector.shape_cast %reduce_sum3A_156 : vector<128xf32> to vector<1x128xf32>
    %stack3A_652 = vector.shape_cast %reduce_sum3A_166 : vector<128xf32> to vector<1x128xf32>
    %stack3A_653 = vector.shape_cast %reduce_sum3A_176 : vector<128xf32> to vector<1x128xf32>
    %stack3A_654 = vector.shape_cast %reduce_sum3A_186 : vector<128xf32> to vector<1x128xf32>
    %stack3A_655 = vector.shape_cast %reduce_sum3A_196 : vector<128xf32> to vector<1x128xf32>
    %stack3A_656 = vector.shape_cast %reduce_sum3A_206 : vector<128xf32> to vector<1x128xf32>
    %stack3A_657 = vector.shape_cast %reduce_sum3A_216 : vector<128xf32> to vector<1x128xf32>
    %stack3A_658 = vector.shape_cast %reduce_sum3A_226 : vector<128xf32> to vector<1x128xf32>
    %stack3A_659 = vector.shape_cast %reduce_sum3A_236 : vector<128xf32> to vector<1x128xf32>
    %stack3A_660 = vector.shape_cast %reduce_sum3A_246 : vector<128xf32> to vector<1x128xf32>
    %stack3A_661 = vector.shape_cast %reduce_sum3A_256 : vector<128xf32> to vector<1x128xf32>
    %stack3A_662 = vector.shape_cast %reduce_sum3A_266 : vector<128xf32> to vector<1x128xf32>
    %stack3A_663 = vector.shape_cast %reduce_sum3A_276 : vector<128xf32> to vector<1x128xf32>
    %stack3A_664 = vector.shape_cast %reduce_sum3A_286 : vector<128xf32> to vector<1x128xf32>
    %stack3A_665 = vector.shape_cast %reduce_sum3A_296 : vector<128xf32> to vector<1x128xf32>
    %stack3A_666 = vector.shape_cast %reduce_sum3A_306 : vector<128xf32> to vector<1x128xf32>
    %stack3A_667 = vector.shape_cast %reduce_sum3A_316 : vector<128xf32> to vector<1x128xf32>
    %stack3A_668 = vector.shape_cast %reduce_sum3A_326 : vector<128xf32> to vector<1x128xf32>
    %stack3A_669 = vector.shape_cast %reduce_sum3A_336 : vector<128xf32> to vector<1x128xf32>
    %stack3A_670 = vector.shape_cast %reduce_sum3A_346 : vector<128xf32> to vector<1x128xf32>
    %stack3A_671 = vector.shape_cast %reduce_sum3A_356 : vector<128xf32> to vector<1x128xf32>
    %stack3A_672 = vector.shape_cast %reduce_sum3A_366 : vector<128xf32> to vector<1x128xf32>
    %stack3A_673 = vector.shape_cast %reduce_sum3A_376 : vector<128xf32> to vector<1x128xf32>
    %stack3A_674 = vector.shape_cast %reduce_sum3A_386 : vector<128xf32> to vector<1x128xf32>
    %stack3A_675 = vector.shape_cast %reduce_sum3A_396 : vector<128xf32> to vector<1x128xf32>
    %stack3A_676 = vector.shape_cast %reduce_sum3A_406 : vector<128xf32> to vector<1x128xf32>
    %stack3A_677 = vector.shape_cast %reduce_sum3A_416 : vector<128xf32> to vector<1x128xf32>
    %stack3A_678 = vector.shape_cast %reduce_sum3A_426 : vector<128xf32> to vector<1x128xf32>
    %stack3A_679 = vector.shape_cast %reduce_sum3A_436 : vector<128xf32> to vector<1x128xf32>
    %stack3A_680 = vector.shape_cast %reduce_sum3A_446 : vector<128xf32> to vector<1x128xf32>
    %stack3A_681 = vector.shape_cast %reduce_sum3A_456 : vector<128xf32> to vector<1x128xf32>
    %stack3A_682 = vector.shape_cast %reduce_sum3A_466 : vector<128xf32> to vector<1x128xf32>
    %stack3A_683 = vector.shape_cast %reduce_sum3A_476 : vector<128xf32> to vector<1x128xf32>
    %stack3A_684 = vector.shape_cast %reduce_sum3A_486 : vector<128xf32> to vector<1x128xf32>
    %stack3A_685 = vector.shape_cast %reduce_sum3A_496 : vector<128xf32> to vector<1x128xf32>
    %stack3A_686 = vector.shape_cast %reduce_sum3A_506 : vector<128xf32> to vector<1x128xf32>
    %stack3A_687 = vector.shape_cast %reduce_sum3A_516 : vector<128xf32> to vector<1x128xf32>
    %stack3A_688 = vector.shape_cast %reduce_sum3A_526 : vector<128xf32> to vector<1x128xf32>
    %stack3A_689 = vector.shape_cast %reduce_sum3A_536 : vector<128xf32> to vector<1x128xf32>
    %stack3A_690 = vector.shape_cast %reduce_sum3A_546 : vector<128xf32> to vector<1x128xf32>
    %stack3A_691 = vector.shape_cast %reduce_sum3A_556 : vector<128xf32> to vector<1x128xf32>
    %stack3A_692 = vector.shape_cast %reduce_sum3A_566 : vector<128xf32> to vector<1x128xf32>
    %stack3A_693 = vector.shape_cast %reduce_sum3A_576 : vector<128xf32> to vector<1x128xf32>
    %stack3A_694 = vector.shape_cast %reduce_sum3A_586 : vector<128xf32> to vector<1x128xf32>
    %stack3A_695 = vector.shape_cast %reduce_sum3A_596 : vector<128xf32> to vector<1x128xf32>
    %stack3A_696 = vector.shape_cast %reduce_sum3A_606 : vector<128xf32> to vector<1x128xf32>
    %stack3A_697 = vector.shape_cast %reduce_sum3A_616 : vector<128xf32> to vector<1x128xf32>
    %stack3A_698 = vector.shape_cast %reduce_sum3A_626 : vector<128xf32> to vector<1x128xf32>
    %stack3A_699 = vector.shape_cast %reduce_sum3A_636 : vector<128xf32> to vector<1x128xf32>
    %stack3A_700 = tpu.concatenate %stack3A, %stack3A_637, %stack3A_638, %stack3A_639, %stack3A_640, %stack3A_641, %stack3A_642, %stack3A_643, %stack3A_644, %stack3A_645, %stack3A_646, %stack3A_647, %stack3A_648, %stack3A_649, %stack3A_650, %stack3A_651, %stack3A_652, %stack3A_653, %stack3A_654, %stack3A_655, %stack3A_656, %stack3A_657, %stack3A_658, %stack3A_659, %stack3A_660, %stack3A_661, %stack3A_662, %stack3A_663, %stack3A_664, %stack3A_665, %stack3A_666, %stack3A_667, %stack3A_668, %stack3A_669, %stack3A_670, %stack3A_671, %stack3A_672, %stack3A_673, %stack3A_674, %stack3A_675, %stack3A_676, %stack3A_677, %stack3A_678, %stack3A_679, %stack3A_680, %stack3A_681, %stack3A_682, %stack3A_683, %stack3A_684, %stack3A_685, %stack3A_686, %stack3A_687, %stack3A_688, %stack3A_689, %stack3A_690, %stack3A_691, %stack3A_692, %stack3A_693, %stack3A_694, %stack3A_695, %stack3A_696, %stack3A_697, %stack3A_698, %stack3A_699 in 0 : vector<1x128xf32>, vector<1x128xf32>, vector<1x128xf32>, vector<1x128xf32>, vector<1x128xf32>, vector<1x128xf32>, vector<1x128xf32>, vector<1x128xf32>, vector<1x128xf32>, vector<1x128xf32>, vector<1x128xf32>, vector<1x128xf32>, vector<1x128xf32>, vector<1x128xf32>, vector<1x128xf32>, vector<1x128xf32>, vector<1x128xf32>, vector<1x128xf32>, vector<1x128xf32>, vector<1x128xf32>, vector<1x128xf32>, vector<1x128xf32>, vector<1x128xf32>, vector<1x128xf32>, vector<1x128xf32>, vector<1x128xf32>, vector<1x128xf32>, vector<1x128xf32>, vector<1x128xf32>, vector<1x128xf32>, vector<1x128xf32>, vector<1x128xf32>, vector<1x128xf32>, vector<1x128xf32>, vector<1x128xf32>, vector<1x128xf32>, vector<1x128xf32>, vector<1x128xf32>, vector<1x128xf32>, vector<1x128xf32>, vector<1x128xf32>, vector<1x128xf32>, vector<1x128xf32>, vector<1x128xf32>, vector<1x128xf32>, vector<1x128xf32>, vector<1x128xf32>, vector<1x128xf32>, vector<1x128xf32>, vector<1x128xf32>, vector<1x128xf32>, vector<1x128xf32>, vector<1x128xf32>, vector<1x128xf32>, vector<1x128xf32>, vector<1x128xf32>, vector<1x128xf32>, vector<1x128xf32>, vector<1x128xf32>, vector<1x128xf32>, vector<1x128xf32>, vector<1x128xf32>, vector<1x128xf32>, vector<1x128xf32> -> vector<64x128xf32>
    %reduce_sum3A_701 = arith.constant dense<0.000000e+00> : vector<64xf32>
    %reduce_sum3A_702 = vector.multi_reduction <add>, %stack3A_700, %reduce_sum3A_701 [1] : vector<64x128xf32> to vector<64xf32>
    %broadcast_in_dim3A_703 = vector.shape_cast %reduce_sum3A_702 : vector<64xf32> to vector<64x1xf32>
    %swap3A = arith.constant 0 : index
    %swap3A_704 = arith.constant 0 : index
    %swap3A_705 = vector.load %arg1[%swap3A, %swap3A_704] : memref<64x1xf32, #tpu.memory_space<vmem>>, vector<64x1xf32>
    tpu.vector_store %arg1[%swap3A, %swap3A_704], %broadcast_in_dim3A_703 {strides = array<i32>} : memref<64x1xf32, #tpu.memory_space<vmem>>, vector<64x1xf32>,
    return
  }
}

module attributes {stable_mosaic.version = 14 : i64} {
  func.func @body(%arg0: i32, %arg1: memref<1x1x1024xi32, #tpu.memory_space<vmem>>, %arg2: memref<1024x128xf32, #tpu.memory_space<vmem>>, %arg3: memref<64x128xf32, #tpu.memory_space<vmem>>, %arg4: memref<64x128xf32, #tpu.memory_space<vmem>>) attributes {dimension_semantics = [#tpu.dimension_semantics<arbitrary>], iteration_bounds = array<i64: 34>, scalar_prefetch = 0 : i64, scratch_operands = 1 : i64, tpu.core_type = #tpu.core_type<tc>, window_params = [{transform_indices = @transform_0, window_bounds = array<i64: 1, 1, 1024>}, {transform_indices = @transform_1, window_bounds = array<i64: 1024, 128>}, {pipeline_mode = #tpu.pipeline_mode<synchronous>, transform_indices = @transform_2, window_bounds = array<i64: 64, 128>}]} {
    %eq3A = arith.constant 0 : i32
    %eq3A_0 = arith.cmpi eq, %arg0, %eq3A : i32
    %convert_element_type3A = arith.extui %eq3A_0 : i1 to i32
    %cond3A = arith.constant 0 : i32
    %cond3A_1 = arith.cmpi ne, %convert_element_type3A, %cond3A : i32
    scf.if %cond3A_1 {
      %broadcast_in_dim3A = arith.constant 0.000000e+00 : f32
      %broadcast_in_dim3A_26 = vector.broadcast %broadcast_in_dim3A : f32 to vector<64x128xf32>
      %swap3A_27 = arith.constant 0 : index
      %swap3A_28 = arith.constant 0 : index
      %swap3A_29 = vector.load %arg4[%swap3A_27, %swap3A_28] : memref<64x128xf32, #tpu.memory_space<vmem>>, vector<64x128xf32>
      tpu.vector_store %arg4[%swap3A_27, %swap3A_28], %broadcast_in_dim3A_26 {strides = array<i32>} : memref<64x128xf32, #tpu.memory_space<vmem>>, vector<64x128xf32>,
    } else {
    }
    %iota3A = tpu.iota {dimensions = array<i32: 0>} : vector<64x1024xi32>
    %get3A = arith.constant 0 : index
    %get3A_2 = arith.constant 0 : index
    %get3A_3 = arith.constant 0 : index
    %get3A_4 = vector.load %arg1[%get3A, %get3A_2, %get3A_3] : memref<1x1x1024xi32, #tpu.memory_space<vmem>>, vector<1x1x1024xi32>
    %get3A_5 = vector.shape_cast %get3A_4 : vector<1x1x1024xi32> to vector<1x1024xi32>
    %eq3A_6 = vector.broadcast %get3A_5 : vector<1x1024xi32> to vector<64x1024xi32>
    %eq3A_7 = arith.cmpi eq, %iota3A, %eq3A_6 : vector<64x1024xi32>
    %convert_element_type3A_8 = arith.extui %eq3A_7 : vector<64x1024xi1> to vector<64x1024xi32>
    %convert_element_type3A_9 = arith.sitofp %convert_element_type3A_8 : vector<64x1024xi32> to vector<64x1024xf32>
    %convert_element_type3A_10 = arith.truncf %convert_element_type3A_9 : vector<64x1024xf32> to vector<64x1024xbf16>
    %get3A_11 = arith.constant 0 : index
    %get3A_12 = arith.constant 0 : index
    %get3A_13 = vector.load %arg4[%get3A_11, %get3A_12] : memref<64x128xf32, #tpu.memory_space<vmem>>, vector<64x128xf32>
    %get3A_14 = arith.constant 0 : index
    %get3A_15 = arith.constant 0 : index
    %get3A_16 = vector.load %arg2[%get3A_14, %get3A_15] : memref<1024x128xf32, #tpu.memory_space<vmem>>, vector<1024x128xf32>
    %convert_element_type3A_17 = arith.truncf %get3A_16 : vector<1024x128xf32> to vector<1024x128xbf16>
    %dot_general3A = arith.constant dense<0.000000e+00> : vector<64x128xf32>
    %dot_general3A_18 = tpu.matmul %convert_element_type3A_10, %convert_element_type3A_17, %dot_general3A {dimension_numbers = #tpu.dot_dimension_numbers<[1], [0], [0], [1], [0, 0, 1, 1], [], []>, transpose_lhs_hint = false} : vector<64x1024xbf16>, vector<1024x128xbf16>, vector<64x128xf32> -> vector<64x128xf32>
    %add3A = arith.addf %get3A_13, %dot_general3A_18 : vector<64x128xf32>
    %swap3A = arith.constant 0 : index
    %swap3A_19 = arith.constant 0 : index
    %swap3A_20 = vector.load %arg4[%swap3A, %swap3A_19] : memref<64x128xf32, #tpu.memory_space<vmem>>, vector<64x128xf32>
    tpu.vector_store %arg4[%swap3A, %swap3A_19], %add3A {strides = array<i32>} : memref<64x128xf32, #tpu.memory_space<vmem>>, vector<64x128xf32>,
    %eq3A_21 = arith.constant 33 : i32
    %eq3A_22 = arith.cmpi eq, %arg0, %eq3A_21 : i32
    %convert_element_type3A_23 = arith.extui %eq3A_22 : i1 to i32
    %cond3A_24 = arith.constant 0 : i32
    %cond3A_25 = arith.cmpi ne, %convert_element_type3A_23, %cond3A_24 : i32
    scf.if %cond3A_25 {
      %get3A_26 = arith.constant 0 : index
      %get3A_27 = arith.constant 0 : index
      %get3A_28 = vector.load %arg4[%get3A_26, %get3A_27] : memref<64x128xf32, #tpu.memory_space<vmem>>, vector<64x128xf32>
      %swap3A_29 = arith.constant 0 : index
      %swap3A_30 = arith.constant 0 : index
      %swap3A_31 = vector.load %arg3[%swap3A_29, %swap3A_30] : memref<64x128xf32, #tpu.memory_space<vmem>>, vector<64x128xf32>
      tpu.vector_store %arg3[%swap3A_29, %swap3A_30], %get3A_28 {strides = array<i32>} : memref<64x128xf32, #tpu.memory_space<vmem>>, vector<64x128xf32>,
    } else {
    }
    return
  }
  func.func @transform_0(%arg0: i32) -> (i32, i32, i32) {
    %c0_i32 = arith.constant 0 : i32
    %c0_i32_0 = arith.constant 0 : i32
    %c0_i32_1 = arith.constant 0 : i32
    return %arg0, %c0_i32, %c0_i32_0 : i32, i32, i32
  }
  func.func @transform_1(%arg0: i32) -> (i32, i32) {
    %c0_i32 = arith.constant 0 : i32
    %c0_i32_0 = arith.constant 0 : i32
    return %arg0, %c0_i32 : i32, i32
  }
  func.func @transform_2(%arg0: i32) -> (i32, i32) {
    %c0_i32 = arith.constant 0 : i32
    %c0_i32_0 = arith.constant 0 : i32
    %c0_i32_1 = arith.constant 0 : i32
    return %c0_i32, %c0_i32_0 : i32, i32
  }
}

</mosaic_0001>

<sc_bundles>
// kernel: kernel.6.cloned.1.call-start
scs
__scs_entry_jumppad:
0x0: {  	(pc) =	sbr.rel $0x88, $3  }
0x1: {  	(tag) =	ssettag $0x0;
	lr =	simm.s32 $0x1  }
0x2: {  	[smem:$0x3F9F] =	sst lr;
	_ =	strace $0xD0000000  }
0x3: {  	_ = 	snop  }
0x4: {  	_ = 	snop  }
0x5: {  	_ = 	snop  }
0x6: {  	_ = 	snop  }
0x7: {  	_ = 	snop  }
__scs_overlays_trampoline_lowered:
0x8: {  	[smem:$0x3FAE] =	sst s0  }
0x9: {  	[smem:$0x3FAF] =	sst s1  }
0xa: {  	[smem:$0x3FB0] =	sst s2  }
0xb: {  	[smem:$0x3FB1] =	sst s3  }
0xc: {  	[smem:$0x3FB2] =	sst s4  }
0xd: {  	[smem:$0x3FB3] =	sst s5  }
0xe: {  	[smem:$0x3FB4] =	sst s6  }
0xf: {  	[smem:$0x3FB5] =	sst s7  }
0x10: {  	[smem:$0x3FB6] =	sst s8  }
0x11: {  	[smem:$0x3FB7] =	sst s9;
	s0 =	simm.s32 @!p0 $0x0  }
0x12: {  	s1 =	sld [smem:$0x3F9D];
	s0 =	simm.s32 @p0 $0x1  }
0x13: {  	[smem:$0x3FB8] =	sst s0;
	s0 =	simm.s32 @!p1 $0x0  }
0x14: {  	s2 =	sld [smem:$0x3F9C];
	s0 =	simm.s32 @p1 $0x1  }
0x15: {  	[smem:$0x3FB9] =	sst s0;
	s0 =	simm.s32 @!p2 $0x0  }
0x16: {  	s3 =	sld [smem:$0x3FDB];
	s0 =	simm.s32 @p2 $0x1  }
0x17: {  	s4 =	simm.s32 $0x1BF5;
	[smem:$0x3FBB] =	sst s0  }
0x18: {  	s0 =	sld [smem:$0x3F9E];
	_ =	swait.ge [sflag:s4], $0x0  }
0x19: {  	s7 =	sld [smem:$0x3F9F]  }
0x1a: {  	s8 =	sadd.s32 $0xFFFFE003, lr  }
0x1b: {  	s9 =	sadd.s32 $0xFFFFFEF7, lr;
	s5 =	simm.s32 $0xFFFFFFFF;
	p2 =	slt.u32 s8, $0xFFFFF086  }
0x1c: {  	p1 =	slt.u32 s9, $0xF7A;
	s5 =	simm.s32 @!p2 $0x0  }
0x1d: {  	s5 =	simm.s32 @p1 $0x1;
	p0 =	seq.s32 s7, s2  }
0x1e: {  	s7 =	smul.u32 @!p0 $0xF7A, s2;
	p2 =	seq.s32 @!p0 s5, $0x0  }
0x1f: {  	s9 =	smul.u32 $0xF7A, s1;
	s8 =	simm.s32 @!p0 $0x1BF5;
	p2 =	por !p2, p0  }
0x20: {  	[sflag:s8] =	ssyncset.s32 @!p0 $0xFFFFF086;
	s6 =	sadd.s32 @!p0 s3, s7;
	s7 =	simm.s32 @!p0 $0x108  }
0x21: {  	s3 =	sadd.s32 s3, s9;
	s6 =	sadd.s32 @!p0 $0x88, s6;
	s7 =	simm.s32 @p2 $0x1082  }
0x22: {  	[simem:s7], [sflag:s8] =	dma.local @!p0 [hbm:s6], $0xF7A  }
0x23: {  	s9 =	sor.u32 $0xD0000000, s2;
	s6 =	simm.s32 $0x108;
	_ =	swait.ge @!p0 [sflag:s8], $0x0  }
0x24: {  	s3 =	sadd.s32 $0x88, s3;
	s6 =	simm.s32 @!p1 $0x1082;
	[sflag:s4] =	ssyncset.s32 $0xFFFFF086  }
0x25: {  	[simem:s6], [sflag:s4] =	dma.local [hbm:s3], $0xF7A  }
0x26: {  	[smem:$0x3F9F] =	sst s1;
	(tag) =	ssettag s2;
	_ =	strace s9  }
0x27: {  	s1 =	sld [smem:$0x3FAF]  }
0x28: {  	s2 =	sld [smem:$0x3FB0]  }
0x29: {  	s4 =	sld [smem:$0x3FB2]  }
0x2a: {  	p0 =	seq.s32 s5, $0x0;
	s5 =	sld [smem:$0x3FB3]  }
0x2b: {  	s6 =	sld [smem:$0x3FB4]  }
0x2c: {  	s7 =	sld [smem:$0x3FB5]  }
0x2d: {  	s3 =	simm.s32 $0x108;
	s8 =	sld [smem:$0x3FB6]  }
0x2e: {  	s3 =	simm.s32 @!p0 $0x1082;
	s9 =	sld [smem:$0x3FB7]  }
0x2f: {  	lr =	sadd.s32 s0, s3;
	s0 =	sld [smem:$0x3FAE]  }
0x30: {  	s3 =	sld [smem:$0x3FB1]  }
0x31: {  	[smem:$0x3FBA] =	sst s10  }
0x32: {  	s10 =	sld [smem:$0x3FB8];
	_ =	sdelay $0x3  }
0x33: {  	p0 =	seq.s32 s10, $0x1;
	s10 =	sld [smem:$0x3FBA];
	_ =	sdelay $0x3  }
0x34: {  	[smem:$0x3FBA] =	sst s10  }
0x35: {  	s10 =	sld [smem:$0x3FB9];
	_ =	sdelay $0x3  }
0x36: {  	p1 =	seq.s32 s10, $0x1;
	s10 =	sld [smem:$0x3FBA];
	_ =	sdelay $0x3  }
0x37: {  	[smem:$0x3FBA] =	sst s10  }
0x38: {  	s10 =	sld [smem:$0x3FBB]  }
0x39: {  	_ = 	snop;
	(pc) =	sbr.ind lr, $3  }
0x3a: {  	_ = 	snop  }
0x3b: {  	_ = 	snop  }
0x3c: {  	p2 =	seq.s32 s10, $0x1;
	s10 =	sld [smem:$0x3FBA]  }
0x3d: {  	_ =	shalt  }
0x3e: {  	_ =	shalt  }
0x3f: {  	_ =	shalt  }
0x40: {  	_ =	shalt  }
0x41: {  	_ =	shalt  }
0x42: {  	_ =	shalt  }
0x43: {  	_ =	shalt  }
0x44: {  	_ =	shalt  }
0x45: {  	_ =	shalt  }
0x46: {  	_ =	shalt  }
0x47: {  	_ =	shalt  }
0x48: {  	_ =	shalt  }
0x49: {  	_ =	shalt  }
0x4a: {  	_ =	shalt  }
0x4b: {  	_ =	shalt  }
0x4c: {  	_ =	shalt  }
0x4d: {  	_ =	shalt  }
0x4e: {  	_ =	shalt  }
0x4f: {  	_ =	shalt  }
0x50: {  	_ =	shalt  }
0x51: {  	_ =	shalt  }
0x52: {  	_ =	shalt  }
0x53: {  	_ =	shalt  }
0x54: {  	_ =	shalt  }
0x55: {  	_ =	shalt  }
0x56: {  	_ =	shalt  }
0x57: {  	_ =	shalt  }
0x58: {  	_ =	shalt  }
0x59: {  	_ =	shalt  }
0x5a: {  	_ =	shalt  }
0x5b: {  	_ =	shalt  }
0x5c: {  	_ =	shalt  }
0x5d: {  	_ =	shalt  }
0x5e: {  	_ =	shalt  }
0x5f: {  	_ =	shalt  }
0x60: {  	_ =	shalt  }
0x61: {  	_ =	shalt  }
0x62: {  	_ =	shalt  }
0x63: {  	_ =	shalt  }
0x64: {  	_ =	shalt  }
0x65: {  	_ =	shalt  }
0x66: {  	_ =	shalt  }
0x67: {  	_ =	shalt  }
0x68: {  	_ =	shalt  }
0x69: {  	_ =	shalt  }
0x6a: {  	_ =	shalt  }
0x6b: {  	_ =	shalt  }
0x6c: {  	_ =	shalt  }
0x6d: {  	_ =	shalt  }
0x6e: {  	_ =	shalt  }
0x6f: {  	_ =	shalt  }
0x70: {  	_ =	shalt  }
0x71: {  	_ =	shalt  }
0x72: {  	_ =	shalt  }
0x73: {  	_ =	shalt  }
0x74: {  	_ =	shalt  }
0x75: {  	_ =	shalt  }
0x76: {  	_ =	shalt  }
0x77: {  	_ =	shalt  }
0x78: {  	_ =	shalt  }
0x79: {  	_ =	shalt  }
0x7a: {  	_ =	shalt  }
0x7b: {  	_ =	shalt  }
0x7c: {  	_ =	shalt  }
0x7d: {  	_ =	shalt  }
0x7e: {  	_ =	shalt  }
0x7f: {  	_ =	shalt  }
0x80: {  	_ =	shalt  }
0x81: {  	_ =	shalt  }
0x82: {  	_ =	shalt  }
0x83: {  	_ =	shalt  }
0x84: {  	_ =	shalt  }
0x85: {  	_ =	shalt  }
0x86: {  	_ =	shalt  }
0x87: {  	_ =	shalt  }
.Lfunc_end0:
.L_simem_size_0:
called_computation_lowered:
.L_overlay_start_0:
0x88: {  	s2 =	sld [smem:$0x3FD9]  }
0x89: {  	s3 =	sld [smem:$0x3FFE];
	_ =	sdelay $0x1  }
0x8a: {  	s1 =	srdreg.scid  }
0x8b: {  	s0 =	sand.u32 $0x1, s1  }
0x8c: {  	s17 =	sshll.u32 s0, $0xA;
	s2 =	sadd.s32 s3, s2  }
0x8d: {  	s2 =	sadd.s32 s2, s17  }
0x8e: {  	[smem:$0x3FC6] =	sst s2  }
0x8f: {  	_ = 	snop  }
0x90: {  	s2 =	sld [smem:$0x3FC9]  }
0x91: {  	s18 =	sld [smem:$0x3FC8];
	(tm) =	ssettm $0x1  }
0x92: {  	s4 =	sld [smem:$0x3FFB];
	_ =	sdelay $0x3  }
0x93: {  	_ =	strace s4  }
0x94: {  	s4 =	sld [smem:$0x3FFC];
	_ =	sdelay $0x3  }
0x95: {  	_ =	strace s4  }
0x96: {  	s4 =	sld [smem:$0x3FFD];
	_ =	sdelay $0x3  }
0x97: {  	_ =	strace s4  }
0x98: {  	_ =	strace $0x8FFFFFFF  }
0x99: {  	s19 =	sld [smem:$0x3FDB];
	_ =	sdelay $0x1  }
0x9a: {  	s5 =	simm.s32 $_scs_section_size  }
0x9b: {  	s6 =	simm.s32 $_size__tile_overlayer_lowered;
	s7 =	simm.s32 $_tile_overlayer_lowered  }
0x9c: {  	s22 =	simm.s32 $0x1BFF;
	s21 =	sshll.u32 s7, $0x1;
	s4 =	sadd.s32 s5, s19  }
0x9d: {  	s8 =	simm.s32 $0x0;
	s20 =	sshll.u32 s6, $0x1;
	s6 =	sadd.s32 s21, s4  }
0x9e: {  	[timem:s8], [sflag:s22] =	dma.local [hbm:s6], s20  }
0x9f: {  	_ =	swait.ge [sflag:s22], s20  }
0xa0: {  	s5 =	ssub.s32 $0x0, s20;
	[sflag:s22] =	ssyncset.done $0x0  }
0xa1: {  	[sflag:s22] =	ssyncadd.s32 s5;
	_ =	sdelay $0x1  }
0xa2: {  	s23 =	simm.s32 $0x1B8B  }
0xa3: {  	_ =	swait.ge [sflag:s23], $0x1  }
0xa4: {  	[sflag:s23] =	ssyncset.done $0x0  }
0xa5: {  	s25 =	simm.s32 $0x1B8E;
	s24 =	sld [smem:$0x3FFE];
	[sflag:s23] =	ssyncadd.s32 $0xFFFFFFFF  }
0xa6: {  	s26 =	simm.s32 $execute0_lowered;
	[smem:$0x3FD2] =	sst s25  }
0xa7: {  	s6 =	sshll.u32 s26, $0x1;
	_ =	strace $0x80000046;
	[dreg:$0x1] =	wrdreg $0xFFFFFFFF  }
0xa8: {  	s28 =	simm.s32 $_size_execute0_lowered;
	s4 =	sadd.s32 s4, s6;
	[dreg:$0x0] =	wrdreg $0x0  }
0xa9: {  	s6 =	sshll.u32 s28, $0x1;
	[dreg:$0x2] =	wrdreg s4  }
0xaa: {  	[dreg:$0x3] =	wrdreg s6  }
0xab: {  	[dreg:$0x4] =	wrdreg $0xC0  }
0xac: {  	_ =	task [dreg:s8], $0x5FFFF  }
0xad: {  	[dreg:$0x1] =	wrdreg $0xFFFFFFFF  }
0xae: {  	[dreg:$0x0] =	wrdreg $0x60  }
0xaf: {  	[dreg:$0x2] =	wrdreg s2  }
0xb0: {  	[dreg:$0x3] =	wrdreg s18  }
0xb1: {  	[dreg:$0x4] =	wrdreg s24  }
0xb2: {  	[dreg:$0x5] =	wrdreg $0x1AC000  }
0xb3: {  	[dreg:$0x6] =	wrdreg $0x9  }
0xb4: {  	_ =	task.clear_ibuf [dreg:s8], $0x7FFFF;
	_ =	strace $0x90000046  }
0xb5: {  	s29 =	simm.s32 $0x9;
	_ =	strace $0x80000048  }
0xb6: {  	_ =	swait.ge [sflag:s29], $0x1  }
0xb7: {  	[sflag:s29] =	ssyncadd.s32 $0xFFFFFFFF  }
0xb8: {  	_ =	strace $0x90000048  }
0xb9: {  	_ =	sfence  }
0xba: {  	s30 =	sld [smem:$0x0];
	_ =	sdelay $0x2  }
0xbb: {  	s31 =	sshll.u32 s1, $0xD;
	s1 =	sshrl.u32 s1, $0x2  }
0xbc: {  	s3 =	sand.u32 $0x4000, s31;
	s1 =	sadd.s32 s1, s30  }
0xbd: {  	s0 =	sor.u32 s3, s0;
	s1 =	sshll.u32 s1, $0x11  }
0xbe: {  	s0 =	sor.u32 s1, s0  }
0xbf: {  	s0 =	sadd.s32 $0x8F2B, s0  }
0xc0: {  	[sflag:s0] =	ssyncadd.remote.s32 $0x1  }
0xc1: {  	_ =	sfence.sel $0xFFFF  }
0xc2: {  	[dreg:$0x0] =	wrdreg $0xFFFFFFFF;
	(pc) =	sbr.abs _section_cstart, $3  }
0xc3: {  	[dreg:$0x1] =	wrdreg $0xFFFFFFFF  }
0xc4: {  	_ =	task.clear_ibuf [dreg:s8], $0x2FFFF;
	_ =	strace $0x9FFFFFFF  }
0xc5: {  	(tm) =	ssettm $0x7FFFFFFF  }
tec
execute0_lowered:
.L_overlay_start_1:
0x0: {  	(tag) =	ssettag $0x1  }
0x1: {  	s0 =	rddreg [dreg:$0x0]  }
0x2: {  	s3 =	rddreg [dreg:$0x1]  }
0x3: {  	s4 =	rddreg [dreg:$0x2]  }
0x4: {  	s1 =	rddreg [dreg:$0x3]  }
0x5: {  	s2 =	srdreg.scid;
	s5 =	stileid.u32  }
0x6: {  	s30 =	simm.s32 $0x18000;
	s31 =	simm.s32 $0x18080;
	s28 =	simm.s32 $0x4000  }
0x7: {  	s6 =	sand.u32 $0x1, s2;
	s7 =	sshll.u32 s5, $0x1;
	s2 =	simm.s32 $0x0  }
0x8: {  	p0 =	sne.s32 s5, $0x0;
	p1 =	sgt.u32 s5, $0x4;
	s5 =	simm.s32 $0x18280  }
0x9: {  	s8 =	smul.u32 $0x500, s6;
	s7 =	sor.u32 s6, s7;
	[smem:$0x7FF] =	sst s2  }
0xa: {  	s6 =	ssub.s32 $0x2, s6;
	s9 =	smul.u32 $0x180, s7;
	_ =	strace $0x80000047  }
0xb: {  	s10 =	sshrl.u32 s6, $0x1;
	p2 =	sne.s32 s7, $0x9;
	s7 =	simm.s32 $0x5  }
0xc: {  	s4 =	sadd.s32 s8, s4;
	s6 =	ssub.s32 s6, s10;
	s12 =	sadd.s32 $0x8800, s9  }
0xd: {  	s11 =	sshrl.u32 s9, $0x3;
	s14 =	sadd.s32 $0xB800, s9;
	s17 =	sadd.s32 $0x11800, s9  }
0xe: {  	s13 =	sshll.u32 s12, $0x4;
	s8 =	sshrl.u32 s12, $0x3;
	s15 =	sshll.u32 s14, $0x4  }
0xf: {  	s12 =	sadd.s32 $0xE800, s9;
	s10 =	sadd.s32 s0, s13;
	s8 =	sadd.s32 s3, s8  }
0x10: {  	s22 =	sadd.s32 s0, s15;
	s16 =	sshll.u32 s12, $0x4;
	[dreg:$0x16] =	wrdreg s10  }
0x11: {  	s25 =	sshrl.u32 s12, $0x3;
	[dreg:$0x17] =	wrdreg s8;
	s8 =	sadd.s32 s3, s11  }
0x12: {  	s10 =	sshrl.u32 s14, $0x3;
	s29 =	sadd.s32 s0, s16;
	s14 =	sshll.u32 s17, $0x4  }
0x13: {  	s11 =	sshrl.u32 s17, $0x3;
	s20 =	sadd.s32 $0x1110, s8;
	s21 =	sadd.s32 $0x1120, s8  }
0x14: {  	s23 =	sadd.s32 s3, s10;
	s24 =	sadd.s32 $0x1710, s8;
	s10 =	smin.u32 s9, $0xD20  }
0x15: {  	s9 =	sadd.s32 $0x14800, s9;
	s14 =	sadd.s32 s0, s14;
	s19 =	sadd.s32 $0x1720, s8  }
0x16: {  	s26 =	sadd.s32 s3, s11;
	s17 =	sadd.s32 $0x2320, s8;
	[dreg:$0x5] =	wrdreg s14  }
0x17: {  	s13 =	sadd.s32 $0x17800, s10;
	s15 =	sshll.u32 s9, $0x4;
	[dreg:$0x8] =	wrdreg s19  }
0x18: {  	[dreg:$0xa] =	wrdreg s26;
	s9 =	sshrl.u32 s9, $0x3;
	s12 =	sshrl.u32 s10, $0x3  }
0x19: {  	s14 =	sadd.s32 $0x1D10, s8;
	[dreg:$0x10] =	wrdreg s17;
	s19 =	sadd.s32 $0x2920, s8  }
0x1a: {  	s26 =	sadd.s32 $0x800, s4;
	s4 =	simm.s32 $0x18200;
	[dreg:$0xd] =	wrdreg s14  }
0x1b: {  	s16 =	sshll.u32 s13, $0x4;
	s18 =	sadd.s32 s0, s15;
	[dreg:$0x12] =	wrdreg s19  }
0x1c: {  	s11 =	sshrl.u32 s13, $0x3;
	s13 =	sadd.s32 s3, s12;
	[dreg:$0x15] =	wrdreg s26  }
0x1d: {  	s15 =	sadd.s32 $0x1D20, s8;
	s26 =	simm.s32 $0x80;
	[dreg:$0x6] =	wrdreg s18  }
0x1e: {  	s12 =	simm.s32 $0x6;
	s0 =	sadd.s32 s0, s16;
	[dreg:$0xe] =	wrdreg s15  }
0x1f: {  	s14 =	simm.s32 $0x0;
	s16 =	sadd.s32 $0x2310, s8;
	[dreg:$0x7] =	wrdreg s0  }
0x20: {  	s19 =	simm.s32 $0x8000;
	s18 =	sadd.s32 $0x2910, s8;
	[dreg:$0xf] =	wrdreg s16  }
0x21: {  	s8 =	simm.s32 $0x2;
	s0 =	sadd.s32 s3, s25;
	[dreg:$0x11] =	wrdreg s18  }
0x22: {  	s25 =	sadd.s32 $0x2F10, s13;
	s18 =	simm.s32 $0x1;
	[dreg:$0x9] =	wrdreg s0  }
.Ltmp0:
0x23: {  	s0 =	sadd.s32 s3, s9;
	[dreg:$0x13] =	wrdreg s25;
	(pc) =	sbr.rel .LBB2_1-.Ltmp0, $4  }
0x24: {  	s25 =	simm.s32 $0x3;
	s9 =	simm.s32 $0x4;
	[dreg:$0xb] =	wrdreg s0  }
0x25: {  	s0 =	sadd.s32 s3, s11;
	s11 =	smax.u32 s6, $0x1;
	s3 =	simm.s32 $0xC000  }
0x26: {  	s6 =	simm.s32 $0x18300;
	[dreg:$0xc] =	wrdreg s0;
	s0 =	sadd.s32 $0x2F20, s13  }
0x27: {  	v0 =	vimm.f32 $0.0e+00;
	s13 =	simm.s32 $0x14000;
	[dreg:$0x14] =	wrdreg s0;
	s0 =	simm.s32 $0x18100  }
.LBB2_6:
0x28: {  	s15 =	rddreg [dreg:$0x7]  }
0x29: {  	[tilespmem:s3], [sflag:$0x2] =	stream.linear.gather [hbm4b:s15+s2], $0xC000, $0x38;
	[tilespmem:$0x1AE80] =	vst v63  }
0x2a: {  	s17 =	rddreg [dreg:$0xc]  }
0x2b: {  	[tilespmem:s4], [sflag:$0x4] =	stream.linear.gather [hbm4b:s17+s2], $0x80, $0x38;
	[tilespmem:$0x1AE80] =	vst v63  }
0x2c: {  	s10 =	rddreg [dreg:$0x13]  }
0x2d: {  	[tilespmem:s5], [sflag:$0x4] =	stream.linear.gather [hbm4b:s10+s2], $0x80, $0x38;
	[tilespmem:$0x1AE80] =	vst v63  }
0x2e: {  	s17 =	rddreg [dreg:$0x14]  }
0x2f: {  	[tilespmem:s6], [sflag:$0x4] =	stream.linear.gather [hbm4b:s17+s2], $0x80, $0x38;
	[tilespmem:$0x1AE80] =	vst v63  }
0x30: {  	_ =	swait.ge [sflag:s7], $0x4000  }
0x31: {  	[sflag:s7] =	ssyncset.done $0x0  }
0x32: {  	[sflag:s7] =	ssyncadd.s32 $0xFFFFC000  }
0x33: {  	_ =	swait.ge [sflag:s7], $0x4000  }
0x34: {  	[sflag:s7] =	ssyncset.done $0x0  }
0x35: {  	[sflag:s7] =	ssyncadd.s32 $0xFFFFC000  }
0x36: {  	_ =	swait.ge [sflag:s7], $0x4000  }
0x37: {  	[sflag:s7] =	ssyncset.done $0x0  }
0x38: {  	[sflag:s7] =	ssyncadd.s32 $0xFFFFC000  }
0x39: {  	_ =	swait.ge [sflag:s8], $0xC000  }
0x3a: {  	[sflag:s8] =	ssyncset.done $0x0  }
0x3b: {  	[sflag:s8] =	ssyncadd.s32 $0xFFFF4000  }
0x3c: {  	_ =	swait.ge [sflag:s9], $0x80  }
0x3d: {  	[sflag:s9] =	ssyncset.done $0x0  }
0x3e: {  	[sflag:s9] =	ssyncadd.s32 $0xFFFFFF80  }
0x3f: {  	_ =	swait.ge [sflag:s9], $0x80  }
0x40: {  	[sflag:s9] =	ssyncset.done $0x0  }
0x41: {  	[sflag:s9] =	ssyncadd.s32 $0xFFFFFF80  }
0x42: {  	_ =	swait.ge [sflag:s9], $0x80  }
0x43: {  	[sflag:s9] =	ssyncset.done $0x0  }
0x44: {  	v1 =	vimm.s32 @!p2 $0x40;
	[sflag:s9] =	ssyncadd.s32 $0xFFFFFF80  }
0x45: {  	[tilespmem:$0x18200] =	vst @!p2 v1  }
0x46: {  	[tilespmem:$0x18210] =	vst @!p2 v1  }
0x47: {  	[tilespmem:$0x18220] =	vst @!p2 v1  }
0x48: {  	[tilespmem:$0x18230] =	vst @!p2 v1  }
0x49: {  	[tilespmem:$0x18240] =	vst @!p2 v1  }
0x4a: {  	[tilespmem:$0x18250] =	vst @!p2 v1  }
0x4b: {  	[spmem:s1] =	stream.indirect.scatter.add.f32 [tilespmem:s3], [sflag:$0x6], $0x80, s4, s26, $0xb8;
	[tilespmem:$0x1AE80] =	vst v63  }
0x4c: {  	_ = 	snop  }
0x4d: {  	[spmem:s1] =	stream.indirect.scatter.add.f32 [tilespmem:s16], [sflag:$0x6], $0x80, s5, s26, $0xb8;
	[tilespmem:$0x1AE80] =	vst v63  }
0x4e: {  	_ = 	snop  }
0x4f: {  	[spmem:s1] =	stream.indirect.scatter.add.f32 [tilespmem:s13], [sflag:$0x6], $0x80, s6, s26, $0xb8;
	[tilespmem:$0x1AE80] =	vst v63  }
0x50: {  	_ =	swait.ge [sflag:s12], $0x4000  }
0x51: {  	[sflag:s12] =	ssyncset.done $0x0  }
0x52: {  	[sflag:s12] =	ssyncadd.s32 $0xFFFFC000  }
0x53: {  	_ =	swait.ge [sflag:s12], $0x4000  }
0x54: {  	[sflag:s12] =	ssyncset.done $0x0  }
0x55: {  	[sflag:s12] =	ssyncadd.s32 $0xFFFFC000  }
0x56: {  	_ =	swait.ge [sflag:s12], $0x4000  }
0x57: {  	s28 =	smov.u32 s11;
	[sflag:s12] =	ssyncset.done $0x0  }
0x58: {  	s21 =	smov.u32 s21;
	s15 =	simm.s32 @!p0 $0x18400;
	[sflag:s12] =	ssyncadd.s32 $0xFFFFC000  }
0x59: {  	s21 =	smov.u32 s21;
	s16 =	simm.s32 @!p0 $0x7;
	[bflag:$0x0] =	sbarrier.arrive $0xFFFF  }
0x5a: {  	[tilespmem:s15], [sflag:$0x7] =	stream.linear.gather @!p0 [spmem:s1], $0x2800, $0x38;
	[tilespmem:$0x1AE80] =	vst v63  }
0x5b: {  	s10 =	smov.u32 s29;
	s29 =	smov.u32 s24;
	_ =	swait.ge @!p0 [sflag:s16], $0x2800  }
0x5c: {  	s24 =	smov.u32 s23;
	s23 =	smov.u32 s22;
	[sflag:s16] =	ssyncset.done @!p0 $0x0  }
0x5d: {  	s17 =	simm.s32 @!p0 $0x0;
	s11 =	rddreg [dreg:$0x15];
	[sflag:s16] =	ssyncadd.s32 @!p0 $0xFFFFD800  }
0x5e: {  	[hbm4b:s11+s17] =	stream.linear.scatter @!p0 [tilespmem:s15], [sflag:$0x7], $0x2800, $0x38;
	[tilespmem:$0x1AE80] =	vst v63  }
0x5f: {  	s22 =	smov.u32 s23;
	s23 =	smov.u32 s24;
	_ =	swait.ge @!p0 [sflag:s16], $0x2800  }
0x60: {  	s24 =	smov.u32 s29;
	s29 =	smov.u32 s10;
	[sflag:s16] =	ssyncset.done @!p0 $0x0  }
0x61: {  	s11 =	smov.u32 s28;
	s28 =	simm.s32 $0x4000;
	[sflag:s16] =	ssyncadd.s32 @!p0 $0xFFFFD800  }
.LBB2_7:
0x62: {  	s14 =	sadd.s32 $0x1, s14  }
0x63: {  	p3 =	sne.s32 s14, s11  }
.Ltmp1:
0x64: {  	_ = 	snop;
	(pc) =	sbr.rel @!p3 .LBB2_8-.Ltmp1, $1  }
0x65: {  	_ =	sdelay $0x3  }
.LBB2_1:
0x66: {  	s10 =	rddreg [dreg:$0x16]  }
0x67: {  	[tilespmem:s2], [sflag:$0x1] =	stream.linear.gather [hbm4b:s10+s2], $0xC000, $0x38;
	[tilespmem:$0x1AE80] =	vst v63  }
0x68: {  	s17 =	rddreg [dreg:$0x17]  }
0x69: {  	[tilespmem:s30], [sflag:$0x3] =	stream.linear.gather [hbm4b:s17+s2], $0x80, $0x38;
	[tilespmem:$0x1AE80] =	vst v63  }
.Ltmp2:
0x6a: {  	_ = 	snop;
	(pc) =	sbr.rel @p0 .LBB2_5-.Ltmp2, $4  }
0x6b: {  	_ = 	snop  }
0x6c: {  	[tilespmem:s31], [sflag:$0x3] =	stream.linear.gather [hbm4b:s20+s2], $0x80, $0x38;
	[tilespmem:$0x1AE80] =	vst v63  }
0x6d: {  	_ = 	snop  }
0x6e: {  	[tilespmem:s0], [sflag:$0x3] =	stream.linear.gather [hbm4b:s21+s2], $0x80, $0x38;
	[tilespmem:$0x1AE80] =	vst v63  }
0x6f: {  	s15 =	sshra.s32 s2, $0x2;
	s16 =	sadd.s32 $0x200, s2  }
.LBB2_3:
0x70: {  	p3 =	sne.s32 s16, $0x9E00;
	[tilespmem:s15+$0x18470] =	vst v0  }
0x71: {  	[tilespmem:s15+$0x18400] =	vst v0  }
0x72: {  	[tilespmem:s15+$0x18410] =	vst v0  }
.Ltmp3:
0x73: {  	[tilespmem:s15+$0x18420] =	vst v0;
	(pc) =	sbr.rel @p3 .LBB2_3-.Ltmp3, $4  }
0x74: {  	[tilespmem:s15+$0x18430] =	vst v0  }
0x75: {  	[tilespmem:s15+$0x18440] =	vst v0  }
0x76: {  	[tilespmem:s15+$0x18450] =	vst v0  }
0x77: {  	[tilespmem:s15+$0x18460] =	vst v0;
	s15 =	sshra.s32 s16, $0x2;
	s16 =	sadd.s32 $0x200, s16  }
0x78: {  	[tilespmem:s15+$0x18470] =	vst v0  }
0x79: {  	[tilespmem:s15+$0x18400] =	vst v0  }
0x7a: {  	[tilespmem:s15+$0x18410] =	vst v0  }
0x7b: {  	[tilespmem:s15+$0x18420] =	vst v0  }
0x7c: {  	[tilespmem:s15+$0x18430] =	vst v0  }
0x7d: {  	[tilespmem:s15+$0x18440] =	vst v0  }
0x7e: {  	[tilespmem:s15+$0x18450] =	vst v0  }
0x7f: {  	[tilespmem:s15+$0x18460] =	vst v0;
	s10 =	simm.s32 $0x18400;
	s17 =	simm.s32 $0x7  }
0x80: {  	[spmem:s1] =	stream.linear.scatter [tilespmem:s10], [sflag:$0x7], $0x2800, $0x38;
	[tilespmem:$0x1AE80] =	vst v63  }
0x81: {  	_ =	swait.ge [sflag:s17], $0x2800  }
0x82: {  	[sflag:s17] =	ssyncset.done $0x0  }
0x83: {  	[sflag:s17] =	ssyncadd.s32 $0xFFFFD800  }
.LBB2_5:
0x84: {  	[bflag:$0x0] =	sbarrier.arrive $0xFFFF  }
0x85: {  	_ =	swait.ge [sflag:s18], $0xC000  }
0x86: {  	[sflag:s18] =	ssyncset.done $0x0  }
0x87: {  	[sflag:s18] =	ssyncadd.s32 $0xFFFF4000  }
0x88: {  	_ =	swait.ge [sflag:s25], $0x80  }
0x89: {  	[sflag:s25] =	ssyncset.done $0x0  }
0x8a: {  	[sflag:s25] =	ssyncadd.s32 $0xFFFFFF80  }
0x8b: {  	_ =	swait.ge [sflag:s25], $0x80  }
0x8c: {  	[sflag:s25] =	ssyncset.done $0x0  }
0x8d: {  	[sflag:s25] =	ssyncadd.s32 $0xFFFFFF80  }
0x8e: {  	_ =	swait.ge [sflag:s25], $0x80  }
0x8f: {  	[sflag:s25] =	ssyncset.done $0x0  }
0x90: {  	[sflag:s25] =	ssyncadd.s32 $0xFFFFFF80  }
0x91: {  	[spmem:s1] =	stream.indirect.scatter.add.f32 [tilespmem:s2], [sflag:$0x5], $0x80, s30, s26, $0xb8;
	[tilespmem:$0x1AE80] =	vst v63  }
0x92: {  	_ = 	snop  }
0x93: {  	[spmem:s1] =	stream.indirect.scatter.add.f32 [tilespmem:s28], [sflag:$0x5], $0x80, s31, s26, $0xb8;
	[tilespmem:$0x1AE80] =	vst v63  }
0x94: {  	_ = 	snop  }
0x95: {  	[spmem:s1] =	stream.indirect.scatter.add.f32 [tilespmem:s19], [sflag:$0x5], $0x80, s0, s26, $0xb8;
	[tilespmem:$0x1AE80] =	vst v63  }
0x96: {  	_ = 	snop  }
0x97: {  	[tilespmem:s3], [sflag:$0x2] =	stream.linear.gather [hbm4b:s22+s2], $0xC000, $0x38;
	[tilespmem:$0x1AE80] =	vst v63  }
0x98: {  	_ = 	snop  }
0x99: {  	[tilespmem:s4], [sflag:$0x4] =	stream.linear.gather [hbm4b:s23+s2], $0x80, $0x38;
	[tilespmem:$0x1AE80] =	vst v63  }
0x9a: {  	_ = 	snop  }
0x9b: {  	[tilespmem:s5], [sflag:$0x4] =	stream.linear.gather [hbm4b:s24+s2], $0x80, $0x38;
	[tilespmem:$0x1AE80] =	vst v63  }
0x9c: {  	s10 =	rddreg [dreg:$0x8]  }
0x9d: {  	[tilespmem:s6], [sflag:$0x4] =	stream.linear.gather [hbm4b:s10+s2], $0x80, $0x38;
	[tilespmem:$0x1AE80] =	vst v63  }
0x9e: {  	_ =	swait.ge [sflag:s7], $0x4000  }
0x9f: {  	[sflag:s7] =	ssyncset.done $0x0  }
0xa0: {  	[sflag:s7] =	ssyncadd.s32 $0xFFFFC000  }
0xa1: {  	_ =	swait.ge [sflag:s7], $0x4000  }
0xa2: {  	[sflag:s7] =	ssyncset.done $0x0  }
0xa3: {  	[sflag:s7] =	ssyncadd.s32 $0xFFFFC000  }
0xa4: {  	_ =	swait.ge [sflag:s7], $0x4000  }
0xa5: {  	[sflag:s7] =	ssyncset.done $0x0  }
0xa6: {  	[sflag:s7] =	ssyncadd.s32 $0xFFFFC000  }
0xa7: {  	_ =	swait.ge [sflag:s8], $0xC000  }
0xa8: {  	[sflag:s8] =	ssyncset.done $0x0  }
0xa9: {  	[sflag:s8] =	ssyncadd.s32 $0xFFFF4000  }
0xaa: {  	_ =	swait.ge [sflag:s9], $0x80  }
0xab: {  	[sflag:s9] =	ssyncset.done $0x0  }
0xac: {  	[sflag:s9] =	ssyncadd.s32 $0xFFFFFF80  }
0xad: {  	_ =	swait.ge [sflag:s9], $0x80  }
0xae: {  	[sflag:s9] =	ssyncset.done $0x0  }
0xaf: {  	[sflag:s9] =	ssyncadd.s32 $0xFFFFFF80  }
0xb0: {  	_ =	swait.ge [sflag:s9], $0x80  }
0xb1: {  	[sflag:s9] =	ssyncset.done $0x0  }
0xb2: {  	[sflag:s9] =	ssyncadd.s32 $0xFFFFFF80  }
0xb3: {  	[spmem:s1] =	stream.indirect.scatter.add.f32 [tilespmem:s3], [sflag:$0x6], $0x80, s4, s26, $0xb8;
	[tilespmem:$0x1AE80] =	vst v63  }
0xb4: {  	s15 =	simm.s32 $0x10000  }
0xb5: {  	[spmem:s1] =	stream.indirect.scatter.add.f32 [tilespmem:s15], [sflag:$0x6], $0x80, s5, s26, $0xb8;
	[tilespmem:$0x1AE80] =	vst v63  }
0xb6: {  	s17 =	simm.s32 $0x14000  }
0xb7: {  	[spmem:s1] =	stream.indirect.scatter.add.f32 [tilespmem:s17], [sflag:$0x6], $0x80, s6, s26, $0xb8;
	[tilespmem:$0x1AE80] =	vst v63  }
0xb8: {  	_ = 	snop  }
0xb9: {  	[tilespmem:s2], [sflag:$0x1] =	stream.linear.gather [hbm4b:s29+s2], $0xC000, $0x38;
	[tilespmem:$0x1AE80] =	vst v63  }
0xba: {  	s16 =	rddreg [dreg:$0x9]  }
0xbb: {  	[tilespmem:s30], [sflag:$0x3] =	stream.linear.gather [hbm4b:s16+s2], $0x80, $0x38;
	[tilespmem:$0x1AE80] =	vst v63  }
0xbc: {  	s16 =	rddreg [dreg:$0xd]  }
0xbd: {  	[tilespmem:s31], [sflag:$0x3] =	stream.linear.gather [hbm4b:s16+s2], $0x80, $0x38;
	[tilespmem:$0x1AE80] =	vst v63  }
0xbe: {  	s16 =	rddreg [dreg:$0xe]  }
0xbf: {  	[tilespmem:s0], [sflag:$0x3] =	stream.linear.gather [hbm4b:s16+s2], $0x80, $0x38;
	[tilespmem:$0x1AE80] =	vst v63  }
0xc0: {  	_ =	swait.ge [sflag:s12], $0x4000  }
0xc1: {  	[sflag:s12] =	ssyncset.done $0x0  }
0xc2: {  	[sflag:s12] =	ssyncadd.s32 $0xFFFFC000  }
0xc3: {  	_ =	swait.ge [sflag:s12], $0x4000  }
0xc4: {  	[sflag:s12] =	ssyncset.done $0x0  }
0xc5: {  	[sflag:s12] =	ssyncadd.s32 $0xFFFFC000  }
0xc6: {  	_ =	swait.ge [sflag:s12], $0x4000  }
0xc7: {  	[sflag:s12] =	ssyncset.done $0x0  }
0xc8: {  	[sflag:s12] =	ssyncadd.s32 $0xFFFFC000  }
0xc9: {  	_ =	swait.ge [sflag:s18], $0xC000  }
0xca: {  	[sflag:s18] =	ssyncset.done $0x0  }
0xcb: {  	[sflag:s18] =	ssyncadd.s32 $0xFFFF4000  }
0xcc: {  	_ =	swait.ge [sflag:s25], $0x80  }
0xcd: {  	[sflag:s25] =	ssyncset.done $0x0  }
0xce: {  	[sflag:s25] =	ssyncadd.s32 $0xFFFFFF80  }
0xcf: {  	_ =	swait.ge [sflag:s25], $0x80  }
0xd0: {  	[sflag:s25] =	ssyncset.done $0x0  }
0xd1: {  	[sflag:s25] =	ssyncadd.s32 $0xFFFFFF80  }
0xd2: {  	_ =	swait.ge [sflag:s25], $0x80  }
0xd3: {  	[sflag:s25] =	ssyncset.done $0x0  }
0xd4: {  	[sflag:s25] =	ssyncadd.s32 $0xFFFFFF80  }
0xd5: {  	[spmem:s1] =	stream.indirect.scatter.add.f32 [tilespmem:s2], [sflag:$0x5], $0x80, s30, s26, $0xb8;
	[tilespmem:$0x1AE80] =	vst v63  }
0xd6: {  	_ = 	snop  }
0xd7: {  	[spmem:s1] =	stream.indirect.scatter.add.f32 [tilespmem:s28], [sflag:$0x5], $0x80, s31, s26, $0xb8;
	[tilespmem:$0x1AE80] =	vst v63  }
0xd8: {  	_ = 	snop  }
0xd9: {  	[spmem:s1] =	stream.indirect.scatter.add.f32 [tilespmem:s19], [sflag:$0x5], $0x80, s0, s26, $0xb8;
	[tilespmem:$0x1AE80] =	vst v63  }
0xda: {  	s16 =	rddreg [dreg:$0x5]  }
0xdb: {  	[tilespmem:s3], [sflag:$0x2] =	stream.linear.gather [hbm4b:s16+s2], $0xC000, $0x38;
	[tilespmem:$0x1AE80] =	vst v63  }
0xdc: {  	s16 =	rddreg [dreg:$0xa]  }
0xdd: {  	[tilespmem:s4], [sflag:$0x4] =	stream.linear.gather [hbm4b:s16+s2], $0x80, $0x38;
	[tilespmem:$0x1AE80] =	vst v63  }
0xde: {  	s16 =	rddreg [dreg:$0xf]  }
0xdf: {  	[tilespmem:s5], [sflag:$0x4] =	stream.linear.gather [hbm4b:s16+s2], $0x80, $0x38;
	[tilespmem:$0x1AE80] =	vst v63  }
0xe0: {  	s16 =	rddreg [dreg:$0x10]  }
0xe1: {  	[tilespmem:s6], [sflag:$0x4] =	stream.linear.gather [hbm4b:s16+s2], $0x80, $0x38;
	[tilespmem:$0x1AE80] =	vst v63  }
0xe2: {  	_ =	swait.ge [sflag:s7], $0x4000  }
0xe3: {  	[sflag:s7] =	ssyncset.done $0x0  }
0xe4: {  	[sflag:s7] =	ssyncadd.s32 $0xFFFFC000  }
0xe5: {  	_ =	swait.ge [sflag:s7], $0x4000  }
0xe6: {  	[sflag:s7] =	ssyncset.done $0x0  }
0xe7: {  	[sflag:s7] =	ssyncadd.s32 $0xFFFFC000  }
0xe8: {  	_ =	swait.ge [sflag:s7], $0x4000  }
0xe9: {  	[sflag:s7] =	ssyncset.done $0x0  }
0xea: {  	[sflag:s7] =	ssyncadd.s32 $0xFFFFC000  }
0xeb: {  	_ =	swait.ge [sflag:s8], $0xC000  }
0xec: {  	[sflag:s8] =	ssyncset.done $0x0  }
0xed: {  	[sflag:s8] =	ssyncadd.s32 $0xFFFF4000  }
0xee: {  	_ =	swait.ge [sflag:s9], $0x80  }
0xef: {  	[sflag:s9] =	ssyncset.done $0x0  }
0xf0: {  	[sflag:s9] =	ssyncadd.s32 $0xFFFFFF80  }
0xf1: {  	_ =	swait.ge [sflag:s9], $0x80  }
0xf2: {  	[sflag:s9] =	ssyncset.done $0x0  }
0xf3: {  	[sflag:s9] =	ssyncadd.s32 $0xFFFFFF80  }
0xf4: {  	_ =	swait.ge [sflag:s9], $0x80  }
0xf5: {  	[sflag:s9] =	ssyncset.done $0x0  }
0xf6: {  	[sflag:s9] =	ssyncadd.s32 $0xFFFFFF80  }
0xf7: {  	[spmem:s1] =	stream.indirect.scatter.add.f32 [tilespmem:s3], [sflag:$0x6], $0x80, s4, s26, $0xb8;
	[tilespmem:$0x1AE80] =	vst v63  }
0xf8: {  	_ = 	snop  }
0xf9: {  	[spmem:s1] =	stream.indirect.scatter.add.f32 [tilespmem:s15], [sflag:$0x6], $0x80, s5, s26, $0xb8;
	[tilespmem:$0x1AE80] =	vst v63  }
0xfa: {  	_ = 	snop  }
0xfb: {  	[spmem:s1] =	stream.indirect.scatter.add.f32 [tilespmem:s17], [sflag:$0x6], $0x80, s6, s26, $0xb8;
	[tilespmem:$0x1AE80] =	vst v63  }
0xfc: {  	s15 =	rddreg [dreg:$0x6]  }
0xfd: {  	[tilespmem:s2], [sflag:$0x1] =	stream.linear.gather [hbm4b:s15+s2], $0xC000, $0x38;
	[tilespmem:$0x1AE80] =	vst v63  }
0xfe: {  	s17 =	rddreg [dreg:$0xb]  }
0xff: {  	[tilespmem:s30], [sflag:$0x3] =	stream.linear.gather [hbm4b:s17+s2], $0x80, $0x38;
	[tilespmem:$0x1AE80] =	vst v63  }
0x100: {  	s15 =	rddreg [dreg:$0x11]  }
0x101: {  	[tilespmem:s31], [sflag:$0x3] =	stream.linear.gather [hbm4b:s15+s2], $0x80, $0x38;
	[tilespmem:$0x1AE80] =	vst v63  }
0x102: {  	s17 =	rddreg [dreg:$0x12]  }
0x103: {  	[tilespmem:s0], [sflag:$0x3] =	stream.linear.gather [hbm4b:s17+s2], $0x80, $0x38;
	[tilespmem:$0x1AE80] =	vst v63  }
0x104: {  	_ =	swait.ge [sflag:s12], $0x4000  }
0x105: {  	[sflag:s12] =	ssyncset.done $0x0  }
0x106: {  	[sflag:s12] =	ssyncadd.s32 $0xFFFFC000  }
0x107: {  	_ =	swait.ge [sflag:s12], $0x4000  }
0x108: {  	[sflag:s12] =	ssyncset.done $0x0  }
0x109: {  	[sflag:s12] =	ssyncadd.s32 $0xFFFFC000  }
0x10a: {  	_ =	swait.ge [sflag:s12], $0x4000  }
0x10b: {  	[sflag:s12] =	ssyncset.done $0x0  }
0x10c: {  	[sflag:s12] =	ssyncadd.s32 $0xFFFFC000  }
0x10d: {  	_ =	swait.ge [sflag:s18], $0xC000  }
0x10e: {  	[sflag:s18] =	ssyncset.done $0x0  }
0x10f: {  	[sflag:s18] =	ssyncadd.s32 $0xFFFF4000  }
0x110: {  	_ =	swait.ge [sflag:s25], $0x80  }
0x111: {  	[sflag:s25] =	ssyncset.done $0x0  }
0x112: {  	[sflag:s25] =	ssyncadd.s32 $0xFFFFFF80  }
0x113: {  	_ =	swait.ge [sflag:s25], $0x80  }
0x114: {  	[sflag:s25] =	ssyncset.done $0x0  }
0x115: {  	[sflag:s25] =	ssyncadd.s32 $0xFFFFFF80  }
0x116: {  	_ =	swait.ge [sflag:s25], $0x80  }
0x117: {  	[sflag:s25] =	ssyncset.done $0x0  }
0x118: {  	[sflag:s25] =	ssyncadd.s32 $0xFFFFFF80  }
0x119: {  	[spmem:s1] =	stream.indirect.scatter.add.f32 [tilespmem:s2], [sflag:$0x5], $0x80, s30, s26, $0xb8;
	[tilespmem:$0x1AE80] =	vst v63  }
.Ltmp4:
0x11a: {  	_ = 	snop;
	(pc) =	sbr.rel @!p1 .LBB2_6-.Ltmp4, $4  }
0x11b: {  	_ = 	snop  }
0x11c: {  	[spmem:s1] =	stream.indirect.scatter.add.f32 [tilespmem:s28], [sflag:$0x5], $0x80, s31, s26, $0xb8;
	[tilespmem:$0x1AE80] =	vst v63  }
0x11d: {  	s16 =	simm.s32 $0x10000  }
0x11e: {  	[spmem:s1] =	stream.indirect.scatter.add.f32 [tilespmem:s19], [sflag:$0x5], $0x80, s0, s26, $0xb8;
	[tilespmem:$0x1AE80] =	vst v63  }
0x11f: {  	_ =	swait.ge [sflag:s7], $0x4000  }
0x120: {  	[sflag:s7] =	ssyncset.done $0x0  }
0x121: {  	[sflag:s7] =	ssyncadd.s32 $0xFFFFC000  }
0x122: {  	_ =	swait.ge [sflag:s7], $0x4000  }
0x123: {  	[sflag:s7] =	ssyncset.done $0x0  }
0x124: {  	[sflag:s7] =	ssyncadd.s32 $0xFFFFC000  }
.Ltmp5:
0x125: {  	_ =	swait.ge [sflag:s7], $0x4000;
	(pc) =	sbr.rel .LBB2_7-.Ltmp5, $3  }
0x126: {  	[sflag:s7] =	ssyncset.done $0x0  }
0x127: {  	[sflag:s7] =	ssyncadd.s32 $0xFFFFC000  }
0x128: {  	[bflag:$0x0] =	sbarrier.arrive $0xFFFF;
	_ =	sdelay $0x1  }
.LBB2_8:
0x129: {  	_ =	sfence.sel $0x180000  }
0x12a: {  	[bflag:$0x0] =	sbarrier.arrive $0xFFFF  }
0x12b: {  	_ =	strace $0x90000047  }
0x12c: {  	[bflag:$0x2] =	sbarrier.arrive $0xFFFF  }
0x12d: {  	s0 =	rddreg [dreg:$0x4]  }
0x12e: {  	s0 =	sadd.s32 @!p0 $0x100000, s0  }
0x12f: {  	[sflag:s0] =	ssyncadd.tile.s32 @!p0 $0x1;
	_ =	shalt  }
.Lfunc_end2:
_tile_overlayer_lowered:
.L_overlay_start_2:
0x130: {  	(tag) =	ssettag $0x2  }
0x131: {  	s0 =	rddreg [dreg:$0x0];
	s2 =	stileid.u32  }
0x132: {  	s1 =	rddreg [dreg:$0x1];
	p0 =	sne.s32 s2, $0x0  }
0x133: {  	s3 =	rddreg [dreg:$0x2];
	[bflag:$0x3] =	sbarrier.arrive $0xFFFF;
	s2 =	simm.s32 @!p0 $0x1C07  }
0x134: {  	[timem:s3], [sflag:s2] =	dma.local @!p0 [hbm:s0], s1  }
0x135: {  	s0 =	simm.s32 @!p0 $0x7  }
0x136: {  	_ =	swait.ge @!p0 [sflag:s0], s1  }
0x137: {  	s1 =	ssub.s32 @!p0 $0x0, s1;
	[sflag:s0] =	ssyncset.done @!p0 $0x0  }
0x138: {  	[sflag:s0] =	ssyncadd.s32 @!p0 s1  }
0x139: {  	[bflag:$0x3] =	sbarrier.arrive $0xFFFF  }
0x13a: {  	_ =	shalt  }

</sc_bundles>
